<compile_context>
chip_gen: v7x
topology: tpu7x:2x2x1
jax: 0.10.2.dev20260603
libtpu: 0.0.44.dev20260713+nightly
codegen_flags: <defaults>
</compile_context>

<pallas_src>
import functools

import jax
import jax.numpy as jnp
from jax import lax
from jax.experimental import pallas as pl
from jax.experimental.pallas import tpu as pltpu
from jax.experimental.pallas import tpu_sc as plsc

_BATCH, _SEQ, _D = 16384, 20, 64
_B = _BATCH * _SEQ
_NC, _NS = 2, 16
_NW = _NC * _NS
_BPW = _B // _NW
_G = 128
_NG = _BPW // _G
_NBUF = 8
_K = 4
_NT = _NG // _NBUF
_L = 16


def _make_lookup():
    mesh = plsc.VectorSubcoreMesh(core_axis_name="c", subcore_axis_name="s")

    @functools.partial(
        pl.kernel,
        mesh=mesh,
        out_type=jax.ShapeDtypeStruct((_B, _D), jnp.float32),
        scratch_types=[
            pltpu.VMEM((_NG, _G), jnp.int32),
            pltpu.VMEM((_NG, _G), jnp.int32),
            pltpu.VMEM((_NBUF, _G, _D), jnp.float32),
            pltpu.SemaphoreType.DMA((_NBUF,)),
            pltpu.SemaphoreType.DMA((_NBUF,)),
        ],
        compiler_params=pltpu.CompilerParams(use_tc_tiling_on_sc=False),
    )
    def lookup(ids_hbm, table_hbm, out_hbm, idx_v, jdx_v, rows_v, gsem, osem):
        wid = lax.axis_index("s") * _NC + lax.axis_index("c")
        base = wid * _BPW
        pltpu.sync_copy(ids_hbm.at[wid], idx_v)

        def fill_jdx_loop(g, carry):
            def inner(u, c):
                jt = base + g * _G + u * _L + lax.iota(jnp.int32, _L)
                b = jnp.bitwise_and(jt, _BATCH - 1)
                s = jnp.right_shift(jt, 14)
                jdx_v[g, pl.ds(u * _L, _L)] = b * _SEQ + s
                return c
            return lax.fori_loop(0, _G // _L, inner, carry)

        lax.fori_loop(0, _NG, fill_jdx_loop, 0)

        def start_gather(g, b):
            pltpu.make_async_copy(
                table_hbm.at[idx_v.at[g]], rows_v.at[b], gsem.at[b]).start()

        def wait_gather(b):
            pltpu.make_async_copy(
                table_hbm.at[pl.ds(0, _G)], rows_v.at[b], gsem.at[b]).wait()

        def start_out(g, b):
            pltpu.make_async_copy(
                rows_v.at[b], out_hbm.at[jdx_v.at[g]], osem.at[b]).start()

        def wait_out(b):
            pltpu.make_async_copy(
                rows_v.at[b], out_hbm.at[pl.ds(0, _G)], osem.at[b]).wait()

        for b in range(_K):
            start_gather(b, b)

        for b in range(_NBUF):
            wait_gather(b)
            start_out(b, b)
            s4 = (b + _K) % _NBUF
            if b < _K:
                start_gather(b + _K, s4)
            else:
                wait_out(s4)
                start_gather(b + _K, s4)

        def revolution(t, carry):
            for b in range(_NBUF):
                g = t * _NBUF + b
                wait_gather(b)
                start_out(g, b)
                s4 = (b + _K) % _NBUF
                wait_out(s4)
                start_gather(g + _K, s4)
            return carry

        lax.fori_loop(1, _NT - 1, revolution, 0)

        for b in range(_NBUF):
            g = (_NT - 1) * _NBUF + b
            wait_gather(b)
            start_out(g, b)
            if b < _K:
                s4 = (b + _K) % _NBUF
                wait_out(s4)
                start_gather(g + _K, s4)

        for b in range(_NBUF):
            wait_out(b)

    return lookup


_lookup = _make_lookup()


def kernel(input_ids, W):
    ids_t = jnp.transpose(input_ids).astype(jnp.int32)
    ids = ids_t.reshape(_NW, _NG, _G)
    out = _lookup(ids, W)
    return out.reshape(_BATCH, _SEQ, _D)

# --- scband reference (transcript-rebuilt; emitter-appended) ---
"""Pipeline reference for scband-semantic-embeddings-25271587570261 (READ-ONLY COPY).

The authoritative reference and input builder live on the scoring server;
editing this copy changes nothing except your own understanding.
"""

import jax, jax.numpy as jnp
import numpy as np

VOCAB_SIZE = 1000000
HIDDEN_SIZE = 64
PAD_TOKEN_ID = 0


def setup_inputs(seed: int = 0) -> dict:
    key = jax.random.key(seed)
    k_ids, k_w = jax.random.split(key, 2)
    input_ids = jax.random.randint(k_ids, (16384, 20), 0, VOCAB_SIZE, dtype=jnp.int64 if jax.config.jax_enable_x64 else jnp.int32)
    W = jax.random.normal(k_w, (VOCAB_SIZE, HIDDEN_SIZE), dtype=jnp.float32) * 0.02
    # padding row is conventionally zero-initialized in nn.Embedding with padding_idx
    W = W.at[PAD_TOKEN_ID].set(0.0)
    return {"input_ids": input_ids, "W": W}


def reference(input_ids, W):
    # SemanticEmbeddings.forward: inputs_embeds = word_embeddings(input_ids)
    # (token_type_embeddings is constructed in __init__ but unused in forward)
    inputs_embeds = jnp.take(W, input_ids, axis=0)
    return inputs_embeds

if __name__ == "__main__":
    import jax
    _d = setup_inputs()
    print(jax.jit(kernel)(*tuple(_d.values())))

</pallas_src>

<mosaic_0001>
#map = affine_map<(d0, d1) -> (0, 0, 0)>
#map1 = affine_map<(d0, d1) -> (0, 0)>
module attributes {stable_mosaic.version = 14 : i64} {
  func.func @lookup(%arg0: i32, %arg1: i32, %arg2: memref<32x80x128xi32, #tpu.memory_space<hbm>>, %arg3: memref<1000000x64xf32, #tpu.memory_space<hbm>>, %arg4: memref<327680x64xf32, #tpu.memory_space<hbm>>, %arg5: memref<80x128xi32, #tpu.memory_space<vmem>>, %arg6: memref<80x128xi32, #tpu.memory_space<vmem>>, %arg7: memref<8x128x64xf32, #tpu.memory_space<vmem>>, %arg8: memref<8x!tpu.dma_semaphore, #tpu.memory_space<semaphore_mem>>, %arg9: memref<8x!tpu.dma_semaphore, #tpu.memory_space<semaphore_mem>>) attributes {dimension_semantics = [#tpu.dimension_semantics<core_parallel>, #tpu.dimension_semantics<subcore_parallel>], iteration_bounds = array<i64: 2, 16>, scalar_prefetch = 0 : i64, scratch_operands = 5 : i64, tpu.core_type = #tpu.core_type<sc_vector_subcore>, window_params = [{transform_indices = #map}, {transform_indices = #map1}, {transform_indices = #map1}]} {
    %mul3A = arith.constant 2 : i32
    %mul3A_0 = arith.muli %arg1, %mul3A : i32
    %add3A = arith.addi %mul3A_0, %arg0 : i32
    %mul3A_1 = arith.constant 10240 : i32
    %mul3A_2 = arith.muli %add3A, %mul3A_1 : i32
    "tpu.region"() ({
      %run_scoped3A = tpu.sem_alloc : memref<!tpu.dma_semaphore, #tpu.memory_space<semaphore_mem>>
      %dma_start3A_1068 = arith.constant 0 : i32
      %dma_start3A_1069 = arith.constant 0 : i32
      %dma_start3A_1070 = tpu.memref_slice %arg2[%add3A, %dma_start3A_1068, %dma_start3A_1069] : memref<32x80x128xi32, #tpu.memory_space<hbm>> -> memref<1x80x128xi32, #tpu.memory_space<hbm>>
      %dma_start3A_1071 = tpu.memref_squeeze %dma_start3A_1070 : memref<1x80x128xi32, #tpu.memory_space<hbm>> -> memref<80x128xi32, #tpu.memory_space<hbm>>
      %dma_start3A_1072 = arith.constant 0 : i32
      %dma_start3A_1073 = arith.constant 0 : i32
      %dma_start3A_1074 = tpu.memref_slice %arg2[%add3A, %dma_start3A_1072, %dma_start3A_1073] : memref<32x80x128xi32, #tpu.memory_space<hbm>> -> memref<1x80x128xi32, #tpu.memory_space<hbm>>
      %dma_start3A_1075 = tpu.memref_squeeze %dma_start3A_1074 : memref<1x80x128xi32, #tpu.memory_space<hbm>> -> memref<80x128xi32, #tpu.memory_space<hbm>>
      tpu.enqueue_dma source(%dma_start3A_1075 : memref<80x128xi32, #tpu.memory_space<hbm>>) target(%arg5 : memref<80x128xi32, #tpu.memory_space<vmem>>) target_semaphore(%run_scoped3A : memref<!tpu.dma_semaphore, #tpu.memory_space<semaphore_mem>>)
      %dma_wait3A_1076 = arith.constant 0 : i32
      %dma_wait3A_1077 = arith.constant 0 : i32
      %dma_wait3A_1078 = tpu.memref_slice %arg2[%add3A, %dma_wait3A_1076, %dma_wait3A_1077] : memref<32x80x128xi32, #tpu.memory_space<hbm>> -> memref<1x80x128xi32, #tpu.memory_space<hbm>>
      %dma_wait3A_1079 = tpu.memref_squeeze %dma_wait3A_1078 : memref<1x80x128xi32, #tpu.memory_space<hbm>> -> memref<80x128xi32, #tpu.memory_space<hbm>>
      %dma_wait3A_1080 = arith.constant 0 : i32
      %dma_wait3A_1081 = arith.constant 0 : i32
      %dma_wait3A_1082 = tpu.memref_slice %arg2[%add3A, %dma_wait3A_1080, %dma_wait3A_1081] : memref<32x80x128xi32, #tpu.memory_space<hbm>> -> memref<1x80x128xi32, #tpu.memory_space<hbm>>
      %dma_wait3A_1083 = tpu.memref_squeeze %dma_wait3A_1082 : memref<1x80x128xi32, #tpu.memory_space<hbm>> -> memref<80x128xi32, #tpu.memory_space<hbm>>
      tpu.wait_dma2 semaphore(%run_scoped3A : memref<!tpu.dma_semaphore, #tpu.memory_space<semaphore_mem>>) src(%dma_wait3A_1083 : memref<80x128xi32, #tpu.memory_space<hbm>>) dst(%arg5 : memref<80x128xi32, #tpu.memory_space<vmem>>)
      tpu.yield
    }) : () -> ()
    %scan3A = arith.constant 0 : i32
    %scan3A_3 = arith.constant 0 : i32
    %scan3A_4 = arith.constant 80 : i32
    %scan3A_5 = arith.addi %scan3A_3, %scan3A_4 : i32
    %scan3A_6 = arith.constant 1 : i32
    scf.for %scan3A_1068 = %scan3A_3 to %scan3A_5 step %scan3A_6  : i32 {
      %scan3A_1069 = arith.constant 0 : i32
      %scan3A_1070 = arith.constant 8 : i32
      %scan3A_1071 = arith.addi %scan3A_1069, %scan3A_1070 : i32
      %scan3A_1072 = arith.constant 1 : i32
      scf.for %scan3A_1074 = %scan3A_1069 to %scan3A_1071 step %scan3A_1072  : i32 {
        %mul3A_1075 = arith.constant 128 : i32
        %mul3A_1076 = arith.muli %scan3A_1068, %mul3A_1075 : i32
        %add3A_1077 = arith.addi %mul3A_2, %mul3A_1076 : i32
        %mul3A_1078 = arith.constant 16 : i32
        %mul3A_1079 = arith.muli %scan3A_1074, %mul3A_1078 : i32
        %add3A_1080 = arith.addi %add3A_1077, %mul3A_1079 : i32
        %iota3A = tpu.iota {dimensions = array<i32: 0>} : vector<16xi32>
        %add3A_1081 = vector.broadcast %add3A_1080 : i32 to vector<16xi32>
        %add3A_1082 = arith.addi %add3A_1081, %iota3A : vector<16xi32>
        %and3A = arith.constant 16383 : i32
        %and3A_1083 = vector.broadcast %and3A : i32 to vector<16xi32>
        %and3A_1084 = arith.andi %add3A_1082, %and3A_1083 : vector<16xi32>
        %shift_right_arithmetic3A = arith.constant 14 : i32
        %shift_right_arithmetic3A_1085 = vector.broadcast %shift_right_arithmetic3A : i32 to vector<16xi32>
        %shift_right_arithmetic3A_1086 = arith.shrsi %add3A_1082, %shift_right_arithmetic3A_1085 : vector<16xi32>
        %mul3A_1087 = arith.constant 20 : i32
        %mul3A_1088 = vector.broadcast %mul3A_1087 : i32 to vector<16xi32>
        %mul3A_1089 = arith.muli %and3A_1084, %mul3A_1088 : vector<16xi32>
        %add3A_1090 = arith.addi %mul3A_1089, %shift_right_arithmetic3A_1086 : vector<16xi32>
        %mul3A_1091 = arith.constant 16 : i32
        %mul3A_1092 = arith.muli %scan3A_1074, %mul3A_1091 : i32
        %swap3A = arith.index_cast %scan3A_1068 : i32 to index
        %swap3A_1093 = arith.index_cast %mul3A_1092 : i32 to index
        %swap3A_1094 = tpu.vector_load %arg6[%swap3A, %swap3A_1093] {strides = array<i32>} : memref<80x128xi32, #tpu.memory_space<vmem>>, vector<1x16xi32>,
        %swap3A_1095 = vector.shape_cast %swap3A_1094 : vector<1x16xi32> to vector<16xi32>
        %swap3A_1096 = vector.shape_cast %add3A_1090 : vector<16xi32> to vector<1x16xi32>
        tpu.vector_store %arg6[%swap3A, %swap3A_1093], %swap3A_1096 {strides = array<i32>} : memref<80x128xi32, #tpu.memory_space<vmem>>, vector<1x16xi32>,
      }
      %scan3A_1073 = arith.constant 8 : i32
    }
    %scan3A_7 = arith.constant 80 : i32
    %dma_start3A = arith.constant 0 : i32
    %dma_start3A_8 = arith.constant 0 : i32
    %dma_start3A_9 = arith.constant 0 : i32
    %dma_start3A_10 = arith.constant 0 : i32
    %dma_start3A_11 = arith.constant 0 : i32
    %dma_start3A_12 = tpu.memref_slice %arg7[%dma_start3A_8, %dma_start3A_10, %dma_start3A_11] : memref<8x128x64xf32, #tpu.memory_space<vmem>> -> memref<1x128x64xf32, #tpu.memory_space<vmem>>
    %dma_start3A_13 = tpu.memref_squeeze %dma_start3A_12 : memref<1x128x64xf32, #tpu.memory_space<vmem>> -> memref<128x64xf32, #tpu.memory_space<vmem>>
    %dma_start3A_14 = arith.constant 0 : i32
    %dma_start3A_15 = tpu.memref_slice %arg5[%dma_start3A, %dma_start3A_14] : memref<80x128xi32, #tpu.memory_space<vmem>> -> memref<1x128xi32, #tpu.memory_space<vmem>>
    %dma_start3A_16 = tpu.memref_squeeze %dma_start3A_15 : memref<1x128xi32, #tpu.memory_space<vmem>> -> memref<128xi32, #tpu.memory_space<vmem>>
    %dma_start3A_17 = arith.constant 0 : i32
    %dma_start3A_18 = arith.constant 0 : i32
    %dma_start3A_19 = tpu.memref_slice %arg3[%dma_start3A_17, %dma_start3A_18] : memref<1000000x64xf32, #tpu.memory_space<hbm>> -> memref<1000000x64xf32, #tpu.memory_space<hbm>>
    %dma_start3A_20 = tpu.memref_slice %arg8[%dma_start3A_9] : memref<8x!tpu.dma_semaphore, #tpu.memory_space<semaphore_mem>> -> memref<1x!tpu.dma_semaphore, #tpu.memory_space<semaphore_mem>>
    %dma_start3A_21 = tpu.memref_squeeze %dma_start3A_20 : memref<1x!tpu.dma_semaphore, #tpu.memory_space<semaphore_mem>> -> memref<!tpu.dma_semaphore, #tpu.memory_space<semaphore_mem>>
    tpu.enqueue_indirect_dma source(%dma_start3A_19 : memref<1000000x64xf32, #tpu.memory_space<hbm>>) target(%dma_start3A_13 : memref<128x64xf32, #tpu.memory_space<vmem>>) offsets(%dma_start3A_16 : memref<128xi32, #tpu.memory_space<vmem>>) semaphore(%dma_start3A_21 : memref<!tpu.dma_semaphore, #tpu.memory_space<semaphore_mem>>)
    %dma_start3A_22 = arith.constant 1 : i32
    %dma_start3A_23 = arith.constant 1 : i32
    %dma_start3A_24 = arith.constant 1 : i32
    %dma_start3A_25 = arith.constant 0 : i32
    %dma_start3A_26 = arith.constant 0 : i32
    %dma_start3A_27 = tpu.memref_slice %arg7[%dma_start3A_23, %dma_start3A_25, %dma_start3A_26] : memref<8x128x64xf32, #tpu.memory_space<vmem>> -> memref<1x128x64xf32, #tpu.memory_space<vmem>>
    %dma_start3A_28 = tpu.memref_squeeze %dma_start3A_27 : memref<1x128x64xf32, #tpu.memory_space<vmem>> -> memref<128x64xf32, #tpu.memory_space<vmem>>
    %dma_start3A_29 = arith.constant 0 : i32
    %dma_start3A_30 = tpu.memref_slice %arg5[%dma_start3A_22, %dma_start3A_29] : memref<80x128xi32, #tpu.memory_space<vmem>> -> memref<1x128xi32, #tpu.memory_space<vmem>>
    %dma_start3A_31 = tpu.memref_squeeze %dma_start3A_30 : memref<1x128xi32, #tpu.memory_space<vmem>> -> memref<128xi32, #tpu.memory_space<vmem>>
    %dma_start3A_32 = arith.constant 0 : i32
    %dma_start3A_33 = arith.constant 0 : i32
    %dma_start3A_34 = tpu.memref_slice %arg3[%dma_start3A_32, %dma_start3A_33] : memref<1000000x64xf32, #tpu.memory_space<hbm>> -> memref<1000000x64xf32, #tpu.memory_space<hbm>>
    %dma_start3A_35 = tpu.memref_slice %arg8[%dma_start3A_24] : memref<8x!tpu.dma_semaphore, #tpu.memory_space<semaphore_mem>> -> memref<1x!tpu.dma_semaphore, #tpu.memory_space<semaphore_mem>>
    %dma_start3A_36 = tpu.memref_squeeze %dma_start3A_35 : memref<1x!tpu.dma_semaphore, #tpu.memory_space<semaphore_mem>> -> memref<!tpu.dma_semaphore, #tpu.memory_space<semaphore_mem>>
    tpu.enqueue_indirect_dma source(%dma_start3A_34 : memref<1000000x64xf32, #tpu.memory_space<hbm>>) target(%dma_start3A_28 : memref<128x64xf32, #tpu.memory_space<vmem>>) offsets(%dma_start3A_31 : memref<128xi32, #tpu.memory_space<vmem>>) semaphore(%dma_start3A_36 : memref<!tpu.dma_semaphore, #tpu.memory_space<semaphore_mem>>)
    %dma_start3A_37 = arith.constant 2 : i32
    %dma_start3A_38 = arith.constant 2 : i32
    %dma_start3A_39 = arith.constant 2 : i32
    %dma_start3A_40 = arith.constant 0 : i32
    %dma_start3A_41 = arith.constant 0 : i32
    %dma_start3A_42 = tpu.memref_slice %arg7[%dma_start3A_38, %dma_start3A_40, %dma_start3A_41] : memref<8x128x64xf32, #tpu.memory_space<vmem>> -> memref<1x128x64xf32, #tpu.memory_space<vmem>>
    %dma_start3A_43 = tpu.memref_squeeze %dma_start3A_42 : memref<1x128x64xf32, #tpu.memory_space<vmem>> -> memref<128x64xf32, #tpu.memory_space<vmem>>
    %dma_start3A_44 = arith.constant 0 : i32
    %dma_start3A_45 = tpu.memref_slice %arg5[%dma_start3A_37, %dma_start3A_44] : memref<80x128xi32, #tpu.memory_space<vmem>> -> memref<1x128xi32, #tpu.memory_space<vmem>>
    %dma_start3A_46 = tpu.memref_squeeze %dma_start3A_45 : memref<1x128xi32, #tpu.memory_space<vmem>> -> memref<128xi32, #tpu.memory_space<vmem>>
    %dma_start3A_47 = arith.constant 0 : i32
    %dma_start3A_48 = arith.constant 0 : i32
    %dma_start3A_49 = tpu.memref_slice %arg3[%dma_start3A_47, %dma_start3A_48] : memref<1000000x64xf32, #tpu.memory_space<hbm>> -> memref<1000000x64xf32, #tpu.memory_space<hbm>>
    %dma_start3A_50 = tpu.memref_slice %arg8[%dma_start3A_39] : memref<8x!tpu.dma_semaphore, #tpu.memory_space<semaphore_mem>> -> memref<1x!tpu.dma_semaphore, #tpu.memory_space<semaphore_mem>>
    %dma_start3A_51 = tpu.memref_squeeze %dma_start3A_50 : memref<1x!tpu.dma_semaphore, #tpu.memory_space<semaphore_mem>> -> memref<!tpu.dma_semaphore, #tpu.memory_space<semaphore_mem>>
    tpu.enqueue_indirect_dma source(%dma_start3A_49 : memref<1000000x64xf32, #tpu.memory_space<hbm>>) target(%dma_start3A_43 : memref<128x64xf32, #tpu.memory_space<vmem>>) offsets(%dma_start3A_46 : memref<128xi32, #tpu.memory_space<vmem>>) semaphore(%dma_start3A_51 : memref<!tpu.dma_semaphore, #tpu.memory_space<semaphore_mem>>)
    %dma_start3A_52 = arith.constant 3 : i32
    %dma_start3A_53 = arith.constant 3 : i32
    %dma_start3A_54 = arith.constant 3 : i32
    %dma_start3A_55 = arith.constant 0 : i32
    %dma_start3A_56 = arith.constant 0 : i32
    %dma_start3A_57 = tpu.memref_slice %arg7[%dma_start3A_53, %dma_start3A_55, %dma_start3A_56] : memref<8x128x64xf32, #tpu.memory_space<vmem>> -> memref<1x128x64xf32, #tpu.memory_space<vmem>>
    %dma_start3A_58 = tpu.memref_squeeze %dma_start3A_57 : memref<1x128x64xf32, #tpu.memory_space<vmem>> -> memref<128x64xf32, #tpu.memory_space<vmem>>
    %dma_start3A_59 = arith.constant 0 : i32
    %dma_start3A_60 = tpu.memref_slice %arg5[%dma_start3A_52, %dma_start3A_59] : memref<80x128xi32, #tpu.memory_space<vmem>> -> memref<1x128xi32, #tpu.memory_space<vmem>>
    %dma_start3A_61 = tpu.memref_squeeze %dma_start3A_60 : memref<1x128xi32, #tpu.memory_space<vmem>> -> memref<128xi32, #tpu.memory_space<vmem>>
    %dma_start3A_62 = arith.constant 0 : i32
    %dma_start3A_63 = arith.constant 0 : i32
    %dma_start3A_64 = tpu.memref_slice %arg3[%dma_start3A_62, %dma_start3A_63] : memref<1000000x64xf32, #tpu.memory_space<hbm>> -> memref<1000000x64xf32, #tpu.memory_space<hbm>>
    %dma_start3A_65 = tpu.memref_slice %arg8[%dma_start3A_54] : memref<8x!tpu.dma_semaphore, #tpu.memory_space<semaphore_mem>> -> memref<1x!tpu.dma_semaphore, #tpu.memory_space<semaphore_mem>>
    %dma_start3A_66 = tpu.memref_squeeze %dma_start3A_65 : memref<1x!tpu.dma_semaphore, #tpu.memory_space<semaphore_mem>> -> memref<!tpu.dma_semaphore, #tpu.memory_space<semaphore_mem>>
    tpu.enqueue_indirect_dma source(%dma_start3A_64 : memref<1000000x64xf32, #tpu.memory_space<hbm>>) target(%dma_start3A_58 : memref<128x64xf32, #tpu.memory_space<vmem>>) offsets(%dma_start3A_61 : memref<128xi32, #tpu.memory_space<vmem>>) semaphore(%dma_start3A_66 : memref<!tpu.dma_semaphore, #tpu.memory_space<semaphore_mem>>)
    %dma_wait3A = arith.constant 0 : i32
    %dma_wait3A_67 = arith.constant 0 : i32
    %dma_wait3A_68 = arith.constant 0 : i32
    %dma_wait3A_69 = arith.constant 0 : i32
    %dma_wait3A_70 = tpu.memref_slice %arg7[%dma_wait3A, %dma_wait3A_68, %dma_wait3A_69] : memref<8x128x64xf32, #tpu.memory_space<vmem>> -> memref<1x128x64xf32, #tpu.memory_space<vmem>>
    %dma_wait3A_71 = tpu.memref_squeeze %dma_wait3A_70 : memref<1x128x64xf32, #tpu.memory_space<vmem>> -> memref<128x64xf32, #tpu.memory_space<vmem>>
    %dma_wait3A_72 = arith.constant 0 : i32
    %dma_wait3A_73 = arith.constant 0 : i32
    %dma_wait3A_74 = tpu.memref_slice %arg3[%dma_wait3A_72, %dma_wait3A_73] : memref<1000000x64xf32, #tpu.memory_space<hbm>> -> memref<128x64xf32, #tpu.memory_space<hbm>>
    %dma_wait3A_75 = tpu.memref_slice %arg8[%dma_wait3A_67] : memref<8x!tpu.dma_semaphore, #tpu.memory_space<semaphore_mem>> -> memref<1x!tpu.dma_semaphore, #tpu.memory_space<semaphore_mem>>
    %dma_wait3A_76 = tpu.memref_squeeze %dma_wait3A_75 : memref<1x!tpu.dma_semaphore, #tpu.memory_space<semaphore_mem>> -> memref<!tpu.dma_semaphore, #tpu.memory_space<semaphore_mem>>
    %dma_wait3A_77 = arith.constant 0 : i32
    %dma_wait3A_78 = arith.constant 0 : i32
    %dma_wait3A_79 = tpu.memref_slice %arg7[%dma_wait3A, %dma_wait3A_77, %dma_wait3A_78] : memref<8x128x64xf32, #tpu.memory_space<vmem>> -> memref<1x128x64xf32, #tpu.memory_space<vmem>>
    %dma_wait3A_80 = tpu.memref_squeeze %dma_wait3A_79 : memref<1x128x64xf32, #tpu.memory_space<vmem>> -> memref<128x64xf32, #tpu.memory_space<vmem>>
    %dma_wait3A_81 = arith.constant 0 : i32
    %dma_wait3A_82 = arith.constant 0 : i32
    %dma_wait3A_83 = tpu.memref_slice %arg3[%dma_wait3A_81, %dma_wait3A_82] : memref<1000000x64xf32, #tpu.memory_space<hbm>> -> memref<128x64xf32, #tpu.memory_space<hbm>>
    tpu.wait_dma2 semaphore(%dma_wait3A_76 : memref<!tpu.dma_semaphore, #tpu.memory_space<semaphore_mem>>) src(%dma_wait3A_83 : memref<128x64xf32, #tpu.memory_space<hbm>>) dst(%dma_wait3A_80 : memref<128x64xf32, #tpu.memory_space<vmem>>)
    %dma_start3A_84 = arith.constant 0 : i32
    %dma_start3A_85 = arith.constant 0 : i32
    %dma_start3A_86 = arith.constant 0 : i32
    %dma_start3A_87 = arith.constant 0 : i32
    %dma_start3A_88 = arith.constant 0 : i32
    %dma_start3A_89 = tpu.memref_slice %arg7[%dma_start3A_84, %dma_start3A_87, %dma_start3A_88] : memref<8x128x64xf32, #tpu.memory_space<vmem>> -> memref<1x128x64xf32, #tpu.memory_space<vmem>>
    %dma_start3A_90 = tpu.memref_squeeze %dma_start3A_89 : memref<1x128x64xf32, #tpu.memory_space<vmem>> -> memref<128x64xf32, #tpu.memory_space<vmem>>
    %dma_start3A_91 = arith.constant 0 : i32
    %dma_start3A_92 = tpu.memref_slice %arg6[%dma_start3A_85, %dma_start3A_91] : memref<80x128xi32, #tpu.memory_space<vmem>> -> memref<1x128xi32, #tpu.memory_space<vmem>>
    %dma_start3A_93 = tpu.memref_squeeze %dma_start3A_92 : memref<1x128xi32, #tpu.memory_space<vmem>> -> memref<128xi32, #tpu.memory_space<vmem>>
    %dma_start3A_94 = arith.constant 0 : i32
    %dma_start3A_95 = arith.constant 0 : i32
    %dma_start3A_96 = tpu.memref_slice %arg4[%dma_start3A_94, %dma_start3A_95] : memref<327680x64xf32, #tpu.memory_space<hbm>> -> memref<327680x64xf32, #tpu.memory_space<hbm>>
    %dma_start3A_97 = tpu.memref_slice %arg9[%dma_start3A_86] : memref<8x!tpu.dma_semaphore, #tpu.memory_space<semaphore_mem>> -> memref<1x!tpu.dma_semaphore, #tpu.memory_space<semaphore_mem>>
    %dma_start3A_98 = tpu.memref_squeeze %dma_start3A_97 : memref<1x!tpu.dma_semaphore, #tpu.memory_space<semaphore_mem>> -> memref<!tpu.dma_semaphore, #tpu.memory_space<semaphore_mem>>
    tpu.enqueue_indirect_dma source(%dma_start3A_90 : memref<128x64xf32, #tpu.memory_space<vmem>>) target(%dma_start3A_96 : memref<327680x64xf32, #tpu.memory_space<hbm>>) offsets(%dma_start3A_93 : memref<128xi32, #tpu.memory_space<vmem>>) semaphore(%dma_start3A_98 : memref<!tpu.dma_semaphore, #tpu.memory_space<semaphore_mem>>)
    %dma_start3A_99 = arith.constant 4 : i32
    %dma_start3A_100 = arith.constant 4 : i32
    %dma_start3A_101 = arith.constant 4 : i32
    %dma_start3A_102 = arith.constant 0 : i32
    %dma_start3A_103 = arith.constant 0 : i32
    %dma_start3A_104 = tpu.memref_slice %arg7[%dma_start3A_100, %dma_start3A_102, %dma_start3A_103] : memref<8x128x64xf32, #tpu.memory_space<vmem>> -> memref<1x128x64xf32, #tpu.memory_space<vmem>>
    %dma_start3A_105 = tpu.memref_squeeze %dma_start3A_104 : memref<1x128x64xf32, #tpu.memory_space<vmem>> -> memref<128x64xf32, #tpu.memory_space<vmem>>
    %dma_start3A_106 = arith.constant 0 : i32
    %dma_start3A_107 = tpu.memref_slice %arg5[%dma_start3A_99, %dma_start3A_106] : memref<80x128xi32, #tpu.memory_space<vmem>> -> memref<1x128xi32, #tpu.memory_space<vmem>>
    %dma_start3A_108 = tpu.memref_squeeze %dma_start3A_107 : memref<1x128xi32, #tpu.memory_space<vmem>> -> memref<128xi32, #tpu.memory_space<vmem>>
    %dma_start3A_109 = arith.constant 0 : i32
    %dma_start3A_110 = arith.constant 0 : i32
    %dma_start3A_111 = tpu.memref_slice %arg3[%dma_start3A_109, %dma_start3A_110] : memref<1000000x64xf32, #tpu.memory_space<hbm>> -> memref<1000000x64xf32, #tpu.memory_space<hbm>>
    %dma_start3A_112 = tpu.memref_slice %arg8[%dma_start3A_101] : memref<8x!tpu.dma_semaphore, #tpu.memory_space<semaphore_mem>> -> memref<1x!tpu.dma_semaphore, #tpu.memory_space<semaphore_mem>>
    %dma_start3A_113 = tpu.memref_squeeze %dma_start3A_112 : memref<1x!tpu.dma_semaphore, #tpu.memory_space<semaphore_mem>> -> memref<!tpu.dma_semaphore, #tpu.memory_space<semaphore_mem>>
    tpu.enqueue_indirect_dma source(%dma_start3A_111 : memref<1000000x64xf32, #tpu.memory_space<hbm>>) target(%dma_start3A_105 : memref<128x64xf32, #tpu.memory_space<vmem>>) offsets(%dma_start3A_108 : memref<128xi32, #tpu.memory_space<vmem>>) semaphore(%dma_start3A_113 : memref<!tpu.dma_semaphore, #tpu.memory_space<semaphore_mem>>)
    %dma_wait3A_114 = arith.constant 1 : i32
    %dma_wait3A_115 = arith.constant 1 : i32
    %dma_wait3A_116 = arith.constant 0 : i32
    %dma_wait3A_117 = arith.constant 0 : i32
    %dma_wait3A_118 = tpu.memref_slice %arg7[%dma_wait3A_114, %dma_wait3A_116, %dma_wait3A_117] : memref<8x128x64xf32, #tpu.memory_space<vmem>> -> memref<1x128x64xf32, #tpu.memory_space<vmem>>
    %dma_wait3A_119 = tpu.memref_squeeze %dma_wait3A_118 : memref<1x128x64xf32, #tpu.memory_space<vmem>> -> memref<128x64xf32, #tpu.memory_space<vmem>>
    %dma_wait3A_120 = arith.constant 0 : i32
    %dma_wait3A_121 = arith.constant 0 : i32
    %dma_wait3A_122 = tpu.memref_slice %arg3[%dma_wait3A_120, %dma_wait3A_121] : memref<1000000x64xf32, #tpu.memory_space<hbm>> -> memref<128x64xf32, #tpu.memory_space<hbm>>
    %dma_wait3A_123 = tpu.memref_slice %arg8[%dma_wait3A_115] : memref<8x!tpu.dma_semaphore, #tpu.memory_space<semaphore_mem>> -> memref<1x!tpu.dma_semaphore, #tpu.memory_space<semaphore_mem>>
    %dma_wait3A_124 = tpu.memref_squeeze %dma_wait3A_123 : memref<1x!tpu.dma_semaphore, #tpu.memory_space<semaphore_mem>> -> memref<!tpu.dma_semaphore, #tpu.memory_space<semaphore_mem>>
    %dma_wait3A_125 = arith.constant 0 : i32
    %dma_wait3A_126 = arith.constant 0 : i32
    %dma_wait3A_127 = tpu.memref_slice %arg7[%dma_wait3A_114, %dma_wait3A_125, %dma_wait3A_126] : memref<8x128x64xf32, #tpu.memory_space<vmem>> -> memref<1x128x64xf32, #tpu.memory_space<vmem>>
    %dma_wait3A_128 = tpu.memref_squeeze %dma_wait3A_127 : memref<1x128x64xf32, #tpu.memory_space<vmem>> -> memref<128x64xf32, #tpu.memory_space<vmem>>
    %dma_wait3A_129 = arith.constant 0 : i32
    %dma_wait3A_130 = arith.constant 0 : i32
    %dma_wait3A_131 = tpu.memref_slice %arg3[%dma_wait3A_129, %dma_wait3A_130] : memref<1000000x64xf32, #tpu.memory_space<hbm>> -> memref<128x64xf32, #tpu.memory_space<hbm>>
    tpu.wait_dma2 semaphore(%dma_wait3A_124 : memref<!tpu.dma_semaphore, #tpu.memory_space<semaphore_mem>>) src(%dma_wait3A_131 : memref<128x64xf32, #tpu.memory_space<hbm>>) dst(%dma_wait3A_128 : memref<128x64xf32, #tpu.memory_space<vmem>>)
    %dma_start3A_132 = arith.constant 1 : i32
    %dma_start3A_133 = arith.constant 1 : i32
    %dma_start3A_134 = arith.constant 1 : i32
    %dma_start3A_135 = arith.constant 0 : i32
    %dma_start3A_136 = arith.constant 0 : i32
    %dma_start3A_137 = tpu.memref_slice %arg7[%dma_start3A_132, %dma_start3A_135, %dma_start3A_136] : memref<8x128x64xf32, #tpu.memory_space<vmem>> -> memref<1x128x64xf32, #tpu.memory_space<vmem>>
    %dma_start3A_138 = tpu.memref_squeeze %dma_start3A_137 : memref<1x128x64xf32, #tpu.memory_space<vmem>> -> memref<128x64xf32, #tpu.memory_space<vmem>>
    %dma_start3A_139 = arith.constant 0 : i32
    %dma_start3A_140 = tpu.memref_slice %arg6[%dma_start3A_133, %dma_start3A_139] : memref<80x128xi32, #tpu.memory_space<vmem>> -> memref<1x128xi32, #tpu.memory_space<vmem>>
    %dma_start3A_141 = tpu.memref_squeeze %dma_start3A_140 : memref<1x128xi32, #tpu.memory_space<vmem>> -> memref<128xi32, #tpu.memory_space<vmem>>
    %dma_start3A_142 = arith.constant 0 : i32
    %dma_start3A_143 = arith.constant 0 : i32
    %dma_start3A_144 = tpu.memref_slice %arg4[%dma_start3A_142, %dma_start3A_143] : memref<327680x64xf32, #tpu.memory_space<hbm>> -> memref<327680x64xf32, #tpu.memory_space<hbm>>
    %dma_start3A_145 = tpu.memref_slice %arg9[%dma_start3A_134] : memref<8x!tpu.dma_semaphore, #tpu.memory_space<semaphore_mem>> -> memref<1x!tpu.dma_semaphore, #tpu.memory_space<semaphore_mem>>
    %dma_start3A_146 = tpu.memref_squeeze %dma_start3A_145 : memref<1x!tpu.dma_semaphore, #tpu.memory_space<semaphore_mem>> -> memref<!tpu.dma_semaphore, #tpu.memory_space<semaphore_mem>>
    tpu.enqueue_indirect_dma source(%dma_start3A_138 : memref<128x64xf32, #tpu.memory_space<vmem>>) target(%dma_start3A_144 : memref<327680x64xf32, #tpu.memory_space<hbm>>) offsets(%dma_start3A_141 : memref<128xi32, #tpu.memory_space<vmem>>) semaphore(%dma_start3A_146 : memref<!tpu.dma_semaphore, #tpu.memory_space<semaphore_mem>>)
    %dma_start3A_147 = arith.constant 5 : i32
    %dma_start3A_148 = arith.constant 5 : i32
    %dma_start3A_149 = arith.constant 5 : i32
    %dma_start3A_150 = arith.constant 0 : i32
    %dma_start3A_151 = arith.constant 0 : i32
    %dma_start3A_152 = tpu.memref_slice %arg7[%dma_start3A_148, %dma_start3A_150, %dma_start3A_151] : memref<8x128x64xf32, #tpu.memory_space<vmem>> -> memref<1x128x64xf32, #tpu.memory_space<vmem>>
    %dma_start3A_153 = tpu.memref_squeeze %dma_start3A_152 : memref<1x128x64xf32, #tpu.memory_space<vmem>> -> memref<128x64xf32, #tpu.memory_space<vmem>>
    %dma_start3A_154 = arith.constant 0 : i32
    %dma_start3A_155 = tpu.memref_slice %arg5[%dma_start3A_147, %dma_start3A_154] : memref<80x128xi32, #tpu.memory_space<vmem>> -> memref<1x128xi32, #tpu.memory_space<vmem>>
    %dma_start3A_156 = tpu.memref_squeeze %dma_start3A_155 : memref<1x128xi32, #tpu.memory_space<vmem>> -> memref<128xi32, #tpu.memory_space<vmem>>
    %dma_start3A_157 = arith.constant 0 : i32
    %dma_start3A_158 = arith.constant 0 : i32
    %dma_start3A_159 = tpu.memref_slice %arg3[%dma_start3A_157, %dma_start3A_158] : memref<1000000x64xf32, #tpu.memory_space<hbm>> -> memref<1000000x64xf32, #tpu.memory_space<hbm>>
    %dma_start3A_160 = tpu.memref_slice %arg8[%dma_start3A_149] : memref<8x!tpu.dma_semaphore, #tpu.memory_space<semaphore_mem>> -> memref<1x!tpu.dma_semaphore, #tpu.memory_space<semaphore_mem>>
    %dma_start3A_161 = tpu.memref_squeeze %dma_start3A_160 : memref<1x!tpu.dma_semaphore, #tpu.memory_space<semaphore_mem>> -> memref<!tpu.dma_semaphore, #tpu.memory_space<semaphore_mem>>
    tpu.enqueue_indirect_dma source(%dma_start3A_159 : memref<1000000x64xf32, #tpu.memory_space<hbm>>) target(%dma_start3A_153 : memref<128x64xf32, #tpu.memory_space<vmem>>) offsets(%dma_start3A_156 : memref<128xi32, #tpu.memory_space<vmem>>) semaphore(%dma_start3A_161 : memref<!tpu.dma_semaphore, #tpu.memory_space<semaphore_mem>>)
    %dma_wait3A_162 = arith.constant 2 : i32
    %dma_wait3A_163 = arith.constant 2 : i32
    %dma_wait3A_164 = arith.constant 0 : i32
    %dma_wait3A_165 = arith.constant 0 : i32
    %dma_wait3A_166 = tpu.memref_slice %arg7[%dma_wait3A_162, %dma_wait3A_164, %dma_wait3A_165] : memref<8x128x64xf32, #tpu.memory_space<vmem>> -> memref<1x128x64xf32, #tpu.memory_space<vmem>>
    %dma_wait3A_167 = tpu.memref_squeeze %dma_wait3A_166 : memref<1x128x64xf32, #tpu.memory_space<vmem>> -> memref<128x64xf32, #tpu.memory_space<vmem>>
    %dma_wait3A_168 = arith.constant 0 : i32
    %dma_wait3A_169 = arith.constant 0 : i32
    %dma_wait3A_170 = tpu.memref_slice %arg3[%dma_wait3A_168, %dma_wait3A_169] : memref<1000000x64xf32, #tpu.memory_space<hbm>> -> memref<128x64xf32, #tpu.memory_space<hbm>>
    %dma_wait3A_171 = tpu.memref_slice %arg8[%dma_wait3A_163] : memref<8x!tpu.dma_semaphore, #tpu.memory_space<semaphore_mem>> -> memref<1x!tpu.dma_semaphore, #tpu.memory_space<semaphore_mem>>
    %dma_wait3A_172 = tpu.memref_squeeze %dma_wait3A_171 : memref<1x!tpu.dma_semaphore, #tpu.memory_space<semaphore_mem>> -> memref<!tpu.dma_semaphore, #tpu.memory_space<semaphore_mem>>
    %dma_wait3A_173 = arith.constant 0 : i32
    %dma_wait3A_174 = arith.constant 0 : i32
    %dma_wait3A_175 = tpu.memref_slice %arg7[%dma_wait3A_162, %dma_wait3A_173, %dma_wait3A_174] : memref<8x128x64xf32, #tpu.memory_space<vmem>> -> memref<1x128x64xf32, #tpu.memory_space<vmem>>
    %dma_wait3A_176 = tpu.memref_squeeze %dma_wait3A_175 : memref<1x128x64xf32, #tpu.memory_space<vmem>> -> memref<128x64xf32, #tpu.memory_space<vmem>>
    %dma_wait3A_177 = arith.constant 0 : i32
    %dma_wait3A_178 = arith.constant 0 : i32
    %dma_wait3A_179 = tpu.memref_slice %arg3[%dma_wait3A_177, %dma_wait3A_178] : memref<1000000x64xf32, #tpu.memory_space<hbm>> -> memref<128x64xf32, #tpu.memory_space<hbm>>
    tpu.wait_dma2 semaphore(%dma_wait3A_172 : memref<!tpu.dma_semaphore, #tpu.memory_space<semaphore_mem>>) src(%dma_wait3A_179 : memref<128x64xf32, #tpu.memory_space<hbm>>) dst(%dma_wait3A_176 : memref<128x64xf32, #tpu.memory_space<vmem>>)
    %dma_start3A_180 = arith.constant 2 : i32
    %dma_start3A_181 = arith.constant 2 : i32
    %dma_start3A_182 = arith.constant 2 : i32
    %dma_start3A_183 = arith.constant 0 : i32
    %dma_start3A_184 = arith.constant 0 : i32
    %dma_start3A_185 = tpu.memref_slice %arg7[%dma_start3A_180, %dma_start3A_183, %dma_start3A_184] : memref<8x128x64xf32, #tpu.memory_space<vmem>> -> memref<1x128x64xf32, #tpu.memory_space<vmem>>
    %dma_start3A_186 = tpu.memref_squeeze %dma_start3A_185 : memref<1x128x64xf32, #tpu.memory_space<vmem>> -> memref<128x64xf32, #tpu.memory_space<vmem>>
    %dma_start3A_187 = arith.constant 0 : i32
    %dma_start3A_188 = tpu.memref_slice %arg6[%dma_start3A_181, %dma_start3A_187] : memref<80x128xi32, #tpu.memory_space<vmem>> -> memref<1x128xi32, #tpu.memory_space<vmem>>
    %dma_start3A_189 = tpu.memref_squeeze %dma_start3A_188 : memref<1x128xi32, #tpu.memory_space<vmem>> -> memref<128xi32, #tpu.memory_space<vmem>>
    %dma_start3A_190 = arith.constant 0 : i32
    %dma_start3A_191 = arith.constant 0 : i32
    %dma_start3A_192 = tpu.memref_slice %arg4[%dma_start3A_190, %dma_start3A_191] : memref<327680x64xf32, #tpu.memory_space<hbm>> -> memref<327680x64xf32, #tpu.memory_space<hbm>>
    %dma_start3A_193 = tpu.memref_slice %arg9[%dma_start3A_182] : memref<8x!tpu.dma_semaphore, #tpu.memory_space<semaphore_mem>> -> memref<1x!tpu.dma_semaphore, #tpu.memory_space<semaphore_mem>>
    %dma_start3A_194 = tpu.memref_squeeze %dma_start3A_193 : memref<1x!tpu.dma_semaphore, #tpu.memory_space<semaphore_mem>> -> memref<!tpu.dma_semaphore, #tpu.memory_space<semaphore_mem>>
    tpu.enqueue_indirect_dma source(%dma_start3A_186 : memref<128x64xf32, #tpu.memory_space<vmem>>) target(%dma_start3A_192 : memref<327680x64xf32, #tpu.memory_space<hbm>>) offsets(%dma_start3A_189 : memref<128xi32, #tpu.memory_space<vmem>>) semaphore(%dma_start3A_194 : memref<!tpu.dma_semaphore, #tpu.memory_space<semaphore_mem>>)
    %dma_start3A_195 = arith.constant 6 : i32
    %dma_start3A_196 = arith.constant 6 : i32
    %dma_start3A_197 = arith.constant 6 : i32
    %dma_start3A_198 = arith.constant 0 : i32
    %dma_start3A_199 = arith.constant 0 : i32
    %dma_start3A_200 = tpu.memref_slice %arg7[%dma_start3A_196, %dma_start3A_198, %dma_start3A_199] : memref<8x128x64xf32, #tpu.memory_space<vmem>> -> memref<1x128x64xf32, #tpu.memory_space<vmem>>
    %dma_start3A_201 = tpu.memref_squeeze %dma_start3A_200 : memref<1x128x64xf32, #tpu.memory_space<vmem>> -> memref<128x64xf32, #tpu.memory_space<vmem>>
    %dma_start3A_202 = arith.constant 0 : i32
    %dma_start3A_203 = tpu.memref_slice %arg5[%dma_start3A_195, %dma_start3A_202] : memref<80x128xi32, #tpu.memory_space<vmem>> -> memref<1x128xi32, #tpu.memory_space<vmem>>
    %dma_start3A_204 = tpu.memref_squeeze %dma_start3A_203 : memref<1x128xi32, #tpu.memory_space<vmem>> -> memref<128xi32, #tpu.memory_space<vmem>>
    %dma_start3A_205 = arith.constant 0 : i32
    %dma_start3A_206 = arith.constant 0 : i32
    %dma_start3A_207 = tpu.memref_slice %arg3[%dma_start3A_205, %dma_start3A_206] : memref<1000000x64xf32, #tpu.memory_space<hbm>> -> memref<1000000x64xf32, #tpu.memory_space<hbm>>
    %dma_start3A_208 = tpu.memref_slice %arg8[%dma_start3A_197] : memref<8x!tpu.dma_semaphore, #tpu.memory_space<semaphore_mem>> -> memref<1x!tpu.dma_semaphore, #tpu.memory_space<semaphore_mem>>
    %dma_start3A_209 = tpu.memref_squeeze %dma_start3A_208 : memref<1x!tpu.dma_semaphore, #tpu.memory_space<semaphore_mem>> -> memref<!tpu.dma_semaphore, #tpu.memory_space<semaphore_mem>>
    tpu.enqueue_indirect_dma source(%dma_start3A_207 : memref<1000000x64xf32, #tpu.memory_space<hbm>>) target(%dma_start3A_201 : memref<128x64xf32, #tpu.memory_space<vmem>>) offsets(%dma_start3A_204 : memref<128xi32, #tpu.memory_space<vmem>>) semaphore(%dma_start3A_209 : memref<!tpu.dma_semaphore, #tpu.memory_space<semaphore_mem>>)
    %dma_wait3A_210 = arith.constant 3 : i32
    %dma_wait3A_211 = arith.constant 3 : i32
    %dma_wait3A_212 = arith.constant 0 : i32
    %dma_wait3A_213 = arith.constant 0 : i32
    %dma_wait3A_214 = tpu.memref_slice %arg7[%dma_wait3A_210, %dma_wait3A_212, %dma_wait3A_213] : memref<8x128x64xf32, #tpu.memory_space<vmem>> -> memref<1x128x64xf32, #tpu.memory_space<vmem>>
    %dma_wait3A_215 = tpu.memref_squeeze %dma_wait3A_214 : memref<1x128x64xf32, #tpu.memory_space<vmem>> -> memref<128x64xf32, #tpu.memory_space<vmem>>
    %dma_wait3A_216 = arith.constant 0 : i32
    %dma_wait3A_217 = arith.constant 0 : i32
    %dma_wait3A_218 = tpu.memref_slice %arg3[%dma_wait3A_216, %dma_wait3A_217] : memref<1000000x64xf32, #tpu.memory_space<hbm>> -> memref<128x64xf32, #tpu.memory_space<hbm>>
    %dma_wait3A_219 = tpu.memref_slice %arg8[%dma_wait3A_211] : memref<8x!tpu.dma_semaphore, #tpu.memory_space<semaphore_mem>> -> memref<1x!tpu.dma_semaphore, #tpu.memory_space<semaphore_mem>>
    %dma_wait3A_220 = tpu.memref_squeeze %dma_wait3A_219 : memref<1x!tpu.dma_semaphore, #tpu.memory_space<semaphore_mem>> -> memref<!tpu.dma_semaphore, #tpu.memory_space<semaphore_mem>>
    %dma_wait3A_221 = arith.constant 0 : i32
    %dma_wait3A_222 = arith.constant 0 : i32
    %dma_wait3A_223 = tpu.memref_slice %arg7[%dma_wait3A_210, %dma_wait3A_221, %dma_wait3A_222] : memref<8x128x64xf32, #tpu.memory_space<vmem>> -> memref<1x128x64xf32, #tpu.memory_space<vmem>>
    %dma_wait3A_224 = tpu.memref_squeeze %dma_wait3A_223 : memref<1x128x64xf32, #tpu.memory_space<vmem>> -> memref<128x64xf32, #tpu.memory_space<vmem>>
    %dma_wait3A_225 = arith.constant 0 : i32
    %dma_wait3A_226 = arith.constant 0 : i32
    %dma_wait3A_227 = tpu.memref_slice %arg3[%dma_wait3A_225, %dma_wait3A_226] : memref<1000000x64xf32, #tpu.memory_space<hbm>> -> memref<128x64xf32, #tpu.memory_space<hbm>>
    tpu.wait_dma2 semaphore(%dma_wait3A_220 : memref<!tpu.dma_semaphore, #tpu.memory_space<semaphore_mem>>) src(%dma_wait3A_227 : memref<128x64xf32, #tpu.memory_space<hbm>>) dst(%dma_wait3A_224 : memref<128x64xf32, #tpu.memory_space<vmem>>)
    %dma_start3A_228 = arith.constant 3 : i32
    %dma_start3A_229 = arith.constant 3 : i32
    %dma_start3A_230 = arith.constant 3 : i32
    %dma_start3A_231 = arith.constant 0 : i32
    %dma_start3A_232 = arith.constant 0 : i32
    %dma_start3A_233 = tpu.memref_slice %arg7[%dma_start3A_228, %dma_start3A_231, %dma_start3A_232] : memref<8x128x64xf32, #tpu.memory_space<vmem>> -> memref<1x128x64xf32, #tpu.memory_space<vmem>>
    %dma_start3A_234 = tpu.memref_squeeze %dma_start3A_233 : memref<1x128x64xf32, #tpu.memory_space<vmem>> -> memref<128x64xf32, #tpu.memory_space<vmem>>
    %dma_start3A_235 = arith.constant 0 : i32
    %dma_start3A_236 = tpu.memref_slice %arg6[%dma_start3A_229, %dma_start3A_235] : memref<80x128xi32, #tpu.memory_space<vmem>> -> memref<1x128xi32, #tpu.memory_space<vmem>>
    %dma_start3A_237 = tpu.memref_squeeze %dma_start3A_236 : memref<1x128xi32, #tpu.memory_space<vmem>> -> memref<128xi32, #tpu.memory_space<vmem>>
    %dma_start3A_238 = arith.constant 0 : i32
    %dma_start3A_239 = arith.constant 0 : i32
    %dma_start3A_240 = tpu.memref_slice %arg4[%dma_start3A_238, %dma_start3A_239] : memref<327680x64xf32, #tpu.memory_space<hbm>> -> memref<327680x64xf32, #tpu.memory_space<hbm>>
    %dma_start3A_241 = tpu.memref_slice %arg9[%dma_start3A_230] : memref<8x!tpu.dma_semaphore, #tpu.memory_space<semaphore_mem>> -> memref<1x!tpu.dma_semaphore, #tpu.memory_space<semaphore_mem>>
    %dma_start3A_242 = tpu.memref_squeeze %dma_start3A_241 : memref<1x!tpu.dma_semaphore, #tpu.memory_space<semaphore_mem>> -> memref<!tpu.dma_semaphore, #tpu.memory_space<semaphore_mem>>
    tpu.enqueue_indirect_dma source(%dma_start3A_234 : memref<128x64xf32, #tpu.memory_space<vmem>>) target(%dma_start3A_240 : memref<327680x64xf32, #tpu.memory_space<hbm>>) offsets(%dma_start3A_237 : memref<128xi32, #tpu.memory_space<vmem>>) semaphore(%dma_start3A_242 : memref<!tpu.dma_semaphore, #tpu.memory_space<semaphore_mem>>)
    %dma_start3A_243 = arith.constant 7 : i32
    %dma_start3A_244 = arith.constant 7 : i32
    %dma_start3A_245 = arith.constant 7 : i32
    %dma_start3A_246 = arith.constant 0 : i32
    %dma_start3A_247 = arith.constant 0 : i32
    %dma_start3A_248 = tpu.memref_slice %arg7[%dma_start3A_244, %dma_start3A_246, %dma_start3A_247] : memref<8x128x64xf32, #tpu.memory_space<vmem>> -> memref<1x128x64xf32, #tpu.memory_space<vmem>>
    %dma_start3A_249 = tpu.memref_squeeze %dma_start3A_248 : memref<1x128x64xf32, #tpu.memory_space<vmem>> -> memref<128x64xf32, #tpu.memory_space<vmem>>
    %dma_start3A_250 = arith.constant 0 : i32
    %dma_start3A_251 = tpu.memref_slice %arg5[%dma_start3A_243, %dma_start3A_250] : memref<80x128xi32, #tpu.memory_space<vmem>> -> memref<1x128xi32, #tpu.memory_space<vmem>>
    %dma_start3A_252 = tpu.memref_squeeze %dma_start3A_251 : memref<1x128xi32, #tpu.memory_space<vmem>> -> memref<128xi32, #tpu.memory_space<vmem>>
    %dma_start3A_253 = arith.constant 0 : i32
    %dma_start3A_254 = arith.constant 0 : i32
    %dma_start3A_255 = tpu.memref_slice %arg3[%dma_start3A_253, %dma_start3A_254] : memref<1000000x64xf32, #tpu.memory_space<hbm>> -> memref<1000000x64xf32, #tpu.memory_space<hbm>>
    %dma_start3A_256 = tpu.memref_slice %arg8[%dma_start3A_245] : memref<8x!tpu.dma_semaphore, #tpu.memory_space<semaphore_mem>> -> memref<1x!tpu.dma_semaphore, #tpu.memory_space<semaphore_mem>>
    %dma_start3A_257 = tpu.memref_squeeze %dma_start3A_256 : memref<1x!tpu.dma_semaphore, #tpu.memory_space<semaphore_mem>> -> memref<!tpu.dma_semaphore, #tpu.memory_space<semaphore_mem>>
    tpu.enqueue_indirect_dma source(%dma_start3A_255 : memref<1000000x64xf32, #tpu.memory_space<hbm>>) target(%dma_start3A_249 : memref<128x64xf32, #tpu.memory_space<vmem>>) offsets(%dma_start3A_252 : memref<128xi32, #tpu.memory_space<vmem>>) semaphore(%dma_start3A_257 : memref<!tpu.dma_semaphore, #tpu.memory_space<semaphore_mem>>)
    %dma_wait3A_258 = arith.constant 4 : i32
    %dma_wait3A_259 = arith.constant 4 : i32
    %dma_wait3A_260 = arith.constant 0 : i32
    %dma_wait3A_261 = arith.constant 0 : i32
    %dma_wait3A_262 = tpu.memref_slice %arg7[%dma_wait3A_258, %dma_wait3A_260, %dma_wait3A_261] : memref<8x128x64xf32, #tpu.memory_space<vmem>> -> memref<1x128x64xf32, #tpu.memory_space<vmem>>
    %dma_wait3A_263 = tpu.memref_squeeze %dma_wait3A_262 : memref<1x128x64xf32, #tpu.memory_space<vmem>> -> memref<128x64xf32, #tpu.memory_space<vmem>>
    %dma_wait3A_264 = arith.constant 0 : i32
    %dma_wait3A_265 = arith.constant 0 : i32
    %dma_wait3A_266 = tpu.memref_slice %arg3[%dma_wait3A_264, %dma_wait3A_265] : memref<1000000x64xf32, #tpu.memory_space<hbm>> -> memref<128x64xf32, #tpu.memory_space<hbm>>
    %dma_wait3A_267 = tpu.memref_slice %arg8[%dma_wait3A_259] : memref<8x!tpu.dma_semaphore, #tpu.memory_space<semaphore_mem>> -> memref<1x!tpu.dma_semaphore, #tpu.memory_space<semaphore_mem>>
    %dma_wait3A_268 = tpu.memref_squeeze %dma_wait3A_267 : memref<1x!tpu.dma_semaphore, #tpu.memory_space<semaphore_mem>> -> memref<!tpu.dma_semaphore, #tpu.memory_space<semaphore_mem>>
    %dma_wait3A_269 = arith.constant 0 : i32
    %dma_wait3A_270 = arith.constant 0 : i32
    %dma_wait3A_271 = tpu.memref_slice %arg7[%dma_wait3A_258, %dma_wait3A_269, %dma_wait3A_270] : memref<8x128x64xf32, #tpu.memory_space<vmem>> -> memref<1x128x64xf32, #tpu.memory_space<vmem>>
    %dma_wait3A_272 = tpu.memref_squeeze %dma_wait3A_271 : memref<1x128x64xf32, #tpu.memory_space<vmem>> -> memref<128x64xf32, #tpu.memory_space<vmem>>
    %dma_wait3A_273 = arith.constant 0 : i32
    %dma_wait3A_274 = arith.constant 0 : i32
    %dma_wait3A_275 = tpu.memref_slice %arg3[%dma_wait3A_273, %dma_wait3A_274] : memref<1000000x64xf32, #tpu.memory_space<hbm>> -> memref<128x64xf32, #tpu.memory_space<hbm>>
    tpu.wait_dma2 semaphore(%dma_wait3A_268 : memref<!tpu.dma_semaphore, #tpu.memory_space<semaphore_mem>>) src(%dma_wait3A_275 : memref<128x64xf32, #tpu.memory_space<hbm>>) dst(%dma_wait3A_272 : memref<128x64xf32, #tpu.memory_space<vmem>>)
    %dma_start3A_276 = arith.constant 4 : i32
    %dma_start3A_277 = arith.constant 4 : i32
    %dma_start3A_278 = arith.constant 4 : i32
    %dma_start3A_279 = arith.constant 0 : i32
    %dma_start3A_280 = arith.constant 0 : i32
    %dma_start3A_281 = tpu.memref_slice %arg7[%dma_start3A_276, %dma_start3A_279, %dma_start3A_280] : memref<8x128x64xf32, #tpu.memory_space<vmem>> -> memref<1x128x64xf32, #tpu.memory_space<vmem>>
    %dma_start3A_282 = tpu.memref_squeeze %dma_start3A_281 : memref<1x128x64xf32, #tpu.memory_space<vmem>> -> memref<128x64xf32, #tpu.memory_space<vmem>>
    %dma_start3A_283 = arith.constant 0 : i32
    %dma_start3A_284 = tpu.memref_slice %arg6[%dma_start3A_277, %dma_start3A_283] : memref<80x128xi32, #tpu.memory_space<vmem>> -> memref<1x128xi32, #tpu.memory_space<vmem>>
    %dma_start3A_285 = tpu.memref_squeeze %dma_start3A_284 : memref<1x128xi32, #tpu.memory_space<vmem>> -> memref<128xi32, #tpu.memory_space<vmem>>
    %dma_start3A_286 = arith.constant 0 : i32
    %dma_start3A_287 = arith.constant 0 : i32
    %dma_start3A_288 = tpu.memref_slice %arg4[%dma_start3A_286, %dma_start3A_287] : memref<327680x64xf32, #tpu.memory_space<hbm>> -> memref<327680x64xf32, #tpu.memory_space<hbm>>
    %dma_start3A_289 = tpu.memref_slice %arg9[%dma_start3A_278] : memref<8x!tpu.dma_semaphore, #tpu.memory_space<semaphore_mem>> -> memref<1x!tpu.dma_semaphore, #tpu.memory_space<semaphore_mem>>
    %dma_start3A_290 = tpu.memref_squeeze %dma_start3A_289 : memref<1x!tpu.dma_semaphore, #tpu.memory_space<semaphore_mem>> -> memref<!tpu.dma_semaphore, #tpu.memory_space<semaphore_mem>>
    tpu.enqueue_indirect_dma source(%dma_start3A_282 : memref<128x64xf32, #tpu.memory_space<vmem>>) target(%dma_start3A_288 : memref<327680x64xf32, #tpu.memory_space<hbm>>) offsets(%dma_start3A_285 : memref<128xi32, #tpu.memory_space<vmem>>) semaphore(%dma_start3A_290 : memref<!tpu.dma_semaphore, #tpu.memory_space<semaphore_mem>>)
    %dma_wait3A_291 = arith.constant 0 : i32
    %dma_wait3A_292 = arith.constant 0 : i32
    %dma_wait3A_293 = arith.constant 0 : i32
    %dma_wait3A_294 = arith.constant 0 : i32
    %dma_wait3A_295 = tpu.memref_slice %arg7[%dma_wait3A_291, %dma_wait3A_293, %dma_wait3A_294] : memref<8x128x64xf32, #tpu.memory_space<vmem>> -> memref<1x128x64xf32, #tpu.memory_space<vmem>>
    %dma_wait3A_296 = tpu.memref_squeeze %dma_wait3A_295 : memref<1x128x64xf32, #tpu.memory_space<vmem>> -> memref<128x64xf32, #tpu.memory_space<vmem>>
    %dma_wait3A_297 = arith.constant 0 : i32
    %dma_wait3A_298 = arith.constant 0 : i32
    %dma_wait3A_299 = tpu.memref_slice %arg4[%dma_wait3A_297, %dma_wait3A_298] : memref<327680x64xf32, #tpu.memory_space<hbm>> -> memref<128x64xf32, #tpu.memory_space<hbm>>
    %dma_wait3A_300 = tpu.memref_slice %arg9[%dma_wait3A_292] : memref<8x!tpu.dma_semaphore, #tpu.memory_space<semaphore_mem>> -> memref<1x!tpu.dma_semaphore, #tpu.memory_space<semaphore_mem>>
    %dma_wait3A_301 = tpu.memref_squeeze %dma_wait3A_300 : memref<1x!tpu.dma_semaphore, #tpu.memory_space<semaphore_mem>> -> memref<!tpu.dma_semaphore, #tpu.memory_space<semaphore_mem>>
    %dma_wait3A_302 = arith.constant 0 : i32
    %dma_wait3A_303 = arith.constant 0 : i32
    %dma_wait3A_304 = tpu.memref_slice %arg4[%dma_wait3A_302, %dma_wait3A_303] : memref<327680x64xf32, #tpu.memory_space<hbm>> -> memref<128x64xf32, #tpu.memory_space<hbm>>
    %dma_wait3A_305 = arith.constant 0 : i32
    %dma_wait3A_306 = arith.constant 0 : i32
    %dma_wait3A_307 = tpu.memref_slice %arg7[%dma_wait3A_291, %dma_wait3A_305, %dma_wait3A_306] : memref<8x128x64xf32, #tpu.memory_space<vmem>> -> memref<1x128x64xf32, #tpu.memory_space<vmem>>
    %dma_wait3A_308 = tpu.memref_squeeze %dma_wait3A_307 : memref<1x128x64xf32, #tpu.memory_space<vmem>> -> memref<128x64xf32, #tpu.memory_space<vmem>>
    tpu.wait_dma2 semaphore(%dma_wait3A_301 : memref<!tpu.dma_semaphore, #tpu.memory_space<semaphore_mem>>) src(%dma_wait3A_308 : memref<128x64xf32, #tpu.memory_space<vmem>>) dst(%dma_wait3A_304 : memref<128x64xf32, #tpu.memory_space<hbm>>)
    %dma_start3A_309 = arith.constant 8 : i32
    %dma_start3A_310 = arith.constant 0 : i32
    %dma_start3A_311 = arith.constant 0 : i32
    %dma_start3A_312 = arith.constant 0 : i32
    %dma_start3A_313 = arith.constant 0 : i32
    %dma_start3A_314 = tpu.memref_slice %arg7[%dma_start3A_310, %dma_start3A_312, %dma_start3A_313] : memref<8x128x64xf32, #tpu.memory_space<vmem>> -> memref<1x128x64xf32, #tpu.memory_space<vmem>>
    %dma_start3A_315 = tpu.memref_squeeze %dma_start3A_314 : memref<1x128x64xf32, #tpu.memory_space<vmem>> -> memref<128x64xf32, #tpu.memory_space<vmem>>
    %dma_start3A_316 = arith.constant 0 : i32
    %dma_start3A_317 = tpu.memref_slice %arg5[%dma_start3A_309, %dma_start3A_316] : memref<80x128xi32, #tpu.memory_space<vmem>> -> memref<1x128xi32, #tpu.memory_space<vmem>>
    %dma_start3A_318 = tpu.memref_squeeze %dma_start3A_317 : memref<1x128xi32, #tpu.memory_space<vmem>> -> memref<128xi32, #tpu.memory_space<vmem>>
    %dma_start3A_319 = arith.constant 0 : i32
    %dma_start3A_320 = arith.constant 0 : i32
    %dma_start3A_321 = tpu.memref_slice %arg3[%dma_start3A_319, %dma_start3A_320] : memref<1000000x64xf32, #tpu.memory_space<hbm>> -> memref<1000000x64xf32, #tpu.memory_space<hbm>>
    %dma_start3A_322 = tpu.memref_slice %arg8[%dma_start3A_311] : memref<8x!tpu.dma_semaphore, #tpu.memory_space<semaphore_mem>> -> memref<1x!tpu.dma_semaphore, #tpu.memory_space<semaphore_mem>>
    %dma_start3A_323 = tpu.memref_squeeze %dma_start3A_322 : memref<1x!tpu.dma_semaphore, #tpu.memory_space<semaphore_mem>> -> memref<!tpu.dma_semaphore, #tpu.memory_space<semaphore_mem>>
    tpu.enqueue_indirect_dma source(%dma_start3A_321 : memref<1000000x64xf32, #tpu.memory_space<hbm>>) target(%dma_start3A_315 : memref<128x64xf32, #tpu.memory_space<vmem>>) offsets(%dma_start3A_318 : memref<128xi32, #tpu.memory_space<vmem>>) semaphore(%dma_start3A_323 : memref<!tpu.dma_semaphore, #tpu.memory_space<semaphore_mem>>)
    %dma_wait3A_324 = arith.constant 5 : i32
    %dma_wait3A_325 = arith.constant 5 : i32
    %dma_wait3A_326 = arith.constant 0 : i32
    %dma_wait3A_327 = arith.constant 0 : i32
    %dma_wait3A_328 = tpu.memref_slice %arg7[%dma_wait3A_324, %dma_wait3A_326, %dma_wait3A_327] : memref<8x128x64xf32, #tpu.memory_space<vmem>> -> memref<1x128x64xf32, #tpu.memory_space<vmem>>
    %dma_wait3A_329 = tpu.memref_squeeze %dma_wait3A_328 : memref<1x128x64xf32, #tpu.memory_space<vmem>> -> memref<128x64xf32, #tpu.memory_space<vmem>>
    %dma_wait3A_330 = arith.constant 0 : i32
    %dma_wait3A_331 = arith.constant 0 : i32
    %dma_wait3A_332 = tpu.memref_slice %arg3[%dma_wait3A_330, %dma_wait3A_331] : memref<1000000x64xf32, #tpu.memory_space<hbm>> -> memref<128x64xf32, #tpu.memory_space<hbm>>
    %dma_wait3A_333 = tpu.memref_slice %arg8[%dma_wait3A_325] : memref<8x!tpu.dma_semaphore, #tpu.memory_space<semaphore_mem>> -> memref<1x!tpu.dma_semaphore, #tpu.memory_space<semaphore_mem>>
    %dma_wait3A_334 = tpu.memref_squeeze %dma_wait3A_333 : memref<1x!tpu.dma_semaphore, #tpu.memory_space<semaphore_mem>> -> memref<!tpu.dma_semaphore, #tpu.memory_space<semaphore_mem>>
    %dma_wait3A_335 = arith.constant 0 : i32
    %dma_wait3A_336 = arith.constant 0 : i32
    %dma_wait3A_337 = tpu.memref_slice %arg7[%dma_wait3A_324, %dma_wait3A_335, %dma_wait3A_336] : memref<8x128x64xf32, #tpu.memory_space<vmem>> -> memref<1x128x64xf32, #tpu.memory_space<vmem>>
    %dma_wait3A_338 = tpu.memref_squeeze %dma_wait3A_337 : memref<1x128x64xf32, #tpu.memory_space<vmem>> -> memref<128x64xf32, #tpu.memory_space<vmem>>
    %dma_wait3A_339 = arith.constant 0 : i32
    %dma_wait3A_340 = arith.constant 0 : i32
    %dma_wait3A_341 = tpu.memref_slice %arg3[%dma_wait3A_339, %dma_wait3A_340] : memref<1000000x64xf32, #tpu.memory_space<hbm>> -> memref<128x64xf32, #tpu.memory_space<hbm>>
    tpu.wait_dma2 semaphore(%dma_wait3A_334 : memref<!tpu.dma_semaphore, #tpu.memory_space<semaphore_mem>>) src(%dma_wait3A_341 : memref<128x64xf32, #tpu.memory_space<hbm>>) dst(%dma_wait3A_338 : memref<128x64xf32, #tpu.memory_space<vmem>>)
    %dma_start3A_342 = arith.constant 5 : i32
    %dma_start3A_343 = arith.constant 5 : i32
    %dma_start3A_344 = arith.constant 5 : i32
    %dma_start3A_345 = arith.constant 0 : i32
    %dma_start3A_346 = arith.constant 0 : i32
    %dma_start3A_347 = tpu.memref_slice %arg7[%dma_start3A_342, %dma_start3A_345, %dma_start3A_346] : memref<8x128x64xf32, #tpu.memory_space<vmem>> -> memref<1x128x64xf32, #tpu.memory_space<vmem>>
    %dma_start3A_348 = tpu.memref_squeeze %dma_start3A_347 : memref<1x128x64xf32, #tpu.memory_space<vmem>> -> memref<128x64xf32, #tpu.memory_space<vmem>>
    %dma_start3A_349 = arith.constant 0 : i32
    %dma_start3A_350 = tpu.memref_slice %arg6[%dma_start3A_343, %dma_start3A_349] : memref<80x128xi32, #tpu.memory_space<vmem>> -> memref<1x128xi32, #tpu.memory_space<vmem>>
    %dma_start3A_351 = tpu.memref_squeeze %dma_start3A_350 : memref<1x128xi32, #tpu.memory_space<vmem>> -> memref<128xi32, #tpu.memory_space<vmem>>
    %dma_start3A_352 = arith.constant 0 : i32
    %dma_start3A_353 = arith.constant 0 : i32
    %dma_start3A_354 = tpu.memref_slice %arg4[%dma_start3A_352, %dma_start3A_353] : memref<327680x64xf32, #tpu.memory_space<hbm>> -> memref<327680x64xf32, #tpu.memory_space<hbm>>
    %dma_start3A_355 = tpu.memref_slice %arg9[%dma_start3A_344] : memref<8x!tpu.dma_semaphore, #tpu.memory_space<semaphore_mem>> -> memref<1x!tpu.dma_semaphore, #tpu.memory_space<semaphore_mem>>
    %dma_start3A_356 = tpu.memref_squeeze %dma_start3A_355 : memref<1x!tpu.dma_semaphore, #tpu.memory_space<semaphore_mem>> -> memref<!tpu.dma_semaphore, #tpu.memory_space<semaphore_mem>>
    tpu.enqueue_indirect_dma source(%dma_start3A_348 : memref<128x64xf32, #tpu.memory_space<vmem>>) target(%dma_start3A_354 : memref<327680x64xf32, #tpu.memory_space<hbm>>) offsets(%dma_start3A_351 : memref<128xi32, #tpu.memory_space<vmem>>) semaphore(%dma_start3A_356 : memref<!tpu.dma_semaphore, #tpu.memory_space<semaphore_mem>>)
    %dma_wait3A_357 = arith.constant 1 : i32
    %dma_wait3A_358 = arith.constant 1 : i32
    %dma_wait3A_359 = arith.constant 0 : i32
    %dma_wait3A_360 = arith.constant 0 : i32
    %dma_wait3A_361 = tpu.memref_slice %arg7[%dma_wait3A_357, %dma_wait3A_359, %dma_wait3A_360] : memref<8x128x64xf32, #tpu.memory_space<vmem>> -> memref<1x128x64xf32, #tpu.memory_space<vmem>>
    %dma_wait3A_362 = tpu.memref_squeeze %dma_wait3A_361 : memref<1x128x64xf32, #tpu.memory_space<vmem>> -> memref<128x64xf32, #tpu.memory_space<vmem>>
    %dma_wait3A_363 = arith.constant 0 : i32
    %dma_wait3A_364 = arith.constant 0 : i32
    %dma_wait3A_365 = tpu.memref_slice %arg4[%dma_wait3A_363, %dma_wait3A_364] : memref<327680x64xf32, #tpu.memory_space<hbm>> -> memref<128x64xf32, #tpu.memory_space<hbm>>
    %dma_wait3A_366 = tpu.memref_slice %arg9[%dma_wait3A_358] : memref<8x!tpu.dma_semaphore, #tpu.memory_space<semaphore_mem>> -> memref<1x!tpu.dma_semaphore, #tpu.memory_space<semaphore_mem>>
    %dma_wait3A_367 = tpu.memref_squeeze %dma_wait3A_366 : memref<1x!tpu.dma_semaphore, #tpu.memory_space<semaphore_mem>> -> memref<!tpu.dma_semaphore, #tpu.memory_space<semaphore_mem>>
    %dma_wait3A_368 = arith.constant 0 : i32
    %dma_wait3A_369 = arith.constant 0 : i32
    %dma_wait3A_370 = tpu.memref_slice %arg4[%dma_wait3A_368, %dma_wait3A_369] : memref<327680x64xf32, #tpu.memory_space<hbm>> -> memref<128x64xf32, #tpu.memory_space<hbm>>
    %dma_wait3A_371 = arith.constant 0 : i32
    %dma_wait3A_372 = arith.constant 0 : i32
    %dma_wait3A_373 = tpu.memref_slice %arg7[%dma_wait3A_357, %dma_wait3A_371, %dma_wait3A_372] : memref<8x128x64xf32, #tpu.memory_space<vmem>> -> memref<1x128x64xf32, #tpu.memory_space<vmem>>
    %dma_wait3A_374 = tpu.memref_squeeze %dma_wait3A_373 : memref<1x128x64xf32, #tpu.memory_space<vmem>> -> memref<128x64xf32, #tpu.memory_space<vmem>>
    tpu.wait_dma2 semaphore(%dma_wait3A_367 : memref<!tpu.dma_semaphore, #tpu.memory_space<semaphore_mem>>) src(%dma_wait3A_374 : memref<128x64xf32, #tpu.memory_space<vmem>>) dst(%dma_wait3A_370 : memref<128x64xf32, #tpu.memory_space<hbm>>)
    %dma_start3A_375 = arith.constant 9 : i32
    %dma_start3A_376 = arith.constant 1 : i32
    %dma_start3A_377 = arith.constant 1 : i32
    %dma_start3A_378 = arith.constant 0 : i32
    %dma_start3A_379 = arith.constant 0 : i32
    %dma_start3A_380 = tpu.memref_slice %arg7[%dma_start3A_376, %dma_start3A_378, %dma_start3A_379] : memref<8x128x64xf32, #tpu.memory_space<vmem>> -> memref<1x128x64xf32, #tpu.memory_space<vmem>>
    %dma_start3A_381 = tpu.memref_squeeze %dma_start3A_380 : memref<1x128x64xf32, #tpu.memory_space<vmem>> -> memref<128x64xf32, #tpu.memory_space<vmem>>
    %dma_start3A_382 = arith.constant 0 : i32
    %dma_start3A_383 = tpu.memref_slice %arg5[%dma_start3A_375, %dma_start3A_382] : memref<80x128xi32, #tpu.memory_space<vmem>> -> memref<1x128xi32, #tpu.memory_space<vmem>>
    %dma_start3A_384 = tpu.memref_squeeze %dma_start3A_383 : memref<1x128xi32, #tpu.memory_space<vmem>> -> memref<128xi32, #tpu.memory_space<vmem>>
    %dma_start3A_385 = arith.constant 0 : i32
    %dma_start3A_386 = arith.constant 0 : i32
    %dma_start3A_387 = tpu.memref_slice %arg3[%dma_start3A_385, %dma_start3A_386] : memref<1000000x64xf32, #tpu.memory_space<hbm>> -> memref<1000000x64xf32, #tpu.memory_space<hbm>>
    %dma_start3A_388 = tpu.memref_slice %arg8[%dma_start3A_377] : memref<8x!tpu.dma_semaphore, #tpu.memory_space<semaphore_mem>> -> memref<1x!tpu.dma_semaphore, #tpu.memory_space<semaphore_mem>>
    %dma_start3A_389 = tpu.memref_squeeze %dma_start3A_388 : memref<1x!tpu.dma_semaphore, #tpu.memory_space<semaphore_mem>> -> memref<!tpu.dma_semaphore, #tpu.memory_space<semaphore_mem>>
    tpu.enqueue_indirect_dma source(%dma_start3A_387 : memref<1000000x64xf32, #tpu.memory_space<hbm>>) target(%dma_start3A_381 : memref<128x64xf32, #tpu.memory_space<vmem>>) offsets(%dma_start3A_384 : memref<128xi32, #tpu.memory_space<vmem>>) semaphore(%dma_start3A_389 : memref<!tpu.dma_semaphore, #tpu.memory_space<semaphore_mem>>)
    %dma_wait3A_390 = arith.constant 6 : i32
    %dma_wait3A_391 = arith.constant 6 : i32
    %dma_wait3A_392 = arith.constant 0 : i32
    %dma_wait3A_393 = arith.constant 0 : i32
    %dma_wait3A_394 = tpu.memref_slice %arg7[%dma_wait3A_390, %dma_wait3A_392, %dma_wait3A_393] : memref<8x128x64xf32, #tpu.memory_space<vmem>> -> memref<1x128x64xf32, #tpu.memory_space<vmem>>
    %dma_wait3A_395 = tpu.memref_squeeze %dma_wait3A_394 : memref<1x128x64xf32, #tpu.memory_space<vmem>> -> memref<128x64xf32, #tpu.memory_space<vmem>>
    %dma_wait3A_396 = arith.constant 0 : i32
    %dma_wait3A_397 = arith.constant 0 : i32
    %dma_wait3A_398 = tpu.memref_slice %arg3[%dma_wait3A_396, %dma_wait3A_397] : memref<1000000x64xf32, #tpu.memory_space<hbm>> -> memref<128x64xf32, #tpu.memory_space<hbm>>
    %dma_wait3A_399 = tpu.memref_slice %arg8[%dma_wait3A_391] : memref<8x!tpu.dma_semaphore, #tpu.memory_space<semaphore_mem>> -> memref<1x!tpu.dma_semaphore, #tpu.memory_space<semaphore_mem>>
    %dma_wait3A_400 = tpu.memref_squeeze %dma_wait3A_399 : memref<1x!tpu.dma_semaphore, #tpu.memory_space<semaphore_mem>> -> memref<!tpu.dma_semaphore, #tpu.memory_space<semaphore_mem>>
    %dma_wait3A_401 = arith.constant 0 : i32
    %dma_wait3A_402 = arith.constant 0 : i32
    %dma_wait3A_403 = tpu.memref_slice %arg7[%dma_wait3A_390, %dma_wait3A_401, %dma_wait3A_402] : memref<8x128x64xf32, #tpu.memory_space<vmem>> -> memref<1x128x64xf32, #tpu.memory_space<vmem>>
    %dma_wait3A_404 = tpu.memref_squeeze %dma_wait3A_403 : memref<1x128x64xf32, #tpu.memory_space<vmem>> -> memref<128x64xf32, #tpu.memory_space<vmem>>
    %dma_wait3A_405 = arith.constant 0 : i32
    %dma_wait3A_406 = arith.constant 0 : i32
    %dma_wait3A_407 = tpu.memref_slice %arg3[%dma_wait3A_405, %dma_wait3A_406] : memref<1000000x64xf32, #tpu.memory_space<hbm>> -> memref<128x64xf32, #tpu.memory_space<hbm>>
    tpu.wait_dma2 semaphore(%dma_wait3A_400 : memref<!tpu.dma_semaphore, #tpu.memory_space<semaphore_mem>>) src(%dma_wait3A_407 : memref<128x64xf32, #tpu.memory_space<hbm>>) dst(%dma_wait3A_404 : memref<128x64xf32, #tpu.memory_space<vmem>>)
    %dma_start3A_408 = arith.constant 6 : i32
    %dma_start3A_409 = arith.constant 6 : i32
    %dma_start3A_410 = arith.constant 6 : i32
    %dma_start3A_411 = arith.constant 0 : i32
    %dma_start3A_412 = arith.constant 0 : i32
    %dma_start3A_413 = tpu.memref_slice %arg7[%dma_start3A_408, %dma_start3A_411, %dma_start3A_412] : memref<8x128x64xf32, #tpu.memory_space<vmem>> -> memref<1x128x64xf32, #tpu.memory_space<vmem>>
    %dma_start3A_414 = tpu.memref_squeeze %dma_start3A_413 : memref<1x128x64xf32, #tpu.memory_space<vmem>> -> memref<128x64xf32, #tpu.memory_space<vmem>>
    %dma_start3A_415 = arith.constant 0 : i32
    %dma_start3A_416 = tpu.memref_slice %arg6[%dma_start3A_409, %dma_start3A_415] : memref<80x128xi32, #tpu.memory_space<vmem>> -> memref<1x128xi32, #tpu.memory_space<vmem>>
    %dma_start3A_417 = tpu.memref_squeeze %dma_start3A_416 : memref<1x128xi32, #tpu.memory_space<vmem>> -> memref<128xi32, #tpu.memory_space<vmem>>
    %dma_start3A_418 = arith.constant 0 : i32
    %dma_start3A_419 = arith.constant 0 : i32
    %dma_start3A_420 = tpu.memref_slice %arg4[%dma_start3A_418, %dma_start3A_419] : memref<327680x64xf32, #tpu.memory_space<hbm>> -> memref<327680x64xf32, #tpu.memory_space<hbm>>
    %dma_start3A_421 = tpu.memref_slice %arg9[%dma_start3A_410] : memref<8x!tpu.dma_semaphore, #tpu.memory_space<semaphore_mem>> -> memref<1x!tpu.dma_semaphore, #tpu.memory_space<semaphore_mem>>
    %dma_start3A_422 = tpu.memref_squeeze %dma_start3A_421 : memref<1x!tpu.dma_semaphore, #tpu.memory_space<semaphore_mem>> -> memref<!tpu.dma_semaphore, #tpu.memory_space<semaphore_mem>>
    tpu.enqueue_indirect_dma source(%dma_start3A_414 : memref<128x64xf32, #tpu.memory_space<vmem>>) target(%dma_start3A_420 : memref<327680x64xf32, #tpu.memory_space<hbm>>) offsets(%dma_start3A_417 : memref<128xi32, #tpu.memory_space<vmem>>) semaphore(%dma_start3A_422 : memref<!tpu.dma_semaphore, #tpu.memory_space<semaphore_mem>>)
    %dma_wait3A_423 = arith.constant 2 : i32
    %dma_wait3A_424 = arith.constant 2 : i32
    %dma_wait3A_425 = arith.constant 0 : i32
    %dma_wait3A_426 = arith.constant 0 : i32
    %dma_wait3A_427 = tpu.memref_slice %arg7[%dma_wait3A_423, %dma_wait3A_425, %dma_wait3A_426] : memref<8x128x64xf32, #tpu.memory_space<vmem>> -> memref<1x128x64xf32, #tpu.memory_space<vmem>>
    %dma_wait3A_428 = tpu.memref_squeeze %dma_wait3A_427 : memref<1x128x64xf32, #tpu.memory_space<vmem>> -> memref<128x64xf32, #tpu.memory_space<vmem>>
    %dma_wait3A_429 = arith.constant 0 : i32
    %dma_wait3A_430 = arith.constant 0 : i32
    %dma_wait3A_431 = tpu.memref_slice %arg4[%dma_wait3A_429, %dma_wait3A_430] : memref<327680x64xf32, #tpu.memory_space<hbm>> -> memref<128x64xf32, #tpu.memory_space<hbm>>
    %dma_wait3A_432 = tpu.memref_slice %arg9[%dma_wait3A_424] : memref<8x!tpu.dma_semaphore, #tpu.memory_space<semaphore_mem>> -> memref<1x!tpu.dma_semaphore, #tpu.memory_space<semaphore_mem>>
    %dma_wait3A_433 = tpu.memref_squeeze %dma_wait3A_432 : memref<1x!tpu.dma_semaphore, #tpu.memory_space<semaphore_mem>> -> memref<!tpu.dma_semaphore, #tpu.memory_space<semaphore_mem>>
    %dma_wait3A_434 = arith.constant 0 : i32
    %dma_wait3A_435 = arith.constant 0 : i32
    %dma_wait3A_436 = tpu.memref_slice %arg4[%dma_wait3A_434, %dma_wait3A_435] : memref<327680x64xf32, #tpu.memory_space<hbm>> -> memref<128x64xf32, #tpu.memory_space<hbm>>
    %dma_wait3A_437 = arith.constant 0 : i32
    %dma_wait3A_438 = arith.constant 0 : i32
    %dma_wait3A_439 = tpu.memref_slice %arg7[%dma_wait3A_423, %dma_wait3A_437, %dma_wait3A_438] : memref<8x128x64xf32, #tpu.memory_space<vmem>> -> memref<1x128x64xf32, #tpu.memory_space<vmem>>
    %dma_wait3A_440 = tpu.memref_squeeze %dma_wait3A_439 : memref<1x128x64xf32, #tpu.memory_space<vmem>> -> memref<128x64xf32, #tpu.memory_space<vmem>>
    tpu.wait_dma2 semaphore(%dma_wait3A_433 : memref<!tpu.dma_semaphore, #tpu.memory_space<semaphore_mem>>) src(%dma_wait3A_440 : memref<128x64xf32, #tpu.memory_space<vmem>>) dst(%dma_wait3A_436 : memref<128x64xf32, #tpu.memory_space<hbm>>)
    %dma_start3A_441 = arith.constant 10 : i32
    %dma_start3A_442 = arith.constant 2 : i32
    %dma_start3A_443 = arith.constant 2 : i32
    %dma_start3A_444 = arith.constant 0 : i32
    %dma_start3A_445 = arith.constant 0 : i32
    %dma_start3A_446 = tpu.memref_slice %arg7[%dma_start3A_442, %dma_start3A_444, %dma_start3A_445] : memref<8x128x64xf32, #tpu.memory_space<vmem>> -> memref<1x128x64xf32, #tpu.memory_space<vmem>>
    %dma_start3A_447 = tpu.memref_squeeze %dma_start3A_446 : memref<1x128x64xf32, #tpu.memory_space<vmem>> -> memref<128x64xf32, #tpu.memory_space<vmem>>
    %dma_start3A_448 = arith.constant 0 : i32
    %dma_start3A_449 = tpu.memref_slice %arg5[%dma_start3A_441, %dma_start3A_448] : memref<80x128xi32, #tpu.memory_space<vmem>> -> memref<1x128xi32, #tpu.memory_space<vmem>>
    %dma_start3A_450 = tpu.memref_squeeze %dma_start3A_449 : memref<1x128xi32, #tpu.memory_space<vmem>> -> memref<128xi32, #tpu.memory_space<vmem>>
    %dma_start3A_451 = arith.constant 0 : i32
    %dma_start3A_452 = arith.constant 0 : i32
    %dma_start3A_453 = tpu.memref_slice %arg3[%dma_start3A_451, %dma_start3A_452] : memref<1000000x64xf32, #tpu.memory_space<hbm>> -> memref<1000000x64xf32, #tpu.memory_space<hbm>>
    %dma_start3A_454 = tpu.memref_slice %arg8[%dma_start3A_443] : memref<8x!tpu.dma_semaphore, #tpu.memory_space<semaphore_mem>> -> memref<1x!tpu.dma_semaphore, #tpu.memory_space<semaphore_mem>>
    %dma_start3A_455 = tpu.memref_squeeze %dma_start3A_454 : memref<1x!tpu.dma_semaphore, #tpu.memory_space<semaphore_mem>> -> memref<!tpu.dma_semaphore, #tpu.memory_space<semaphore_mem>>
    tpu.enqueue_indirect_dma source(%dma_start3A_453 : memref<1000000x64xf32, #tpu.memory_space<hbm>>) target(%dma_start3A_447 : memref<128x64xf32, #tpu.memory_space<vmem>>) offsets(%dma_start3A_450 : memref<128xi32, #tpu.memory_space<vmem>>) semaphore(%dma_start3A_455 : memref<!tpu.dma_semaphore, #tpu.memory_space<semaphore_mem>>)
    %dma_wait3A_456 = arith.constant 7 : i32
    %dma_wait3A_457 = arith.constant 7 : i32
    %dma_wait3A_458 = arith.constant 0 : i32
    %dma_wait3A_459 = arith.constant 0 : i32
    %dma_wait3A_460 = tpu.memref_slice %arg7[%dma_wait3A_456, %dma_wait3A_458, %dma_wait3A_459] : memref<8x128x64xf32, #tpu.memory_space<vmem>> -> memref<1x128x64xf32, #tpu.memory_space<vmem>>
    %dma_wait3A_461 = tpu.memref_squeeze %dma_wait3A_460 : memref<1x128x64xf32, #tpu.memory_space<vmem>> -> memref<128x64xf32, #tpu.memory_space<vmem>>
    %dma_wait3A_462 = arith.constant 0 : i32
    %dma_wait3A_463 = arith.constant 0 : i32
    %dma_wait3A_464 = tpu.memref_slice %arg3[%dma_wait3A_462, %dma_wait3A_463] : memref<1000000x64xf32, #tpu.memory_space<hbm>> -> memref<128x64xf32, #tpu.memory_space<hbm>>
    %dma_wait3A_465 = tpu.memref_slice %arg8[%dma_wait3A_457] : memref<8x!tpu.dma_semaphore, #tpu.memory_space<semaphore_mem>> -> memref<1x!tpu.dma_semaphore, #tpu.memory_space<semaphore_mem>>
    %dma_wait3A_466 = tpu.memref_squeeze %dma_wait3A_465 : memref<1x!tpu.dma_semaphore, #tpu.memory_space<semaphore_mem>> -> memref<!tpu.dma_semaphore, #tpu.memory_space<semaphore_mem>>
    %dma_wait3A_467 = arith.constant 0 : i32
    %dma_wait3A_468 = arith.constant 0 : i32
    %dma_wait3A_469 = tpu.memref_slice %arg7[%dma_wait3A_456, %dma_wait3A_467, %dma_wait3A_468] : memref<8x128x64xf32, #tpu.memory_space<vmem>> -> memref<1x128x64xf32, #tpu.memory_space<vmem>>
    %dma_wait3A_470 = tpu.memref_squeeze %dma_wait3A_469 : memref<1x128x64xf32, #tpu.memory_space<vmem>> -> memref<128x64xf32, #tpu.memory_space<vmem>>
    %dma_wait3A_471 = arith.constant 0 : i32
    %dma_wait3A_472 = arith.constant 0 : i32
    %dma_wait3A_473 = tpu.memref_slice %arg3[%dma_wait3A_471, %dma_wait3A_472] : memref<1000000x64xf32, #tpu.memory_space<hbm>> -> memref<128x64xf32, #tpu.memory_space<hbm>>
    tpu.wait_dma2 semaphore(%dma_wait3A_466 : memref<!tpu.dma_semaphore, #tpu.memory_space<semaphore_mem>>) src(%dma_wait3A_473 : memref<128x64xf32, #tpu.memory_space<hbm>>) dst(%dma_wait3A_470 : memref<128x64xf32, #tpu.memory_space<vmem>>)
    %dma_start3A_474 = arith.constant 7 : i32
    %dma_start3A_475 = arith.constant 7 : i32
    %dma_start3A_476 = arith.constant 7 : i32
    %dma_start3A_477 = arith.constant 0 : i32
    %dma_start3A_478 = arith.constant 0 : i32
    %dma_start3A_479 = tpu.memref_slice %arg7[%dma_start3A_474, %dma_start3A_477, %dma_start3A_478] : memref<8x128x64xf32, #tpu.memory_space<vmem>> -> memref<1x128x64xf32, #tpu.memory_space<vmem>>
    %dma_start3A_480 = tpu.memref_squeeze %dma_start3A_479 : memref<1x128x64xf32, #tpu.memory_space<vmem>> -> memref<128x64xf32, #tpu.memory_space<vmem>>
    %dma_start3A_481 = arith.constant 0 : i32
    %dma_start3A_482 = tpu.memref_slice %arg6[%dma_start3A_475, %dma_start3A_481] : memref<80x128xi32, #tpu.memory_space<vmem>> -> memref<1x128xi32, #tpu.memory_space<vmem>>
    %dma_start3A_483 = tpu.memref_squeeze %dma_start3A_482 : memref<1x128xi32, #tpu.memory_space<vmem>> -> memref<128xi32, #tpu.memory_space<vmem>>
    %dma_start3A_484 = arith.constant 0 : i32
    %dma_start3A_485 = arith.constant 0 : i32
    %dma_start3A_486 = tpu.memref_slice %arg4[%dma_start3A_484, %dma_start3A_485] : memref<327680x64xf32, #tpu.memory_space<hbm>> -> memref<327680x64xf32, #tpu.memory_space<hbm>>
    %dma_start3A_487 = tpu.memref_slice %arg9[%dma_start3A_476] : memref<8x!tpu.dma_semaphore, #tpu.memory_space<semaphore_mem>> -> memref<1x!tpu.dma_semaphore, #tpu.memory_space<semaphore_mem>>
    %dma_start3A_488 = tpu.memref_squeeze %dma_start3A_487 : memref<1x!tpu.dma_semaphore, #tpu.memory_space<semaphore_mem>> -> memref<!tpu.dma_semaphore, #tpu.memory_space<semaphore_mem>>
    tpu.enqueue_indirect_dma source(%dma_start3A_480 : memref<128x64xf32, #tpu.memory_space<vmem>>) target(%dma_start3A_486 : memref<327680x64xf32, #tpu.memory_space<hbm>>) offsets(%dma_start3A_483 : memref<128xi32, #tpu.memory_space<vmem>>) semaphore(%dma_start3A_488 : memref<!tpu.dma_semaphore, #tpu.memory_space<semaphore_mem>>)
    %dma_wait3A_489 = arith.constant 3 : i32
    %dma_wait3A_490 = arith.constant 3 : i32
    %dma_wait3A_491 = arith.constant 0 : i32
    %dma_wait3A_492 = arith.constant 0 : i32
    %dma_wait3A_493 = tpu.memref_slice %arg7[%dma_wait3A_489, %dma_wait3A_491, %dma_wait3A_492] : memref<8x128x64xf32, #tpu.memory_space<vmem>> -> memref<1x128x64xf32, #tpu.memory_space<vmem>>
    %dma_wait3A_494 = tpu.memref_squeeze %dma_wait3A_493 : memref<1x128x64xf32, #tpu.memory_space<vmem>> -> memref<128x64xf32, #tpu.memory_space<vmem>>
    %dma_wait3A_495 = arith.constant 0 : i32
    %dma_wait3A_496 = arith.constant 0 : i32
    %dma_wait3A_497 = tpu.memref_slice %arg4[%dma_wait3A_495, %dma_wait3A_496] : memref<327680x64xf32, #tpu.memory_space<hbm>> -> memref<128x64xf32, #tpu.memory_space<hbm>>
    %dma_wait3A_498 = tpu.memref_slice %arg9[%dma_wait3A_490] : memref<8x!tpu.dma_semaphore, #tpu.memory_space<semaphore_mem>> -> memref<1x!tpu.dma_semaphore, #tpu.memory_space<semaphore_mem>>
    %dma_wait3A_499 = tpu.memref_squeeze %dma_wait3A_498 : memref<1x!tpu.dma_semaphore, #tpu.memory_space<semaphore_mem>> -> memref<!tpu.dma_semaphore, #tpu.memory_space<semaphore_mem>>
    %dma_wait3A_500 = arith.constant 0 : i32
    %dma_wait3A_501 = arith.constant 0 : i32
    %dma_wait3A_502 = tpu.memref_slice %arg4[%dma_wait3A_500, %dma_wait3A_501] : memref<327680x64xf32, #tpu.memory_space<hbm>> -> memref<128x64xf32, #tpu.memory_space<hbm>>
    %dma_wait3A_503 = arith.constant 0 : i32
    %dma_wait3A_504 = arith.constant 0 : i32
    %dma_wait3A_505 = tpu.memref_slice %arg7[%dma_wait3A_489, %dma_wait3A_503, %dma_wait3A_504] : memref<8x128x64xf32, #tpu.memory_space<vmem>> -> memref<1x128x64xf32, #tpu.memory_space<vmem>>
    %dma_wait3A_506 = tpu.memref_squeeze %dma_wait3A_505 : memref<1x128x64xf32, #tpu.memory_space<vmem>> -> memref<128x64xf32, #tpu.memory_space<vmem>>
    tpu.wait_dma2 semaphore(%dma_wait3A_499 : memref<!tpu.dma_semaphore, #tpu.memory_space<semaphore_mem>>) src(%dma_wait3A_506 : memref<128x64xf32, #tpu.memory_space<vmem>>) dst(%dma_wait3A_502 : memref<128x64xf32, #tpu.memory_space<hbm>>)
    %dma_start3A_507 = arith.constant 11 : i32
    %dma_start3A_508 = arith.constant 3 : i32
    %dma_start3A_509 = arith.constant 3 : i32
    %dma_start3A_510 = arith.constant 0 : i32
    %dma_start3A_511 = arith.constant 0 : i32
    %dma_start3A_512 = tpu.memref_slice %arg7[%dma_start3A_508, %dma_start3A_510, %dma_start3A_511] : memref<8x128x64xf32, #tpu.memory_space<vmem>> -> memref<1x128x64xf32, #tpu.memory_space<vmem>>
    %dma_start3A_513 = tpu.memref_squeeze %dma_start3A_512 : memref<1x128x64xf32, #tpu.memory_space<vmem>> -> memref<128x64xf32, #tpu.memory_space<vmem>>
    %dma_start3A_514 = arith.constant 0 : i32
    %dma_start3A_515 = tpu.memref_slice %arg5[%dma_start3A_507, %dma_start3A_514] : memref<80x128xi32, #tpu.memory_space<vmem>> -> memref<1x128xi32, #tpu.memory_space<vmem>>
    %dma_start3A_516 = tpu.memref_squeeze %dma_start3A_515 : memref<1x128xi32, #tpu.memory_space<vmem>> -> memref<128xi32, #tpu.memory_space<vmem>>
    %dma_start3A_517 = arith.constant 0 : i32
    %dma_start3A_518 = arith.constant 0 : i32
    %dma_start3A_519 = tpu.memref_slice %arg3[%dma_start3A_517, %dma_start3A_518] : memref<1000000x64xf32, #tpu.memory_space<hbm>> -> memref<1000000x64xf32, #tpu.memory_space<hbm>>
    %dma_start3A_520 = tpu.memref_slice %arg8[%dma_start3A_509] : memref<8x!tpu.dma_semaphore, #tpu.memory_space<semaphore_mem>> -> memref<1x!tpu.dma_semaphore, #tpu.memory_space<semaphore_mem>>
    %dma_start3A_521 = tpu.memref_squeeze %dma_start3A_520 : memref<1x!tpu.dma_semaphore, #tpu.memory_space<semaphore_mem>> -> memref<!tpu.dma_semaphore, #tpu.memory_space<semaphore_mem>>
    tpu.enqueue_indirect_dma source(%dma_start3A_519 : memref<1000000x64xf32, #tpu.memory_space<hbm>>) target(%dma_start3A_513 : memref<128x64xf32, #tpu.memory_space<vmem>>) offsets(%dma_start3A_516 : memref<128xi32, #tpu.memory_space<vmem>>) semaphore(%dma_start3A_521 : memref<!tpu.dma_semaphore, #tpu.memory_space<semaphore_mem>>)
    %scan3A_522 = arith.constant 0 : i32
    %scan3A_523 = arith.constant 1 : i32
    %scan3A_524 = arith.constant 8 : i32
    %scan3A_525 = arith.addi %scan3A_523, %scan3A_524 : i32
    %scan3A_526 = arith.constant 1 : i32
    scf.for %scan3A_1068 = %scan3A_523 to %scan3A_525 step %scan3A_526  : i32 {
      %mul3A_1069 = arith.constant 8 : i32
      %mul3A_1070 = arith.muli %scan3A_1068, %mul3A_1069 : i32
      %add3A_1071 = arith.constant 0 : i32
      %add3A_1072 = arith.addi %mul3A_1070, %add3A_1071 : i32
      %dma_wait3A_1073 = arith.constant 0 : i32
      %dma_wait3A_1074 = arith.constant 0 : i32
      %dma_wait3A_1075 = arith.constant 0 : i32
      %dma_wait3A_1076 = arith.constant 0 : i32
      %dma_wait3A_1077 = tpu.memref_slice %arg7[%dma_wait3A_1073, %dma_wait3A_1075, %dma_wait3A_1076] : memref<8x128x64xf32, #tpu.memory_space<vmem>> -> memref<1x128x64xf32, #tpu.memory_space<vmem>>
      %dma_wait3A_1078 = tpu.memref_squeeze %dma_wait3A_1077 : memref<1x128x64xf32, #tpu.memory_space<vmem>> -> memref<128x64xf32, #tpu.memory_space<vmem>>
      %dma_wait3A_1079 = arith.constant 0 : i32
      %dma_wait3A_1080 = arith.constant 0 : i32
      %dma_wait3A_1081 = tpu.memref_slice %arg3[%dma_wait3A_1079, %dma_wait3A_1080] : memref<1000000x64xf32, #tpu.memory_space<hbm>> -> memref<128x64xf32, #tpu.memory_space<hbm>>
      %dma_wait3A_1082 = tpu.memref_slice %arg8[%dma_wait3A_1074] : memref<8x!tpu.dma_semaphore, #tpu.memory_space<semaphore_mem>> -> memref<1x!tpu.dma_semaphore, #tpu.memory_space<semaphore_mem>>
      %dma_wait3A_1083 = tpu.memref_squeeze %dma_wait3A_1082 : memref<1x!tpu.dma_semaphore, #tpu.memory_space<semaphore_mem>> -> memref<!tpu.dma_semaphore, #tpu.memory_space<semaphore_mem>>
      %dma_wait3A_1084 = arith.constant 0 : i32
      %dma_wait3A_1085 = arith.constant 0 : i32
      %dma_wait3A_1086 = tpu.memref_slice %arg7[%dma_wait3A_1073, %dma_wait3A_1084, %dma_wait3A_1085] : memref<8x128x64xf32, #tpu.memory_space<vmem>> -> memref<1x128x64xf32, #tpu.memory_space<vmem>>
      %dma_wait3A_1087 = tpu.memref_squeeze %dma_wait3A_1086 : memref<1x128x64xf32, #tpu.memory_space<vmem>> -> memref<128x64xf32, #tpu.memory_space<vmem>>
      %dma_wait3A_1088 = arith.constant 0 : i32
      %dma_wait3A_1089 = arith.constant 0 : i32
      %dma_wait3A_1090 = tpu.memref_slice %arg3[%dma_wait3A_1088, %dma_wait3A_1089] : memref<1000000x64xf32, #tpu.memory_space<hbm>> -> memref<128x64xf32, #tpu.memory_space<hbm>>
      tpu.wait_dma2 semaphore(%dma_wait3A_1083 : memref<!tpu.dma_semaphore, #tpu.memory_space<semaphore_mem>>) src(%dma_wait3A_1090 : memref<128x64xf32, #tpu.memory_space<hbm>>) dst(%dma_wait3A_1087 : memref<128x64xf32, #tpu.memory_space<vmem>>)
      %dma_start3A_1091 = arith.constant 0 : i32
      %dma_start3A_1092 = arith.constant 0 : i32
      %dma_start3A_1093 = arith.constant 0 : i32
      %dma_start3A_1094 = arith.constant 0 : i32
      %dma_start3A_1095 = tpu.memref_slice %arg7[%dma_start3A_1091, %dma_start3A_1093, %dma_start3A_1094] : memref<8x128x64xf32, #tpu.memory_space<vmem>> -> memref<1x128x64xf32, #tpu.memory_space<vmem>>
      %dma_start3A_1096 = tpu.memref_squeeze %dma_start3A_1095 : memref<1x128x64xf32, #tpu.memory_space<vmem>> -> memref<128x64xf32, #tpu.memory_space<vmem>>
      %dma_start3A_1097 = arith.constant 0 : i32
      %dma_start3A_1098 = tpu.memref_slice %arg6[%add3A_1072, %dma_start3A_1097] : memref<80x128xi32, #tpu.memory_space<vmem>> -> memref<1x128xi32, #tpu.memory_space<vmem>>
      %dma_start3A_1099 = tpu.memref_squeeze %dma_start3A_1098 : memref<1x128xi32, #tpu.memory_space<vmem>> -> memref<128xi32, #tpu.memory_space<vmem>>
      %dma_start3A_1100 = arith.constant 0 : i32
      %dma_start3A_1101 = arith.constant 0 : i32
      %dma_start3A_1102 = tpu.memref_slice %arg4[%dma_start3A_1100, %dma_start3A_1101] : memref<327680x64xf32, #tpu.memory_space<hbm>> -> memref<327680x64xf32, #tpu.memory_space<hbm>>
      %dma_start3A_1103 = tpu.memref_slice %arg9[%dma_start3A_1092] : memref<8x!tpu.dma_semaphore, #tpu.memory_space<semaphore_mem>> -> memref<1x!tpu.dma_semaphore, #tpu.memory_space<semaphore_mem>>
      %dma_start3A_1104 = tpu.memref_squeeze %dma_start3A_1103 : memref<1x!tpu.dma_semaphore, #tpu.memory_space<semaphore_mem>> -> memref<!tpu.dma_semaphore, #tpu.memory_space<semaphore_mem>>
      tpu.enqueue_indirect_dma source(%dma_start3A_1096 : memref<128x64xf32, #tpu.memory_space<vmem>>) target(%dma_start3A_1102 : memref<327680x64xf32, #tpu.memory_space<hbm>>) offsets(%dma_start3A_1099 : memref<128xi32, #tpu.memory_space<vmem>>) semaphore(%dma_start3A_1104 : memref<!tpu.dma_semaphore, #tpu.memory_space<semaphore_mem>>)
      %dma_wait3A_1105 = arith.constant 4 : i32
      %dma_wait3A_1106 = arith.constant 4 : i32
      %dma_wait3A_1107 = arith.constant 0 : i32
      %dma_wait3A_1108 = arith.constant 0 : i32
      %dma_wait3A_1109 = tpu.memref_slice %arg7[%dma_wait3A_1105, %dma_wait3A_1107, %dma_wait3A_1108] : memref<8x128x64xf32, #tpu.memory_space<vmem>> -> memref<1x128x64xf32, #tpu.memory_space<vmem>>
      %dma_wait3A_1110 = tpu.memref_squeeze %dma_wait3A_1109 : memref<1x128x64xf32, #tpu.memory_space<vmem>> -> memref<128x64xf32, #tpu.memory_space<vmem>>
      %dma_wait3A_1111 = arith.constant 0 : i32
      %dma_wait3A_1112 = arith.constant 0 : i32
      %dma_wait3A_1113 = tpu.memref_slice %arg4[%dma_wait3A_1111, %dma_wait3A_1112] : memref<327680x64xf32, #tpu.memory_space<hbm>> -> memref<128x64xf32, #tpu.memory_space<hbm>>
      %dma_wait3A_1114 = tpu.memref_slice %arg9[%dma_wait3A_1106] : memref<8x!tpu.dma_semaphore, #tpu.memory_space<semaphore_mem>> -> memref<1x!tpu.dma_semaphore, #tpu.memory_space<semaphore_mem>>
      %dma_wait3A_1115 = tpu.memref_squeeze %dma_wait3A_1114 : memref<1x!tpu.dma_semaphore, #tpu.memory_space<semaphore_mem>> -> memref<!tpu.dma_semaphore, #tpu.memory_space<semaphore_mem>>
      %dma_wait3A_1116 = arith.constant 0 : i32
      %dma_wait3A_1117 = arith.constant 0 : i32
      %dma_wait3A_1118 = tpu.memref_slice %arg4[%dma_wait3A_1116, %dma_wait3A_1117] : memref<327680x64xf32, #tpu.memory_space<hbm>> -> memref<128x64xf32, #tpu.memory_space<hbm>>
      %dma_wait3A_1119 = arith.constant 0 : i32
      %dma_wait3A_1120 = arith.constant 0 : i32
      %dma_wait3A_1121 = tpu.memref_slice %arg7[%dma_wait3A_1105, %dma_wait3A_1119, %dma_wait3A_1120] : memref<8x128x64xf32, #tpu.memory_space<vmem>> -> memref<1x128x64xf32, #tpu.memory_space<vmem>>
      %dma_wait3A_1122 = tpu.memref_squeeze %dma_wait3A_1121 : memref<1x128x64xf32, #tpu.memory_space<vmem>> -> memref<128x64xf32, #tpu.memory_space<vmem>>
      tpu.wait_dma2 semaphore(%dma_wait3A_1115 : memref<!tpu.dma_semaphore, #tpu.memory_space<semaphore_mem>>) src(%dma_wait3A_1122 : memref<128x64xf32, #tpu.memory_space<vmem>>) dst(%dma_wait3A_1118 : memref<128x64xf32, #tpu.memory_space<hbm>>)
      %add3A_1123 = arith.constant 4 : i32
      %add3A_1124 = arith.addi %add3A_1072, %add3A_1123 : i32
      %dma_start3A_1125 = arith.constant 4 : i32
      %dma_start3A_1126 = arith.constant 4 : i32
      %dma_start3A_1127 = arith.constant 0 : i32
      %dma_start3A_1128 = arith.constant 0 : i32
      %dma_start3A_1129 = tpu.memref_slice %arg7[%dma_start3A_1125, %dma_start3A_1127, %dma_start3A_1128] : memref<8x128x64xf32, #tpu.memory_space<vmem>> -> memref<1x128x64xf32, #tpu.memory_space<vmem>>
      %dma_start3A_1130 = tpu.memref_squeeze %dma_start3A_1129 : memref<1x128x64xf32, #tpu.memory_space<vmem>> -> memref<128x64xf32, #tpu.memory_space<vmem>>
      %dma_start3A_1131 = arith.constant 0 : i32
      %dma_start3A_1132 = tpu.memref_slice %arg5[%add3A_1124, %dma_start3A_1131] : memref<80x128xi32, #tpu.memory_space<vmem>> -> memref<1x128xi32, #tpu.memory_space<vmem>>
      %dma_start3A_1133 = tpu.memref_squeeze %dma_start3A_1132 : memref<1x128xi32, #tpu.memory_space<vmem>> -> memref<128xi32, #tpu.memory_space<vmem>>
      %dma_start3A_1134 = arith.constant 0 : i32
      %dma_start3A_1135 = arith.constant 0 : i32
      %dma_start3A_1136 = tpu.memref_slice %arg3[%dma_start3A_1134, %dma_start3A_1135] : memref<1000000x64xf32, #tpu.memory_space<hbm>> -> memref<1000000x64xf32, #tpu.memory_space<hbm>>
      %dma_start3A_1137 = tpu.memref_slice %arg8[%dma_start3A_1126] : memref<8x!tpu.dma_semaphore, #tpu.memory_space<semaphore_mem>> -> memref<1x!tpu.dma_semaphore, #tpu.memory_space<semaphore_mem>>
      %dma_start3A_1138 = tpu.memref_squeeze %dma_start3A_1137 : memref<1x!tpu.dma_semaphore, #tpu.memory_space<semaphore_mem>> -> memref<!tpu.dma_semaphore, #tpu.memory_space<semaphore_mem>>
      tpu.enqueue_indirect_dma source(%dma_start3A_1136 : memref<1000000x64xf32, #tpu.memory_space<hbm>>) target(%dma_start3A_1130 : memref<128x64xf32, #tpu.memory_space<vmem>>) offsets(%dma_start3A_1133 : memref<128xi32, #tpu.memory_space<vmem>>) semaphore(%dma_start3A_1138 : memref<!tpu.dma_semaphore, #tpu.memory_space<semaphore_mem>>)
      %mul3A_1139 = arith.constant 8 : i32
      %mul3A_1140 = arith.muli %scan3A_1068, %mul3A_1139 : i32
      %add3A_1141 = arith.constant 1 : i32
      %add3A_1142 = arith.addi %mul3A_1140, %add3A_1141 : i32
      %dma_wait3A_1143 = arith.constant 1 : i32
      %dma_wait3A_1144 = arith.constant 1 : i32
      %dma_wait3A_1145 = arith.constant 0 : i32
      %dma_wait3A_1146 = arith.constant 0 : i32
      %dma_wait3A_1147 = tpu.memref_slice %arg7[%dma_wait3A_1143, %dma_wait3A_1145, %dma_wait3A_1146] : memref<8x128x64xf32, #tpu.memory_space<vmem>> -> memref<1x128x64xf32, #tpu.memory_space<vmem>>
      %dma_wait3A_1148 = tpu.memref_squeeze %dma_wait3A_1147 : memref<1x128x64xf32, #tpu.memory_space<vmem>> -> memref<128x64xf32, #tpu.memory_space<vmem>>
      %dma_wait3A_1149 = arith.constant 0 : i32
      %dma_wait3A_1150 = arith.constant 0 : i32
      %dma_wait3A_1151 = tpu.memref_slice %arg3[%dma_wait3A_1149, %dma_wait3A_1150] : memref<1000000x64xf32, #tpu.memory_space<hbm>> -> memref<128x64xf32, #tpu.memory_space<hbm>>
      %dma_wait3A_1152 = tpu.memref_slice %arg8[%dma_wait3A_1144] : memref<8x!tpu.dma_semaphore, #tpu.memory_space<semaphore_mem>> -> memref<1x!tpu.dma_semaphore, #tpu.memory_space<semaphore_mem>>
      %dma_wait3A_1153 = tpu.memref_squeeze %dma_wait3A_1152 : memref<1x!tpu.dma_semaphore, #tpu.memory_space<semaphore_mem>> -> memref<!tpu.dma_semaphore, #tpu.memory_space<semaphore_mem>>
      %dma_wait3A_1154 = arith.constant 0 : i32
      %dma_wait3A_1155 = arith.constant 0 : i32
      %dma_wait3A_1156 = tpu.memref_slice %arg7[%dma_wait3A_1143, %dma_wait3A_1154, %dma_wait3A_1155] : memref<8x128x64xf32, #tpu.memory_space<vmem>> -> memref<1x128x64xf32, #tpu.memory_space<vmem>>
      %dma_wait3A_1157 = tpu.memref_squeeze %dma_wait3A_1156 : memref<1x128x64xf32, #tpu.memory_space<vmem>> -> memref<128x64xf32, #tpu.memory_space<vmem>>
      %dma_wait3A_1158 = arith.constant 0 : i32
      %dma_wait3A_1159 = arith.constant 0 : i32
      %dma_wait3A_1160 = tpu.memref_slice %arg3[%dma_wait3A_1158, %dma_wait3A_1159] : memref<1000000x64xf32, #tpu.memory_space<hbm>> -> memref<128x64xf32, #tpu.memory_space<hbm>>
      tpu.wait_dma2 semaphore(%dma_wait3A_1153 : memref<!tpu.dma_semaphore, #tpu.memory_space<semaphore_mem>>) src(%dma_wait3A_1160 : memref<128x64xf32, #tpu.memory_space<hbm>>) dst(%dma_wait3A_1157 : memref<128x64xf32, #tpu.memory_space<vmem>>)
      %dma_start3A_1161 = arith.constant 1 : i32
      %dma_start3A_1162 = arith.constant 1 : i32
      %dma_start3A_1163 = arith.constant 0 : i32
      %dma_start3A_1164 = arith.constant 0 : i32
      %dma_start3A_1165 = tpu.memref_slice %arg7[%dma_start3A_1161, %dma_start3A_1163, %dma_start3A_1164] : memref<8x128x64xf32, #tpu.memory_space<vmem>> -> memref<1x128x64xf32, #tpu.memory_space<vmem>>
      %dma_start3A_1166 = tpu.memref_squeeze %dma_start3A_1165 : memref<1x128x64xf32, #tpu.memory_space<vmem>> -> memref<128x64xf32, #tpu.memory_space<vmem>>
      %dma_start3A_1167 = arith.constant 0 : i32
      %dma_start3A_1168 = tpu.memref_slice %arg6[%add3A_1142, %dma_start3A_1167] : memref<80x128xi32, #tpu.memory_space<vmem>> -> memref<1x128xi32, #tpu.memory_space<vmem>>
      %dma_start3A_1169 = tpu.memref_squeeze %dma_start3A_1168 : memref<1x128xi32, #tpu.memory_space<vmem>> -> memref<128xi32, #tpu.memory_space<vmem>>
      %dma_start3A_1170 = arith.constant 0 : i32
      %dma_start3A_1171 = arith.constant 0 : i32
      %dma_start3A_1172 = tpu.memref_slice %arg4[%dma_start3A_1170, %dma_start3A_1171] : memref<327680x64xf32, #tpu.memory_space<hbm>> -> memref<327680x64xf32, #tpu.memory_space<hbm>>
      %dma_start3A_1173 = tpu.memref_slice %arg9[%dma_start3A_1162] : memref<8x!tpu.dma_semaphore, #tpu.memory_space<semaphore_mem>> -> memref<1x!tpu.dma_semaphore, #tpu.memory_space<semaphore_mem>>
      %dma_start3A_1174 = tpu.memref_squeeze %dma_start3A_1173 : memref<1x!tpu.dma_semaphore, #tpu.memory_space<semaphore_mem>> -> memref<!tpu.dma_semaphore, #tpu.memory_space<semaphore_mem>>
      tpu.enqueue_indirect_dma source(%dma_start3A_1166 : memref<128x64xf32, #tpu.memory_space<vmem>>) target(%dma_start3A_1172 : memref<327680x64xf32, #tpu.memory_space<hbm>>) offsets(%dma_start3A_1169 : memref<128xi32, #tpu.memory_space<vmem>>) semaphore(%dma_start3A_1174 : memref<!tpu.dma_semaphore, #tpu.memory_space<semaphore_mem>>)
      %dma_wait3A_1175 = arith.constant 5 : i32
      %dma_wait3A_1176 = arith.constant 5 : i32
      %dma_wait3A_1177 = arith.constant 0 : i32
      %dma_wait3A_1178 = arith.constant 0 : i32
      %dma_wait3A_1179 = tpu.memref_slice %arg7[%dma_wait3A_1175, %dma_wait3A_1177, %dma_wait3A_1178] : memref<8x128x64xf32, #tpu.memory_space<vmem>> -> memref<1x128x64xf32, #tpu.memory_space<vmem>>
      %dma_wait3A_1180 = tpu.memref_squeeze %dma_wait3A_1179 : memref<1x128x64xf32, #tpu.memory_space<vmem>> -> memref<128x64xf32, #tpu.memory_space<vmem>>
      %dma_wait3A_1181 = arith.constant 0 : i32
      %dma_wait3A_1182 = arith.constant 0 : i32
      %dma_wait3A_1183 = tpu.memref_slice %arg4[%dma_wait3A_1181, %dma_wait3A_1182] : memref<327680x64xf32, #tpu.memory_space<hbm>> -> memref<128x64xf32, #tpu.memory_space<hbm>>
      %dma_wait3A_1184 = tpu.memref_slice %arg9[%dma_wait3A_1176] : memref<8x!tpu.dma_semaphore, #tpu.memory_space<semaphore_mem>> -> memref<1x!tpu.dma_semaphore, #tpu.memory_space<semaphore_mem>>
      %dma_wait3A_1185 = tpu.memref_squeeze %dma_wait3A_1184 : memref<1x!tpu.dma_semaphore, #tpu.memory_space<semaphore_mem>> -> memref<!tpu.dma_semaphore, #tpu.memory_space<semaphore_mem>>
      %dma_wait3A_1186 = arith.constant 0 : i32
      %dma_wait3A_1187 = arith.constant 0 : i32
      %dma_wait3A_1188 = tpu.memref_slice %arg4[%dma_wait3A_1186, %dma_wait3A_1187] : memref<327680x64xf32, #tpu.memory_space<hbm>> -> memref<128x64xf32, #tpu.memory_space<hbm>>
      %dma_wait3A_1189 = arith.constant 0 : i32
      %dma_wait3A_1190 = arith.constant 0 : i32
      %dma_wait3A_1191 = tpu.memref_slice %arg7[%dma_wait3A_1175, %dma_wait3A_1189, %dma_wait3A_1190] : memref<8x128x64xf32, #tpu.memory_space<vmem>> -> memref<1x128x64xf32, #tpu.memory_space<vmem>>
      %dma_wait3A_1192 = tpu.memref_squeeze %dma_wait3A_1191 : memref<1x128x64xf32, #tpu.memory_space<vmem>> -> memref<128x64xf32, #tpu.memory_space<vmem>>
      tpu.wait_dma2 semaphore(%dma_wait3A_1185 : memref<!tpu.dma_semaphore, #tpu.memory_space<semaphore_mem>>) src(%dma_wait3A_1192 : memref<128x64xf32, #tpu.memory_space<vmem>>) dst(%dma_wait3A_1188 : memref<128x64xf32, #tpu.memory_space<hbm>>)
      %add3A_1193 = arith.constant 4 : i32
      %add3A_1194 = arith.addi %add3A_1142, %add3A_1193 : i32
      %dma_start3A_1195 = arith.constant 5 : i32
      %dma_start3A_1196 = arith.constant 5 : i32
      %dma_start3A_1197 = arith.constant 0 : i32
      %dma_start3A_1198 = arith.constant 0 : i32
      %dma_start3A_1199 = tpu.memref_slice %arg7[%dma_start3A_1195, %dma_start3A_1197, %dma_start3A_1198] : memref<8x128x64xf32, #tpu.memory_space<vmem>> -> memref<1x128x64xf32, #tpu.memory_space<vmem>>
      %dma_start3A_1200 = tpu.memref_squeeze %dma_start3A_1199 : memref<1x128x64xf32, #tpu.memory_space<vmem>> -> memref<128x64xf32, #tpu.memory_space<vmem>>
      %dma_start3A_1201 = arith.constant 0 : i32
      %dma_start3A_1202 = tpu.memref_slice %arg5[%add3A_1194, %dma_start3A_1201] : memref<80x128xi32, #tpu.memory_space<vmem>> -> memref<1x128xi32, #tpu.memory_space<vmem>>
      %dma_start3A_1203 = tpu.memref_squeeze %dma_start3A_1202 : memref<1x128xi32, #tpu.memory_space<vmem>> -> memref<128xi32, #tpu.memory_space<vmem>>
      %dma_start3A_1204 = arith.constant 0 : i32
      %dma_start3A_1205 = arith.constant 0 : i32
      %dma_start3A_1206 = tpu.memref_slice %arg3[%dma_start3A_1204, %dma_start3A_1205] : memref<1000000x64xf32, #tpu.memory_space<hbm>> -> memref<1000000x64xf32, #tpu.memory_space<hbm>>
      %dma_start3A_1207 = tpu.memref_slice %arg8[%dma_start3A_1196] : memref<8x!tpu.dma_semaphore, #tpu.memory_space<semaphore_mem>> -> memref<1x!tpu.dma_semaphore, #tpu.memory_space<semaphore_mem>>
      %dma_start3A_1208 = tpu.memref_squeeze %dma_start3A_1207 : memref<1x!tpu.dma_semaphore, #tpu.memory_space<semaphore_mem>> -> memref<!tpu.dma_semaphore, #tpu.memory_space<semaphore_mem>>
      tpu.enqueue_indirect_dma source(%dma_start3A_1206 : memref<1000000x64xf32, #tpu.memory_space<hbm>>) target(%dma_start3A_1200 : memref<128x64xf32, #tpu.memory_space<vmem>>) offsets(%dma_start3A_1203 : memref<128xi32, #tpu.memory_space<vmem>>) semaphore(%dma_start3A_1208 : memref<!tpu.dma_semaphore, #tpu.memory_space<semaphore_mem>>)
      %mul3A_1209 = arith.constant 8 : i32
      %mul3A_1210 = arith.muli %scan3A_1068, %mul3A_1209 : i32
      %add3A_1211 = arith.constant 2 : i32
      %add3A_1212 = arith.addi %mul3A_1210, %add3A_1211 : i32
      %dma_wait3A_1213 = arith.constant 2 : i32
      %dma_wait3A_1214 = arith.constant 2 : i32
      %dma_wait3A_1215 = arith.constant 0 : i32
      %dma_wait3A_1216 = arith.constant 0 : i32
      %dma_wait3A_1217 = tpu.memref_slice %arg7[%dma_wait3A_1213, %dma_wait3A_1215, %dma_wait3A_1216] : memref<8x128x64xf32, #tpu.memory_space<vmem>> -> memref<1x128x64xf32, #tpu.memory_space<vmem>>
      %dma_wait3A_1218 = tpu.memref_squeeze %dma_wait3A_1217 : memref<1x128x64xf32, #tpu.memory_space<vmem>> -> memref<128x64xf32, #tpu.memory_space<vmem>>
      %dma_wait3A_1219 = arith.constant 0 : i32
      %dma_wait3A_1220 = arith.constant 0 : i32
      %dma_wait3A_1221 = tpu.memref_slice %arg3[%dma_wait3A_1219, %dma_wait3A_1220] : memref<1000000x64xf32, #tpu.memory_space<hbm>> -> memref<128x64xf32, #tpu.memory_space<hbm>>
      %dma_wait3A_1222 = tpu.memref_slice %arg8[%dma_wait3A_1214] : memref<8x!tpu.dma_semaphore, #tpu.memory_space<semaphore_mem>> -> memref<1x!tpu.dma_semaphore, #tpu.memory_space<semaphore_mem>>
      %dma_wait3A_1223 = tpu.memref_squeeze %dma_wait3A_1222 : memref<1x!tpu.dma_semaphore, #tpu.memory_space<semaphore_mem>> -> memref<!tpu.dma_semaphore, #tpu.memory_space<semaphore_mem>>
      %dma_wait3A_1224 = arith.constant 0 : i32
      %dma_wait3A_1225 = arith.constant 0 : i32
      %dma_wait3A_1226 = tpu.memref_slice %arg7[%dma_wait3A_1213, %dma_wait3A_1224, %dma_wait3A_1225] : memref<8x128x64xf32, #tpu.memory_space<vmem>> -> memref<1x128x64xf32, #tpu.memory_space<vmem>>
      %dma_wait3A_1227 = tpu.memref_squeeze %dma_wait3A_1226 : memref<1x128x64xf32, #tpu.memory_space<vmem>> -> memref<128x64xf32, #tpu.memory_space<vmem>>
      %dma_wait3A_1228 = arith.constant 0 : i32
      %dma_wait3A_1229 = arith.constant 0 : i32
      %dma_wait3A_1230 = tpu.memref_slice %arg3[%dma_wait3A_1228, %dma_wait3A_1229] : memref<1000000x64xf32, #tpu.memory_space<hbm>> -> memref<128x64xf32, #tpu.memory_space<hbm>>
      tpu.wait_dma2 semaphore(%dma_wait3A_1223 : memref<!tpu.dma_semaphore, #tpu.memory_space<semaphore_mem>>) src(%dma_wait3A_1230 : memref<128x64xf32, #tpu.memory_space<hbm>>) dst(%dma_wait3A_1227 : memref<128x64xf32, #tpu.memory_space<vmem>>)
      %dma_start3A_1231 = arith.constant 2 : i32
      %dma_start3A_1232 = arith.constant 2 : i32
      %dma_start3A_1233 = arith.constant 0 : i32
      %dma_start3A_1234 = arith.constant 0 : i32
      %dma_start3A_1235 = tpu.memref_slice %arg7[%dma_start3A_1231, %dma_start3A_1233, %dma_start3A_1234] : memref<8x128x64xf32, #tpu.memory_space<vmem>> -> memref<1x128x64xf32, #tpu.memory_space<vmem>>
      %dma_start3A_1236 = tpu.memref_squeeze %dma_start3A_1235 : memref<1x128x64xf32, #tpu.memory_space<vmem>> -> memref<128x64xf32, #tpu.memory_space<vmem>>
      %dma_start3A_1237 = arith.constant 0 : i32
      %dma_start3A_1238 = tpu.memref_slice %arg6[%add3A_1212, %dma_start3A_1237] : memref<80x128xi32, #tpu.memory_space<vmem>> -> memref<1x128xi32, #tpu.memory_space<vmem>>
      %dma_start3A_1239 = tpu.memref_squeeze %dma_start3A_1238 : memref<1x128xi32, #tpu.memory_space<vmem>> -> memref<128xi32, #tpu.memory_space<vmem>>
      %dma_start3A_1240 = arith.constant 0 : i32
      %dma_start3A_1241 = arith.constant 0 : i32
      %dma_start3A_1242 = tpu.memref_slice %arg4[%dma_start3A_1240, %dma_start3A_1241] : memref<327680x64xf32, #tpu.memory_space<hbm>> -> memref<327680x64xf32, #tpu.memory_space<hbm>>
      %dma_start3A_1243 = tpu.memref_slice %arg9[%dma_start3A_1232] : memref<8x!tpu.dma_semaphore, #tpu.memory_space<semaphore_mem>> -> memref<1x!tpu.dma_semaphore, #tpu.memory_space<semaphore_mem>>
      %dma_start3A_1244 = tpu.memref_squeeze %dma_start3A_1243 : memref<1x!tpu.dma_semaphore, #tpu.memory_space<semaphore_mem>> -> memref<!tpu.dma_semaphore, #tpu.memory_space<semaphore_mem>>
      tpu.enqueue_indirect_dma source(%dma_start3A_1236 : memref<128x64xf32, #tpu.memory_space<vmem>>) target(%dma_start3A_1242 : memref<327680x64xf32, #tpu.memory_space<hbm>>) offsets(%dma_start3A_1239 : memref<128xi32, #tpu.memory_space<vmem>>) semaphore(%dma_start3A_1244 : memref<!tpu.dma_semaphore, #tpu.memory_space<semaphore_mem>>)
      %dma_wait3A_1245 = arith.constant 6 : i32
      %dma_wait3A_1246 = arith.constant 6 : i32
      %dma_wait3A_1247 = arith.constant 0 : i32
      %dma_wait3A_1248 = arith.constant 0 : i32
      %dma_wait3A_1249 = tpu.memref_slice %arg7[%dma_wait3A_1245, %dma_wait3A_1247, %dma_wait3A_1248] : memref<8x128x64xf32, #tpu.memory_space<vmem>> -> memref<1x128x64xf32, #tpu.memory_space<vmem>>
      %dma_wait3A_1250 = tpu.memref_squeeze %dma_wait3A_1249 : memref<1x128x64xf32, #tpu.memory_space<vmem>> -> memref<128x64xf32, #tpu.memory_space<vmem>>
      %dma_wait3A_1251 = arith.constant 0 : i32
      %dma_wait3A_1252 = arith.constant 0 : i32
      %dma_wait3A_1253 = tpu.memref_slice %arg4[%dma_wait3A_1251, %dma_wait3A_1252] : memref<327680x64xf32, #tpu.memory_space<hbm>> -> memref<128x64xf32, #tpu.memory_space<hbm>>
      %dma_wait3A_1254 = tpu.memref_slice %arg9[%dma_wait3A_1246] : memref<8x!tpu.dma_semaphore, #tpu.memory_space<semaphore_mem>> -> memref<1x!tpu.dma_semaphore, #tpu.memory_space<semaphore_mem>>
      %dma_wait3A_1255 = tpu.memref_squeeze %dma_wait3A_1254 : memref<1x!tpu.dma_semaphore, #tpu.memory_space<semaphore_mem>> -> memref<!tpu.dma_semaphore, #tpu.memory_space<semaphore_mem>>
      %dma_wait3A_1256 = arith.constant 0 : i32
      %dma_wait3A_1257 = arith.constant 0 : i32
      %dma_wait3A_1258 = tpu.memref_slice %arg4[%dma_wait3A_1256, %dma_wait3A_1257] : memref<327680x64xf32, #tpu.memory_space<hbm>> -> memref<128x64xf32, #tpu.memory_space<hbm>>
      %dma_wait3A_1259 = arith.constant 0 : i32
      %dma_wait3A_1260 = arith.constant 0 : i32
      %dma_wait3A_1261 = tpu.memref_slice %arg7[%dma_wait3A_1245, %dma_wait3A_1259, %dma_wait3A_1260] : memref<8x128x64xf32, #tpu.memory_space<vmem>> -> memref<1x128x64xf32, #tpu.memory_space<vmem>>
      %dma_wait3A_1262 = tpu.memref_squeeze %dma_wait3A_1261 : memref<1x128x64xf32, #tpu.memory_space<vmem>> -> memref<128x64xf32, #tpu.memory_space<vmem>>
      tpu.wait_dma2 semaphore(%dma_wait3A_1255 : memref<!tpu.dma_semaphore, #tpu.memory_space<semaphore_mem>>) src(%dma_wait3A_1262 : memref<128x64xf32, #tpu.memory_space<vmem>>) dst(%dma_wait3A_1258 : memref<128x64xf32, #tpu.memory_space<hbm>>)
      %add3A_1263 = arith.constant 4 : i32
      %add3A_1264 = arith.addi %add3A_1212, %add3A_1263 : i32
      %dma_start3A_1265 = arith.constant 6 : i32
      %dma_start3A_1266 = arith.constant 6 : i32
      %dma_start3A_1267 = arith.constant 0 : i32
      %dma_start3A_1268 = arith.constant 0 : i32
      %dma_start3A_1269 = tpu.memref_slice %arg7[%dma_start3A_1265, %dma_start3A_1267, %dma_start3A_1268] : memref<8x128x64xf32, #tpu.memory_space<vmem>> -> memref<1x128x64xf32, #tpu.memory_space<vmem>>
      %dma_start3A_1270 = tpu.memref_squeeze %dma_start3A_1269 : memref<1x128x64xf32, #tpu.memory_space<vmem>> -> memref<128x64xf32, #tpu.memory_space<vmem>>
      %dma_start3A_1271 = arith.constant 0 : i32
      %dma_start3A_1272 = tpu.memref_slice %arg5[%add3A_1264, %dma_start3A_1271] : memref<80x128xi32, #tpu.memory_space<vmem>> -> memref<1x128xi32, #tpu.memory_space<vmem>>
      %dma_start3A_1273 = tpu.memref_squeeze %dma_start3A_1272 : memref<1x128xi32, #tpu.memory_space<vmem>> -> memref<128xi32, #tpu.memory_space<vmem>>
      %dma_start3A_1274 = arith.constant 0 : i32
      %dma_start3A_1275 = arith.constant 0 : i32
      %dma_start3A_1276 = tpu.memref_slice %arg3[%dma_start3A_1274, %dma_start3A_1275] : memref<1000000x64xf32, #tpu.memory_space<hbm>> -> memref<1000000x64xf32, #tpu.memory_space<hbm>>
      %dma_start3A_1277 = tpu.memref_slice %arg8[%dma_start3A_1266] : memref<8x!tpu.dma_semaphore, #tpu.memory_space<semaphore_mem>> -> memref<1x!tpu.dma_semaphore, #tpu.memory_space<semaphore_mem>>
      %dma_start3A_1278 = tpu.memref_squeeze %dma_start3A_1277 : memref<1x!tpu.dma_semaphore, #tpu.memory_space<semaphore_mem>> -> memref<!tpu.dma_semaphore, #tpu.memory_space<semaphore_mem>>
      tpu.enqueue_indirect_dma source(%dma_start3A_1276 : memref<1000000x64xf32, #tpu.memory_space<hbm>>) target(%dma_start3A_1270 : memref<128x64xf32, #tpu.memory_space<vmem>>) offsets(%dma_start3A_1273 : memref<128xi32, #tpu.memory_space<vmem>>) semaphore(%dma_start3A_1278 : memref<!tpu.dma_semaphore, #tpu.memory_space<semaphore_mem>>)
      %mul3A_1279 = arith.constant 8 : i32
      %mul3A_1280 = arith.muli %scan3A_1068, %mul3A_1279 : i32
      %add3A_1281 = arith.constant 3 : i32
      %add3A_1282 = arith.addi %mul3A_1280, %add3A_1281 : i32
      %dma_wait3A_1283 = arith.constant 3 : i32
      %dma_wait3A_1284 = arith.constant 3 : i32
      %dma_wait3A_1285 = arith.constant 0 : i32
      %dma_wait3A_1286 = arith.constant 0 : i32
      %dma_wait3A_1287 = tpu.memref_slice %arg7[%dma_wait3A_1283, %dma_wait3A_1285, %dma_wait3A_1286] : memref<8x128x64xf32, #tpu.memory_space<vmem>> -> memref<1x128x64xf32, #tpu.memory_space<vmem>>
      %dma_wait3A_1288 = tpu.memref_squeeze %dma_wait3A_1287 : memref<1x128x64xf32, #tpu.memory_space<vmem>> -> memref<128x64xf32, #tpu.memory_space<vmem>>
      %dma_wait3A_1289 = arith.constant 0 : i32
      %dma_wait3A_1290 = arith.constant 0 : i32
      %dma_wait3A_1291 = tpu.memref_slice %arg3[%dma_wait3A_1289, %dma_wait3A_1290] : memref<1000000x64xf32, #tpu.memory_space<hbm>> -> memref<128x64xf32, #tpu.memory_space<hbm>>
      %dma_wait3A_1292 = tpu.memref_slice %arg8[%dma_wait3A_1284] : memref<8x!tpu.dma_semaphore, #tpu.memory_space<semaphore_mem>> -> memref<1x!tpu.dma_semaphore, #tpu.memory_space<semaphore_mem>>
      %dma_wait3A_1293 = tpu.memref_squeeze %dma_wait3A_1292 : memref<1x!tpu.dma_semaphore, #tpu.memory_space<semaphore_mem>> -> memref<!tpu.dma_semaphore, #tpu.memory_space<semaphore_mem>>
      %dma_wait3A_1294 = arith.constant 0 : i32
      %dma_wait3A_1295 = arith.constant 0 : i32
      %dma_wait3A_1296 = tpu.memref_slice %arg7[%dma_wait3A_1283, %dma_wait3A_1294, %dma_wait3A_1295] : memref<8x128x64xf32, #tpu.memory_space<vmem>> -> memref<1x128x64xf32, #tpu.memory_space<vmem>>
      %dma_wait3A_1297 = tpu.memref_squeeze %dma_wait3A_1296 : memref<1x128x64xf32, #tpu.memory_space<vmem>> -> memref<128x64xf32, #tpu.memory_space<vmem>>
      %dma_wait3A_1298 = arith.constant 0 : i32
      %dma_wait3A_1299 = arith.constant 0 : i32
      %dma_wait3A_1300 = tpu.memref_slice %arg3[%dma_wait3A_1298, %dma_wait3A_1299] : memref<1000000x64xf32, #tpu.memory_space<hbm>> -> memref<128x64xf32, #tpu.memory_space<hbm>>
      tpu.wait_dma2 semaphore(%dma_wait3A_1293 : memref<!tpu.dma_semaphore, #tpu.memory_space<semaphore_mem>>) src(%dma_wait3A_1300 : memref<128x64xf32, #tpu.memory_space<hbm>>) dst(%dma_wait3A_1297 : memref<128x64xf32, #tpu.memory_space<vmem>>)
      %dma_start3A_1301 = arith.constant 3 : i32
      %dma_start3A_1302 = arith.constant 3 : i32
      %dma_start3A_1303 = arith.constant 0 : i32
      %dma_start3A_1304 = arith.constant 0 : i32
      %dma_start3A_1305 = tpu.memref_slice %arg7[%dma_start3A_1301, %dma_start3A_1303, %dma_start3A_1304] : memref<8x128x64xf32, #tpu.memory_space<vmem>> -> memref<1x128x64xf32, #tpu.memory_space<vmem>>
      %dma_start3A_1306 = tpu.memref_squeeze %dma_start3A_1305 : memref<1x128x64xf32, #tpu.memory_space<vmem>> -> memref<128x64xf32, #tpu.memory_space<vmem>>
      %dma_start3A_1307 = arith.constant 0 : i32
      %dma_start3A_1308 = tpu.memref_slice %arg6[%add3A_1282, %dma_start3A_1307] : memref<80x128xi32, #tpu.memory_space<vmem>> -> memref<1x128xi32, #tpu.memory_space<vmem>>
      %dma_start3A_1309 = tpu.memref_squeeze %dma_start3A_1308 : memref<1x128xi32, #tpu.memory_space<vmem>> -> memref<128xi32, #tpu.memory_space<vmem>>
      %dma_start3A_1310 = arith.constant 0 : i32
      %dma_start3A_1311 = arith.constant 0 : i32
      %dma_start3A_1312 = tpu.memref_slice %arg4[%dma_start3A_1310, %dma_start3A_1311] : memref<327680x64xf32, #tpu.memory_space<hbm>> -> memref<327680x64xf32, #tpu.memory_space<hbm>>
      %dma_start3A_1313 = tpu.memref_slice %arg9[%dma_start3A_1302] : memref<8x!tpu.dma_semaphore, #tpu.memory_space<semaphore_mem>> -> memref<1x!tpu.dma_semaphore, #tpu.memory_space<semaphore_mem>>
      %dma_start3A_1314 = tpu.memref_squeeze %dma_start3A_1313 : memref<1x!tpu.dma_semaphore, #tpu.memory_space<semaphore_mem>> -> memref<!tpu.dma_semaphore, #tpu.memory_space<semaphore_mem>>
      tpu.enqueue_indirect_dma source(%dma_start3A_1306 : memref<128x64xf32, #tpu.memory_space<vmem>>) target(%dma_start3A_1312 : memref<327680x64xf32, #tpu.memory_space<hbm>>) offsets(%dma_start3A_1309 : memref<128xi32, #tpu.memory_space<vmem>>) semaphore(%dma_start3A_1314 : memref<!tpu.dma_semaphore, #tpu.memory_space<semaphore_mem>>)
      %dma_wait3A_1315 = arith.constant 7 : i32
      %dma_wait3A_1316 = arith.constant 7 : i32
      %dma_wait3A_1317 = arith.constant 0 : i32
      %dma_wait3A_1318 = arith.constant 0 : i32
      %dma_wait3A_1319 = tpu.memref_slice %arg7[%dma_wait3A_1315, %dma_wait3A_1317, %dma_wait3A_1318] : memref<8x128x64xf32, #tpu.memory_space<vmem>> -> memref<1x128x64xf32, #tpu.memory_space<vmem>>
      %dma_wait3A_1320 = tpu.memref_squeeze %dma_wait3A_1319 : memref<1x128x64xf32, #tpu.memory_space<vmem>> -> memref<128x64xf32, #tpu.memory_space<vmem>>
      %dma_wait3A_1321 = arith.constant 0 : i32
      %dma_wait3A_1322 = arith.constant 0 : i32
      %dma_wait3A_1323 = tpu.memref_slice %arg4[%dma_wait3A_1321, %dma_wait3A_1322] : memref<327680x64xf32, #tpu.memory_space<hbm>> -> memref<128x64xf32, #tpu.memory_space<hbm>>
      %dma_wait3A_1324 = tpu.memref_slice %arg9[%dma_wait3A_1316] : memref<8x!tpu.dma_semaphore, #tpu.memory_space<semaphore_mem>> -> memref<1x!tpu.dma_semaphore, #tpu.memory_space<semaphore_mem>>
      %dma_wait3A_1325 = tpu.memref_squeeze %dma_wait3A_1324 : memref<1x!tpu.dma_semaphore, #tpu.memory_space<semaphore_mem>> -> memref<!tpu.dma_semaphore, #tpu.memory_space<semaphore_mem>>
      %dma_wait3A_1326 = arith.constant 0 : i32
      %dma_wait3A_1327 = arith.constant 0 : i32
      %dma_wait3A_1328 = tpu.memref_slice %arg4[%dma_wait3A_1326, %dma_wait3A_1327] : memref<327680x64xf32, #tpu.memory_space<hbm>> -> memref<128x64xf32, #tpu.memory_space<hbm>>
      %dma_wait3A_1329 = arith.constant 0 : i32
      %dma_wait3A_1330 = arith.constant 0 : i32
      %dma_wait3A_1331 = tpu.memref_slice %arg7[%dma_wait3A_1315, %dma_wait3A_1329, %dma_wait3A_1330] : memref<8x128x64xf32, #tpu.memory_space<vmem>> -> memref<1x128x64xf32, #tpu.memory_space<vmem>>
      %dma_wait3A_1332 = tpu.memref_squeeze %dma_wait3A_1331 : memref<1x128x64xf32, #tpu.memory_space<vmem>> -> memref<128x64xf32, #tpu.memory_space<vmem>>
      tpu.wait_dma2 semaphore(%dma_wait3A_1325 : memref<!tpu.dma_semaphore, #tpu.memory_space<semaphore_mem>>) src(%dma_wait3A_1332 : memref<128x64xf32, #tpu.memory_space<vmem>>) dst(%dma_wait3A_1328 : memref<128x64xf32, #tpu.memory_space<hbm>>)
      %add3A_1333 = arith.constant 4 : i32
      %add3A_1334 = arith.addi %add3A_1282, %add3A_1333 : i32
      %dma_start3A_1335 = arith.constant 7 : i32
      %dma_start3A_1336 = arith.constant 7 : i32
      %dma_start3A_1337 = arith.constant 0 : i32
      %dma_start3A_1338 = arith.constant 0 : i32
      %dma_start3A_1339 = tpu.memref_slice %arg7[%dma_start3A_1335, %dma_start3A_1337, %dma_start3A_1338] : memref<8x128x64xf32, #tpu.memory_space<vmem>> -> memref<1x128x64xf32, #tpu.memory_space<vmem>>
      %dma_start3A_1340 = tpu.memref_squeeze %dma_start3A_1339 : memref<1x128x64xf32, #tpu.memory_space<vmem>> -> memref<128x64xf32, #tpu.memory_space<vmem>>
      %dma_start3A_1341 = arith.constant 0 : i32
      %dma_start3A_1342 = tpu.memref_slice %arg5[%add3A_1334, %dma_start3A_1341] : memref<80x128xi32, #tpu.memory_space<vmem>> -> memref<1x128xi32, #tpu.memory_space<vmem>>
      %dma_start3A_1343 = tpu.memref_squeeze %dma_start3A_1342 : memref<1x128xi32, #tpu.memory_space<vmem>> -> memref<128xi32, #tpu.memory_space<vmem>>
      %dma_start3A_1344 = arith.constant 0 : i32
      %dma_start3A_1345 = arith.constant 0 : i32
      %dma_start3A_1346 = tpu.memref_slice %arg3[%dma_start3A_1344, %dma_start3A_1345] : memref<1000000x64xf32, #tpu.memory_space<hbm>> -> memref<1000000x64xf32, #tpu.memory_space<hbm>>
      %dma_start3A_1347 = tpu.memref_slice %arg8[%dma_start3A_1336] : memref<8x!tpu.dma_semaphore, #tpu.memory_space<semaphore_mem>> -> memref<1x!tpu.dma_semaphore, #tpu.memory_space<semaphore_mem>>
      %dma_start3A_1348 = tpu.memref_squeeze %dma_start3A_1347 : memref<1x!tpu.dma_semaphore, #tpu.memory_space<semaphore_mem>> -> memref<!tpu.dma_semaphore, #tpu.memory_space<semaphore_mem>>
      tpu.enqueue_indirect_dma source(%dma_start3A_1346 : memref<1000000x64xf32, #tpu.memory_space<hbm>>) target(%dma_start3A_1340 : memref<128x64xf32, #tpu.memory_space<vmem>>) offsets(%dma_start3A_1343 : memref<128xi32, #tpu.memory_space<vmem>>) semaphore(%dma_start3A_1348 : memref<!tpu.dma_semaphore, #tpu.memory_space<semaphore_mem>>)
      %mul3A_1349 = arith.constant 8 : i32
      %mul3A_1350 = arith.muli %scan3A_1068, %mul3A_1349 : i32
      %add3A_1351 = arith.constant 4 : i32
      %add3A_1352 = arith.addi %mul3A_1350, %add3A_1351 : i32
      %dma_wait3A_1353 = arith.constant 4 : i32
      %dma_wait3A_1354 = arith.constant 4 : i32
      %dma_wait3A_1355 = arith.constant 0 : i32
      %dma_wait3A_1356 = arith.constant 0 : i32
      %dma_wait3A_1357 = tpu.memref_slice %arg7[%dma_wait3A_1353, %dma_wait3A_1355, %dma_wait3A_1356] : memref<8x128x64xf32, #tpu.memory_space<vmem>> -> memref<1x128x64xf32, #tpu.memory_space<vmem>>
      %dma_wait3A_1358 = tpu.memref_squeeze %dma_wait3A_1357 : memref<1x128x64xf32, #tpu.memory_space<vmem>> -> memref<128x64xf32, #tpu.memory_space<vmem>>
      %dma_wait3A_1359 = arith.constant 0 : i32
      %dma_wait3A_1360 = arith.constant 0 : i32
      %dma_wait3A_1361 = tpu.memref_slice %arg3[%dma_wait3A_1359, %dma_wait3A_1360] : memref<1000000x64xf32, #tpu.memory_space<hbm>> -> memref<128x64xf32, #tpu.memory_space<hbm>>
      %dma_wait3A_1362 = tpu.memref_slice %arg8[%dma_wait3A_1354] : memref<8x!tpu.dma_semaphore, #tpu.memory_space<semaphore_mem>> -> memref<1x!tpu.dma_semaphore, #tpu.memory_space<semaphore_mem>>
      %dma_wait3A_1363 = tpu.memref_squeeze %dma_wait3A_1362 : memref<1x!tpu.dma_semaphore, #tpu.memory_space<semaphore_mem>> -> memref<!tpu.dma_semaphore, #tpu.memory_space<semaphore_mem>>
      %dma_wait3A_1364 = arith.constant 0 : i32
      %dma_wait3A_1365 = arith.constant 0 : i32
      %dma_wait3A_1366 = tpu.memref_slice %arg7[%dma_wait3A_1353, %dma_wait3A_1364, %dma_wait3A_1365] : memref<8x128x64xf32, #tpu.memory_space<vmem>> -> memref<1x128x64xf32, #tpu.memory_space<vmem>>
      %dma_wait3A_1367 = tpu.memref_squeeze %dma_wait3A_1366 : memref<1x128x64xf32, #tpu.memory_space<vmem>> -> memref<128x64xf32, #tpu.memory_space<vmem>>
      %dma_wait3A_1368 = arith.constant 0 : i32
      %dma_wait3A_1369 = arith.constant 0 : i32
      %dma_wait3A_1370 = tpu.memref_slice %arg3[%dma_wait3A_1368, %dma_wait3A_1369] : memref<1000000x64xf32, #tpu.memory_space<hbm>> -> memref<128x64xf32, #tpu.memory_space<hbm>>
      tpu.wait_dma2 semaphore(%dma_wait3A_1363 : memref<!tpu.dma_semaphore, #tpu.memory_space<semaphore_mem>>) src(%dma_wait3A_1370 : memref<128x64xf32, #tpu.memory_space<hbm>>) dst(%dma_wait3A_1367 : memref<128x64xf32, #tpu.memory_space<vmem>>)
      %dma_start3A_1371 = arith.constant 4 : i32
      %dma_start3A_1372 = arith.constant 4 : i32
      %dma_start3A_1373 = arith.constant 0 : i32
      %dma_start3A_1374 = arith.constant 0 : i32
      %dma_start3A_1375 = tpu.memref_slice %arg7[%dma_start3A_1371, %dma_start3A_1373, %dma_start3A_1374] : memref<8x128x64xf32, #tpu.memory_space<vmem>> -> memref<1x128x64xf32, #tpu.memory_space<vmem>>
      %dma_start3A_1376 = tpu.memref_squeeze %dma_start3A_1375 : memref<1x128x64xf32, #tpu.memory_space<vmem>> -> memref<128x64xf32, #tpu.memory_space<vmem>>
      %dma_start3A_1377 = arith.constant 0 : i32
      %dma_start3A_1378 = tpu.memref_slice %arg6[%add3A_1352, %dma_start3A_1377] : memref<80x128xi32, #tpu.memory_space<vmem>> -> memref<1x128xi32, #tpu.memory_space<vmem>>
      %dma_start3A_1379 = tpu.memref_squeeze %dma_start3A_1378 : memref<1x128xi32, #tpu.memory_space<vmem>> -> memref<128xi32, #tpu.memory_space<vmem>>
      %dma_start3A_1380 = arith.constant 0 : i32
      %dma_start3A_1381 = arith.constant 0 : i32
      %dma_start3A_1382 = tpu.memref_slice %arg4[%dma_start3A_1380, %dma_start3A_1381] : memref<327680x64xf32, #tpu.memory_space<hbm>> -> memref<327680x64xf32, #tpu.memory_space<hbm>>
      %dma_start3A_1383 = tpu.memref_slice %arg9[%dma_start3A_1372] : memref<8x!tpu.dma_semaphore, #tpu.memory_space<semaphore_mem>> -> memref<1x!tpu.dma_semaphore, #tpu.memory_space<semaphore_mem>>
      %dma_start3A_1384 = tpu.memref_squeeze %dma_start3A_1383 : memref<1x!tpu.dma_semaphore, #tpu.memory_space<semaphore_mem>> -> memref<!tpu.dma_semaphore, #tpu.memory_space<semaphore_mem>>
      tpu.enqueue_indirect_dma source(%dma_start3A_1376 : memref<128x64xf32, #tpu.memory_space<vmem>>) target(%dma_start3A_1382 : memref<327680x64xf32, #tpu.memory_space<hbm>>) offsets(%dma_start3A_1379 : memref<128xi32, #tpu.memory_space<vmem>>) semaphore(%dma_start3A_1384 : memref<!tpu.dma_semaphore, #tpu.memory_space<semaphore_mem>>)
      %dma_wait3A_1385 = arith.constant 0 : i32
      %dma_wait3A_1386 = arith.constant 0 : i32
      %dma_wait3A_1387 = arith.constant 0 : i32
      %dma_wait3A_1388 = arith.constant 0 : i32
      %dma_wait3A_1389 = tpu.memref_slice %arg7[%dma_wait3A_1385, %dma_wait3A_1387, %dma_wait3A_1388] : memref<8x128x64xf32, #tpu.memory_space<vmem>> -> memref<1x128x64xf32, #tpu.memory_space<vmem>>
      %dma_wait3A_1390 = tpu.memref_squeeze %dma_wait3A_1389 : memref<1x128x64xf32, #tpu.memory_space<vmem>> -> memref<128x64xf32, #tpu.memory_space<vmem>>
      %dma_wait3A_1391 = arith.constant 0 : i32
      %dma_wait3A_1392 = arith.constant 0 : i32
      %dma_wait3A_1393 = tpu.memref_slice %arg4[%dma_wait3A_1391, %dma_wait3A_1392] : memref<327680x64xf32, #tpu.memory_space<hbm>> -> memref<128x64xf32, #tpu.memory_space<hbm>>
      %dma_wait3A_1394 = tpu.memref_slice %arg9[%dma_wait3A_1386] : memref<8x!tpu.dma_semaphore, #tpu.memory_space<semaphore_mem>> -> memref<1x!tpu.dma_semaphore, #tpu.memory_space<semaphore_mem>>
      %dma_wait3A_1395 = tpu.memref_squeeze %dma_wait3A_1394 : memref<1x!tpu.dma_semaphore, #tpu.memory_space<semaphore_mem>> -> memref<!tpu.dma_semaphore, #tpu.memory_space<semaphore_mem>>
      %dma_wait3A_1396 = arith.constant 0 : i32
      %dma_wait3A_1397 = arith.constant 0 : i32
      %dma_wait3A_1398 = tpu.memref_slice %arg4[%dma_wait3A_1396, %dma_wait3A_1397] : memref<327680x64xf32, #tpu.memory_space<hbm>> -> memref<128x64xf32, #tpu.memory_space<hbm>>
      %dma_wait3A_1399 = arith.constant 0 : i32
      %dma_wait3A_1400 = arith.constant 0 : i32
      %dma_wait3A_1401 = tpu.memref_slice %arg7[%dma_wait3A_1385, %dma_wait3A_1399, %dma_wait3A_1400] : memref<8x128x64xf32, #tpu.memory_space<vmem>> -> memref<1x128x64xf32, #tpu.memory_space<vmem>>
      %dma_wait3A_1402 = tpu.memref_squeeze %dma_wait3A_1401 : memref<1x128x64xf32, #tpu.memory_space<vmem>> -> memref<128x64xf32, #tpu.memory_space<vmem>>
      tpu.wait_dma2 semaphore(%dma_wait3A_1395 : memref<!tpu.dma_semaphore, #tpu.memory_space<semaphore_mem>>) src(%dma_wait3A_1402 : memref<128x64xf32, #tpu.memory_space<vmem>>) dst(%dma_wait3A_1398 : memref<128x64xf32, #tpu.memory_space<hbm>>)
      %add3A_1403 = arith.constant 4 : i32
      %add3A_1404 = arith.addi %add3A_1352, %add3A_1403 : i32
      %dma_start3A_1405 = arith.constant 0 : i32
      %dma_start3A_1406 = arith.constant 0 : i32
      %dma_start3A_1407 = arith.constant 0 : i32
      %dma_start3A_1408 = arith.constant 0 : i32
      %dma_start3A_1409 = tpu.memref_slice %arg7[%dma_start3A_1405, %dma_start3A_1407, %dma_start3A_1408] : memref<8x128x64xf32, #tpu.memory_space<vmem>> -> memref<1x128x64xf32, #tpu.memory_space<vmem>>
      %dma_start3A_1410 = tpu.memref_squeeze %dma_start3A_1409 : memref<1x128x64xf32, #tpu.memory_space<vmem>> -> memref<128x64xf32, #tpu.memory_space<vmem>>
      %dma_start3A_1411 = arith.constant 0 : i32
      %dma_start3A_1412 = tpu.memref_slice %arg5[%add3A_1404, %dma_start3A_1411] : memref<80x128xi32, #tpu.memory_space<vmem>> -> memref<1x128xi32, #tpu.memory_space<vmem>>
      %dma_start3A_1413 = tpu.memref_squeeze %dma_start3A_1412 : memref<1x128xi32, #tpu.memory_space<vmem>> -> memref<128xi32, #tpu.memory_space<vmem>>
      %dma_start3A_1414 = arith.constant 0 : i32
      %dma_start3A_1415 = arith.constant 0 : i32
      %dma_start3A_1416 = tpu.memref_slice %arg3[%dma_start3A_1414, %dma_start3A_1415] : memref<1000000x64xf32, #tpu.memory_space<hbm>> -> memref<1000000x64xf32, #tpu.memory_space<hbm>>
      %dma_start3A_1417 = tpu.memref_slice %arg8[%dma_start3A_1406] : memref<8x!tpu.dma_semaphore, #tpu.memory_space<semaphore_mem>> -> memref<1x!tpu.dma_semaphore, #tpu.memory_space<semaphore_mem>>
      %dma_start3A_1418 = tpu.memref_squeeze %dma_start3A_1417 : memref<1x!tpu.dma_semaphore, #tpu.memory_space<semaphore_mem>> -> memref<!tpu.dma_semaphore, #tpu.memory_space<semaphore_mem>>
      tpu.enqueue_indirect_dma source(%dma_start3A_1416 : memref<1000000x64xf32, #tpu.memory_space<hbm>>) target(%dma_start3A_1410 : memref<128x64xf32, #tpu.memory_space<vmem>>) offsets(%dma_start3A_1413 : memref<128xi32, #tpu.memory_space<vmem>>) semaphore(%dma_start3A_1418 : memref<!tpu.dma_semaphore, #tpu.memory_space<semaphore_mem>>)
      %mul3A_1419 = arith.constant 8 : i32
      %mul3A_1420 = arith.muli %scan3A_1068, %mul3A_1419 : i32
      %add3A_1421 = arith.constant 5 : i32
      %add3A_1422 = arith.addi %mul3A_1420, %add3A_1421 : i32
      %dma_wait3A_1423 = arith.constant 5 : i32
      %dma_wait3A_1424 = arith.constant 5 : i32
      %dma_wait3A_1425 = arith.constant 0 : i32
      %dma_wait3A_1426 = arith.constant 0 : i32
      %dma_wait3A_1427 = tpu.memref_slice %arg7[%dma_wait3A_1423, %dma_wait3A_1425, %dma_wait3A_1426] : memref<8x128x64xf32, #tpu.memory_space<vmem>> -> memref<1x128x64xf32, #tpu.memory_space<vmem>>
      %dma_wait3A_1428 = tpu.memref_squeeze %dma_wait3A_1427 : memref<1x128x64xf32, #tpu.memory_space<vmem>> -> memref<128x64xf32, #tpu.memory_space<vmem>>
      %dma_wait3A_1429 = arith.constant 0 : i32
      %dma_wait3A_1430 = arith.constant 0 : i32
      %dma_wait3A_1431 = tpu.memref_slice %arg3[%dma_wait3A_1429, %dma_wait3A_1430] : memref<1000000x64xf32, #tpu.memory_space<hbm>> -> memref<128x64xf32, #tpu.memory_space<hbm>>
      %dma_wait3A_1432 = tpu.memref_slice %arg8[%dma_wait3A_1424] : memref<8x!tpu.dma_semaphore, #tpu.memory_space<semaphore_mem>> -> memref<1x!tpu.dma_semaphore, #tpu.memory_space<semaphore_mem>>
      %dma_wait3A_1433 = tpu.memref_squeeze %dma_wait3A_1432 : memref<1x!tpu.dma_semaphore, #tpu.memory_space<semaphore_mem>> -> memref<!tpu.dma_semaphore, #tpu.memory_space<semaphore_mem>>
      %dma_wait3A_1434 = arith.constant 0 : i32
      %dma_wait3A_1435 = arith.constant 0 : i32
      %dma_wait3A_1436 = tpu.memref_slice %arg7[%dma_wait3A_1423, %dma_wait3A_1434, %dma_wait3A_1435] : memref<8x128x64xf32, #tpu.memory_space<vmem>> -> memref<1x128x64xf32, #tpu.memory_space<vmem>>
      %dma_wait3A_1437 = tpu.memref_squeeze %dma_wait3A_1436 : memref<1x128x64xf32, #tpu.memory_space<vmem>> -> memref<128x64xf32, #tpu.memory_space<vmem>>
      %dma_wait3A_1438 = arith.constant 0 : i32
      %dma_wait3A_1439 = arith.constant 0 : i32
      %dma_wait3A_1440 = tpu.memref_slice %arg3[%dma_wait3A_1438, %dma_wait3A_1439] : memref<1000000x64xf32, #tpu.memory_space<hbm>> -> memref<128x64xf32, #tpu.memory_space<hbm>>
      tpu.wait_dma2 semaphore(%dma_wait3A_1433 : memref<!tpu.dma_semaphore, #tpu.memory_space<semaphore_mem>>) src(%dma_wait3A_1440 : memref<128x64xf32, #tpu.memory_space<hbm>>) dst(%dma_wait3A_1437 : memref<128x64xf32, #tpu.memory_space<vmem>>)
      %dma_start3A_1441 = arith.constant 5 : i32
      %dma_start3A_1442 = arith.constant 5 : i32
      %dma_start3A_1443 = arith.constant 0 : i32
      %dma_start3A_1444 = arith.constant 0 : i32
      %dma_start3A_1445 = tpu.memref_slice %arg7[%dma_start3A_1441, %dma_start3A_1443, %dma_start3A_1444] : memref<8x128x64xf32, #tpu.memory_space<vmem>> -> memref<1x128x64xf32, #tpu.memory_space<vmem>>
      %dma_start3A_1446 = tpu.memref_squeeze %dma_start3A_1445 : memref<1x128x64xf32, #tpu.memory_space<vmem>> -> memref<128x64xf32, #tpu.memory_space<vmem>>
      %dma_start3A_1447 = arith.constant 0 : i32
      %dma_start3A_1448 = tpu.memref_slice %arg6[%add3A_1422, %dma_start3A_1447] : memref<80x128xi32, #tpu.memory_space<vmem>> -> memref<1x128xi32, #tpu.memory_space<vmem>>
      %dma_start3A_1449 = tpu.memref_squeeze %dma_start3A_1448 : memref<1x128xi32, #tpu.memory_space<vmem>> -> memref<128xi32, #tpu.memory_space<vmem>>
      %dma_start3A_1450 = arith.constant 0 : i32
      %dma_start3A_1451 = arith.constant 0 : i32
      %dma_start3A_1452 = tpu.memref_slice %arg4[%dma_start3A_1450, %dma_start3A_1451] : memref<327680x64xf32, #tpu.memory_space<hbm>> -> memref<327680x64xf32, #tpu.memory_space<hbm>>
      %dma_start3A_1453 = tpu.memref_slice %arg9[%dma_start3A_1442] : memref<8x!tpu.dma_semaphore, #tpu.memory_space<semaphore_mem>> -> memref<1x!tpu.dma_semaphore, #tpu.memory_space<semaphore_mem>>
      %dma_start3A_1454 = tpu.memref_squeeze %dma_start3A_1453 : memref<1x!tpu.dma_semaphore, #tpu.memory_space<semaphore_mem>> -> memref<!tpu.dma_semaphore, #tpu.memory_space<semaphore_mem>>
      tpu.enqueue_indirect_dma source(%dma_start3A_1446 : memref<128x64xf32, #tpu.memory_space<vmem>>) target(%dma_start3A_1452 : memref<327680x64xf32, #tpu.memory_space<hbm>>) offsets(%dma_start3A_1449 : memref<128xi32, #tpu.memory_space<vmem>>) semaphore(%dma_start3A_1454 : memref<!tpu.dma_semaphore, #tpu.memory_space<semaphore_mem>>)
      %dma_wait3A_1455 = arith.constant 1 : i32
      %dma_wait3A_1456 = arith.constant 1 : i32
      %dma_wait3A_1457 = arith.constant 0 : i32
      %dma_wait3A_1458 = arith.constant 0 : i32
      %dma_wait3A_1459 = tpu.memref_slice %arg7[%dma_wait3A_1455, %dma_wait3A_1457, %dma_wait3A_1458] : memref<8x128x64xf32, #tpu.memory_space<vmem>> -> memref<1x128x64xf32, #tpu.memory_space<vmem>>
      %dma_wait3A_1460 = tpu.memref_squeeze %dma_wait3A_1459 : memref<1x128x64xf32, #tpu.memory_space<vmem>> -> memref<128x64xf32, #tpu.memory_space<vmem>>
      %dma_wait3A_1461 = arith.constant 0 : i32
      %dma_wait3A_1462 = arith.constant 0 : i32
      %dma_wait3A_1463 = tpu.memref_slice %arg4[%dma_wait3A_1461, %dma_wait3A_1462] : memref<327680x64xf32, #tpu.memory_space<hbm>> -> memref<128x64xf32, #tpu.memory_space<hbm>>
      %dma_wait3A_1464 = tpu.memref_slice %arg9[%dma_wait3A_1456] : memref<8x!tpu.dma_semaphore, #tpu.memory_space<semaphore_mem>> -> memref<1x!tpu.dma_semaphore, #tpu.memory_space<semaphore_mem>>
      %dma_wait3A_1465 = tpu.memref_squeeze %dma_wait3A_1464 : memref<1x!tpu.dma_semaphore, #tpu.memory_space<semaphore_mem>> -> memref<!tpu.dma_semaphore, #tpu.memory_space<semaphore_mem>>
      %dma_wait3A_1466 = arith.constant 0 : i32
      %dma_wait3A_1467 = arith.constant 0 : i32
      %dma_wait3A_1468 = tpu.memref_slice %arg4[%dma_wait3A_1466, %dma_wait3A_1467] : memref<327680x64xf32, #tpu.memory_space<hbm>> -> memref<128x64xf32, #tpu.memory_space<hbm>>
      %dma_wait3A_1469 = arith.constant 0 : i32
      %dma_wait3A_1470 = arith.constant 0 : i32
      %dma_wait3A_1471 = tpu.memref_slice %arg7[%dma_wait3A_1455, %dma_wait3A_1469, %dma_wait3A_1470] : memref<8x128x64xf32, #tpu.memory_space<vmem>> -> memref<1x128x64xf32, #tpu.memory_space<vmem>>
      %dma_wait3A_1472 = tpu.memref_squeeze %dma_wait3A_1471 : memref<1x128x64xf32, #tpu.memory_space<vmem>> -> memref<128x64xf32, #tpu.memory_space<vmem>>
      tpu.wait_dma2 semaphore(%dma_wait3A_1465 : memref<!tpu.dma_semaphore, #tpu.memory_space<semaphore_mem>>) src(%dma_wait3A_1472 : memref<128x64xf32, #tpu.memory_space<vmem>>) dst(%dma_wait3A_1468 : memref<128x64xf32, #tpu.memory_space<hbm>>)
      %add3A_1473 = arith.constant 4 : i32
      %add3A_1474 = arith.addi %add3A_1422, %add3A_1473 : i32
      %dma_start3A_1475 = arith.constant 1 : i32
      %dma_start3A_1476 = arith.constant 1 : i32
      %dma_start3A_1477 = arith.constant 0 : i32
      %dma_start3A_1478 = arith.constant 0 : i32
      %dma_start3A_1479 = tpu.memref_slice %arg7[%dma_start3A_1475, %dma_start3A_1477, %dma_start3A_1478] : memref<8x128x64xf32, #tpu.memory_space<vmem>> -> memref<1x128x64xf32, #tpu.memory_space<vmem>>
      %dma_start3A_1480 = tpu.memref_squeeze %dma_start3A_1479 : memref<1x128x64xf32, #tpu.memory_space<vmem>> -> memref<128x64xf32, #tpu.memory_space<vmem>>
      %dma_start3A_1481 = arith.constant 0 : i32
      %dma_start3A_1482 = tpu.memref_slice %arg5[%add3A_1474, %dma_start3A_1481] : memref<80x128xi32, #tpu.memory_space<vmem>> -> memref<1x128xi32, #tpu.memory_space<vmem>>
      %dma_start3A_1483 = tpu.memref_squeeze %dma_start3A_1482 : memref<1x128xi32, #tpu.memory_space<vmem>> -> memref<128xi32, #tpu.memory_space<vmem>>
      %dma_start3A_1484 = arith.constant 0 : i32
      %dma_start3A_1485 = arith.constant 0 : i32
      %dma_start3A_1486 = tpu.memref_slice %arg3[%dma_start3A_1484, %dma_start3A_1485] : memref<1000000x64xf32, #tpu.memory_space<hbm>> -> memref<1000000x64xf32, #tpu.memory_space<hbm>>
      %dma_start3A_1487 = tpu.memref_slice %arg8[%dma_start3A_1476] : memref<8x!tpu.dma_semaphore, #tpu.memory_space<semaphore_mem>> -> memref<1x!tpu.dma_semaphore, #tpu.memory_space<semaphore_mem>>
      %dma_start3A_1488 = tpu.memref_squeeze %dma_start3A_1487 : memref<1x!tpu.dma_semaphore, #tpu.memory_space<semaphore_mem>> -> memref<!tpu.dma_semaphore, #tpu.memory_space<semaphore_mem>>
      tpu.enqueue_indirect_dma source(%dma_start3A_1486 : memref<1000000x64xf32, #tpu.memory_space<hbm>>) target(%dma_start3A_1480 : memref<128x64xf32, #tpu.memory_space<vmem>>) offsets(%dma_start3A_1483 : memref<128xi32, #tpu.memory_space<vmem>>) semaphore(%dma_start3A_1488 : memref<!tpu.dma_semaphore, #tpu.memory_space<semaphore_mem>>)
      %mul3A_1489 = arith.constant 8 : i32
      %mul3A_1490 = arith.muli %scan3A_1068, %mul3A_1489 : i32
      %add3A_1491 = arith.constant 6 : i32
      %add3A_1492 = arith.addi %mul3A_1490, %add3A_1491 : i32
      %dma_wait3A_1493 = arith.constant 6 : i32
      %dma_wait3A_1494 = arith.constant 6 : i32
      %dma_wait3A_1495 = arith.constant 0 : i32
      %dma_wait3A_1496 = arith.constant 0 : i32
      %dma_wait3A_1497 = tpu.memref_slice %arg7[%dma_wait3A_1493, %dma_wait3A_1495, %dma_wait3A_1496] : memref<8x128x64xf32, #tpu.memory_space<vmem>> -> memref<1x128x64xf32, #tpu.memory_space<vmem>>
      %dma_wait3A_1498 = tpu.memref_squeeze %dma_wait3A_1497 : memref<1x128x64xf32, #tpu.memory_space<vmem>> -> memref<128x64xf32, #tpu.memory_space<vmem>>
      %dma_wait3A_1499 = arith.constant 0 : i32
      %dma_wait3A_1500 = arith.constant 0 : i32
      %dma_wait3A_1501 = tpu.memref_slice %arg3[%dma_wait3A_1499, %dma_wait3A_1500] : memref<1000000x64xf32, #tpu.memory_space<hbm>> -> memref<128x64xf32, #tpu.memory_space<hbm>>
      %dma_wait3A_1502 = tpu.memref_slice %arg8[%dma_wait3A_1494] : memref<8x!tpu.dma_semaphore, #tpu.memory_space<semaphore_mem>> -> memref<1x!tpu.dma_semaphore, #tpu.memory_space<semaphore_mem>>
      %dma_wait3A_1503 = tpu.memref_squeeze %dma_wait3A_1502 : memref<1x!tpu.dma_semaphore, #tpu.memory_space<semaphore_mem>> -> memref<!tpu.dma_semaphore, #tpu.memory_space<semaphore_mem>>
      %dma_wait3A_1504 = arith.constant 0 : i32
      %dma_wait3A_1505 = arith.constant 0 : i32
      %dma_wait3A_1506 = tpu.memref_slice %arg7[%dma_wait3A_1493, %dma_wait3A_1504, %dma_wait3A_1505] : memref<8x128x64xf32, #tpu.memory_space<vmem>> -> memref<1x128x64xf32, #tpu.memory_space<vmem>>
      %dma_wait3A_1507 = tpu.memref_squeeze %dma_wait3A_1506 : memref<1x128x64xf32, #tpu.memory_space<vmem>> -> memref<128x64xf32, #tpu.memory_space<vmem>>
      %dma_wait3A_1508 = arith.constant 0 : i32
      %dma_wait3A_1509 = arith.constant 0 : i32
      %dma_wait3A_1510 = tpu.memref_slice %arg3[%dma_wait3A_1508, %dma_wait3A_1509] : memref<1000000x64xf32, #tpu.memory_space<hbm>> -> memref<128x64xf32, #tpu.memory_space<hbm>>
      tpu.wait_dma2 semaphore(%dma_wait3A_1503 : memref<!tpu.dma_semaphore, #tpu.memory_space<semaphore_mem>>) src(%dma_wait3A_1510 : memref<128x64xf32, #tpu.memory_space<hbm>>) dst(%dma_wait3A_1507 : memref<128x64xf32, #tpu.memory_space<vmem>>)
      %dma_start3A_1511 = arith.constant 6 : i32
      %dma_start3A_1512 = arith.constant 6 : i32
      %dma_start3A_1513 = arith.constant 0 : i32
      %dma_start3A_1514 = arith.constant 0 : i32
      %dma_start3A_1515 = tpu.memref_slice %arg7[%dma_start3A_1511, %dma_start3A_1513, %dma_start3A_1514] : memref<8x128x64xf32, #tpu.memory_space<vmem>> -> memref<1x128x64xf32, #tpu.memory_space<vmem>>
      %dma_start3A_1516 = tpu.memref_squeeze %dma_start3A_1515 : memref<1x128x64xf32, #tpu.memory_space<vmem>> -> memref<128x64xf32, #tpu.memory_space<vmem>>
      %dma_start3A_1517 = arith.constant 0 : i32
      %dma_start3A_1518 = tpu.memref_slice %arg6[%add3A_1492, %dma_start3A_1517] : memref<80x128xi32, #tpu.memory_space<vmem>> -> memref<1x128xi32, #tpu.memory_space<vmem>>
      %dma_start3A_1519 = tpu.memref_squeeze %dma_start3A_1518 : memref<1x128xi32, #tpu.memory_space<vmem>> -> memref<128xi32, #tpu.memory_space<vmem>>
      %dma_start3A_1520 = arith.constant 0 : i32
      %dma_start3A_1521 = arith.constant 0 : i32
      %dma_start3A_1522 = tpu.memref_slice %arg4[%dma_start3A_1520, %dma_start3A_1521] : memref<327680x64xf32, #tpu.memory_space<hbm>> -> memref<327680x64xf32, #tpu.memory_space<hbm>>
      %dma_start3A_1523 = tpu.memref_slice %arg9[%dma_start3A_1512] : memref<8x!tpu.dma_semaphore, #tpu.memory_space<semaphore_mem>> -> memref<1x!tpu.dma_semaphore, #tpu.memory_space<semaphore_mem>>
      %dma_start3A_1524 = tpu.memref_squeeze %dma_start3A_1523 : memref<1x!tpu.dma_semaphore, #tpu.memory_space<semaphore_mem>> -> memref<!tpu.dma_semaphore, #tpu.memory_space<semaphore_mem>>
      tpu.enqueue_indirect_dma source(%dma_start3A_1516 : memref<128x64xf32, #tpu.memory_space<vmem>>) target(%dma_start3A_1522 : memref<327680x64xf32, #tpu.memory_space<hbm>>) offsets(%dma_start3A_1519 : memref<128xi32, #tpu.memory_space<vmem>>) semaphore(%dma_start3A_1524 : memref<!tpu.dma_semaphore, #tpu.memory_space<semaphore_mem>>)
      %dma_wait3A_1525 = arith.constant 2 : i32
      %dma_wait3A_1526 = arith.constant 2 : i32
      %dma_wait3A_1527 = arith.constant 0 : i32
      %dma_wait3A_1528 = arith.constant 0 : i32
      %dma_wait3A_1529 = tpu.memref_slice %arg7[%dma_wait3A_1525, %dma_wait3A_1527, %dma_wait3A_1528] : memref<8x128x64xf32, #tpu.memory_space<vmem>> -> memref<1x128x64xf32, #tpu.memory_space<vmem>>
      %dma_wait3A_1530 = tpu.memref_squeeze %dma_wait3A_1529 : memref<1x128x64xf32, #tpu.memory_space<vmem>> -> memref<128x64xf32, #tpu.memory_space<vmem>>
      %dma_wait3A_1531 = arith.constant 0 : i32
      %dma_wait3A_1532 = arith.constant 0 : i32
      %dma_wait3A_1533 = tpu.memref_slice %arg4[%dma_wait3A_1531, %dma_wait3A_1532] : memref<327680x64xf32, #tpu.memory_space<hbm>> -> memref<128x64xf32, #tpu.memory_space<hbm>>
      %dma_wait3A_1534 = tpu.memref_slice %arg9[%dma_wait3A_1526] : memref<8x!tpu.dma_semaphore, #tpu.memory_space<semaphore_mem>> -> memref<1x!tpu.dma_semaphore, #tpu.memory_space<semaphore_mem>>
      %dma_wait3A_1535 = tpu.memref_squeeze %dma_wait3A_1534 : memref<1x!tpu.dma_semaphore, #tpu.memory_space<semaphore_mem>> -> memref<!tpu.dma_semaphore, #tpu.memory_space<semaphore_mem>>
      %dma_wait3A_1536 = arith.constant 0 : i32
      %dma_wait3A_1537 = arith.constant 0 : i32
      %dma_wait3A_1538 = tpu.memref_slice %arg4[%dma_wait3A_1536, %dma_wait3A_1537] : memref<327680x64xf32, #tpu.memory_space<hbm>> -> memref<128x64xf32, #tpu.memory_space<hbm>>
      %dma_wait3A_1539 = arith.constant 0 : i32
      %dma_wait3A_1540 = arith.constant 0 : i32
      %dma_wait3A_1541 = tpu.memref_slice %arg7[%dma_wait3A_1525, %dma_wait3A_1539, %dma_wait3A_1540] : memref<8x128x64xf32, #tpu.memory_space<vmem>> -> memref<1x128x64xf32, #tpu.memory_space<vmem>>
      %dma_wait3A_1542 = tpu.memref_squeeze %dma_wait3A_1541 : memref<1x128x64xf32, #tpu.memory_space<vmem>> -> memref<128x64xf32, #tpu.memory_space<vmem>>
      tpu.wait_dma2 semaphore(%dma_wait3A_1535 : memref<!tpu.dma_semaphore, #tpu.memory_space<semaphore_mem>>) src(%dma_wait3A_1542 : memref<128x64xf32, #tpu.memory_space<vmem>>) dst(%dma_wait3A_1538 : memref<128x64xf32, #tpu.memory_space<hbm>>)
      %add3A_1543 = arith.constant 4 : i32
      %add3A_1544 = arith.addi %add3A_1492, %add3A_1543 : i32
      %dma_start3A_1545 = arith.constant 2 : i32
      %dma_start3A_1546 = arith.constant 2 : i32
      %dma_start3A_1547 = arith.constant 0 : i32
      %dma_start3A_1548 = arith.constant 0 : i32
      %dma_start3A_1549 = tpu.memref_slice %arg7[%dma_start3A_1545, %dma_start3A_1547, %dma_start3A_1548] : memref<8x128x64xf32, #tpu.memory_space<vmem>> -> memref<1x128x64xf32, #tpu.memory_space<vmem>>
      %dma_start3A_1550 = tpu.memref_squeeze %dma_start3A_1549 : memref<1x128x64xf32, #tpu.memory_space<vmem>> -> memref<128x64xf32, #tpu.memory_space<vmem>>
      %dma_start3A_1551 = arith.constant 0 : i32
      %dma_start3A_1552 = tpu.memref_slice %arg5[%add3A_1544, %dma_start3A_1551] : memref<80x128xi32, #tpu.memory_space<vmem>> -> memref<1x128xi32, #tpu.memory_space<vmem>>
      %dma_start3A_1553 = tpu.memref_squeeze %dma_start3A_1552 : memref<1x128xi32, #tpu.memory_space<vmem>> -> memref<128xi32, #tpu.memory_space<vmem>>
      %dma_start3A_1554 = arith.constant 0 : i32
      %dma_start3A_1555 = arith.constant 0 : i32
      %dma_start3A_1556 = tpu.memref_slice %arg3[%dma_start3A_1554, %dma_start3A_1555] : memref<1000000x64xf32, #tpu.memory_space<hbm>> -> memref<1000000x64xf32, #tpu.memory_space<hbm>>
      %dma_start3A_1557 = tpu.memref_slice %arg8[%dma_start3A_1546] : memref<8x!tpu.dma_semaphore, #tpu.memory_space<semaphore_mem>> -> memref<1x!tpu.dma_semaphore, #tpu.memory_space<semaphore_mem>>
      %dma_start3A_1558 = tpu.memref_squeeze %dma_start3A_1557 : memref<1x!tpu.dma_semaphore, #tpu.memory_space<semaphore_mem>> -> memref<!tpu.dma_semaphore, #tpu.memory_space<semaphore_mem>>
      tpu.enqueue_indirect_dma source(%dma_start3A_1556 : memref<1000000x64xf32, #tpu.memory_space<hbm>>) target(%dma_start3A_1550 : memref<128x64xf32, #tpu.memory_space<vmem>>) offsets(%dma_start3A_1553 : memref<128xi32, #tpu.memory_space<vmem>>) semaphore(%dma_start3A_1558 : memref<!tpu.dma_semaphore, #tpu.memory_space<semaphore_mem>>)
      %mul3A_1559 = arith.constant 8 : i32
      %mul3A_1560 = arith.muli %scan3A_1068, %mul3A_1559 : i32
      %add3A_1561 = arith.constant 7 : i32
      %add3A_1562 = arith.addi %mul3A_1560, %add3A_1561 : i32
      %dma_wait3A_1563 = arith.constant 7 : i32
      %dma_wait3A_1564 = arith.constant 7 : i32
      %dma_wait3A_1565 = arith.constant 0 : i32
      %dma_wait3A_1566 = arith.constant 0 : i32
      %dma_wait3A_1567 = tpu.memref_slice %arg7[%dma_wait3A_1563, %dma_wait3A_1565, %dma_wait3A_1566] : memref<8x128x64xf32, #tpu.memory_space<vmem>> -> memref<1x128x64xf32, #tpu.memory_space<vmem>>
      %dma_wait3A_1568 = tpu.memref_squeeze %dma_wait3A_1567 : memref<1x128x64xf32, #tpu.memory_space<vmem>> -> memref<128x64xf32, #tpu.memory_space<vmem>>
      %dma_wait3A_1569 = arith.constant 0 : i32
      %dma_wait3A_1570 = arith.constant 0 : i32
      %dma_wait3A_1571 = tpu.memref_slice %arg3[%dma_wait3A_1569, %dma_wait3A_1570] : memref<1000000x64xf32, #tpu.memory_space<hbm>> -> memref<128x64xf32, #tpu.memory_space<hbm>>
      %dma_wait3A_1572 = tpu.memref_slice %arg8[%dma_wait3A_1564] : memref<8x!tpu.dma_semaphore, #tpu.memory_space<semaphore_mem>> -> memref<1x!tpu.dma_semaphore, #tpu.memory_space<semaphore_mem>>
      %dma_wait3A_1573 = tpu.memref_squeeze %dma_wait3A_1572 : memref<1x!tpu.dma_semaphore, #tpu.memory_space<semaphore_mem>> -> memref<!tpu.dma_semaphore, #tpu.memory_space<semaphore_mem>>
      %dma_wait3A_1574 = arith.constant 0 : i32
      %dma_wait3A_1575 = arith.constant 0 : i32
      %dma_wait3A_1576 = tpu.memref_slice %arg7[%dma_wait3A_1563, %dma_wait3A_1574, %dma_wait3A_1575] : memref<8x128x64xf32, #tpu.memory_space<vmem>> -> memref<1x128x64xf32, #tpu.memory_space<vmem>>
      %dma_wait3A_1577 = tpu.memref_squeeze %dma_wait3A_1576 : memref<1x128x64xf32, #tpu.memory_space<vmem>> -> memref<128x64xf32, #tpu.memory_space<vmem>>
      %dma_wait3A_1578 = arith.constant 0 : i32
      %dma_wait3A_1579 = arith.constant 0 : i32
      %dma_wait3A_1580 = tpu.memref_slice %arg3[%dma_wait3A_1578, %dma_wait3A_1579] : memref<1000000x64xf32, #tpu.memory_space<hbm>> -> memref<128x64xf32, #tpu.memory_space<hbm>>
      tpu.wait_dma2 semaphore(%dma_wait3A_1573 : memref<!tpu.dma_semaphore, #tpu.memory_space<semaphore_mem>>) src(%dma_wait3A_1580 : memref<128x64xf32, #tpu.memory_space<hbm>>) dst(%dma_wait3A_1577 : memref<128x64xf32, #tpu.memory_space<vmem>>)
      %dma_start3A_1581 = arith.constant 7 : i32
      %dma_start3A_1582 = arith.constant 7 : i32
      %dma_start3A_1583 = arith.constant 0 : i32
      %dma_start3A_1584 = arith.constant 0 : i32
      %dma_start3A_1585 = tpu.memref_slice %arg7[%dma_start3A_1581, %dma_start3A_1583, %dma_start3A_1584] : memref<8x128x64xf32, #tpu.memory_space<vmem>> -> memref<1x128x64xf32, #tpu.memory_space<vmem>>
      %dma_start3A_1586 = tpu.memref_squeeze %dma_start3A_1585 : memref<1x128x64xf32, #tpu.memory_space<vmem>> -> memref<128x64xf32, #tpu.memory_space<vmem>>
      %dma_start3A_1587 = arith.constant 0 : i32
      %dma_start3A_1588 = tpu.memref_slice %arg6[%add3A_1562, %dma_start3A_1587] : memref<80x128xi32, #tpu.memory_space<vmem>> -> memref<1x128xi32, #tpu.memory_space<vmem>>
      %dma_start3A_1589 = tpu.memref_squeeze %dma_start3A_1588 : memref<1x128xi32, #tpu.memory_space<vmem>> -> memref<128xi32, #tpu.memory_space<vmem>>
      %dma_start3A_1590 = arith.constant 0 : i32
      %dma_start3A_1591 = arith.constant 0 : i32
      %dma_start3A_1592 = tpu.memref_slice %arg4[%dma_start3A_1590, %dma_start3A_1591] : memref<327680x64xf32, #tpu.memory_space<hbm>> -> memref<327680x64xf32, #tpu.memory_space<hbm>>
      %dma_start3A_1593 = tpu.memref_slice %arg9[%dma_start3A_1582] : memref<8x!tpu.dma_semaphore, #tpu.memory_space<semaphore_mem>> -> memref<1x!tpu.dma_semaphore, #tpu.memory_space<semaphore_mem>>
      %dma_start3A_1594 = tpu.memref_squeeze %dma_start3A_1593 : memref<1x!tpu.dma_semaphore, #tpu.memory_space<semaphore_mem>> -> memref<!tpu.dma_semaphore, #tpu.memory_space<semaphore_mem>>
      tpu.enqueue_indirect_dma source(%dma_start3A_1586 : memref<128x64xf32, #tpu.memory_space<vmem>>) target(%dma_start3A_1592 : memref<327680x64xf32, #tpu.memory_space<hbm>>) offsets(%dma_start3A_1589 : memref<128xi32, #tpu.memory_space<vmem>>) semaphore(%dma_start3A_1594 : memref<!tpu.dma_semaphore, #tpu.memory_space<semaphore_mem>>)
      %dma_wait3A_1595 = arith.constant 3 : i32
      %dma_wait3A_1596 = arith.constant 3 : i32
      %dma_wait3A_1597 = arith.constant 0 : i32
      %dma_wait3A_1598 = arith.constant 0 : i32
      %dma_wait3A_1599 = tpu.memref_slice %arg7[%dma_wait3A_1595, %dma_wait3A_1597, %dma_wait3A_1598] : memref<8x128x64xf32, #tpu.memory_space<vmem>> -> memref<1x128x64xf32, #tpu.memory_space<vmem>>
      %dma_wait3A_1600 = tpu.memref_squeeze %dma_wait3A_1599 : memref<1x128x64xf32, #tpu.memory_space<vmem>> -> memref<128x64xf32, #tpu.memory_space<vmem>>
      %dma_wait3A_1601 = arith.constant 0 : i32
      %dma_wait3A_1602 = arith.constant 0 : i32
      %dma_wait3A_1603 = tpu.memref_slice %arg4[%dma_wait3A_1601, %dma_wait3A_1602] : memref<327680x64xf32, #tpu.memory_space<hbm>> -> memref<128x64xf32, #tpu.memory_space<hbm>>
      %dma_wait3A_1604 = tpu.memref_slice %arg9[%dma_wait3A_1596] : memref<8x!tpu.dma_semaphore, #tpu.memory_space<semaphore_mem>> -> memref<1x!tpu.dma_semaphore, #tpu.memory_space<semaphore_mem>>
      %dma_wait3A_1605 = tpu.memref_squeeze %dma_wait3A_1604 : memref<1x!tpu.dma_semaphore, #tpu.memory_space<semaphore_mem>> -> memref<!tpu.dma_semaphore, #tpu.memory_space<semaphore_mem>>
      %dma_wait3A_1606 = arith.constant 0 : i32
      %dma_wait3A_1607 = arith.constant 0 : i32
      %dma_wait3A_1608 = tpu.memref_slice %arg4[%dma_wait3A_1606, %dma_wait3A_1607] : memref<327680x64xf32, #tpu.memory_space<hbm>> -> memref<128x64xf32, #tpu.memory_space<hbm>>
      %dma_wait3A_1609 = arith.constant 0 : i32
      %dma_wait3A_1610 = arith.constant 0 : i32
      %dma_wait3A_1611 = tpu.memref_slice %arg7[%dma_wait3A_1595, %dma_wait3A_1609, %dma_wait3A_1610] : memref<8x128x64xf32, #tpu.memory_space<vmem>> -> memref<1x128x64xf32, #tpu.memory_space<vmem>>
      %dma_wait3A_1612 = tpu.memref_squeeze %dma_wait3A_1611 : memref<1x128x64xf32, #tpu.memory_space<vmem>> -> memref<128x64xf32, #tpu.memory_space<vmem>>
      tpu.wait_dma2 semaphore(%dma_wait3A_1605 : memref<!tpu.dma_semaphore, #tpu.memory_space<semaphore_mem>>) src(%dma_wait3A_1612 : memref<128x64xf32, #tpu.memory_space<vmem>>) dst(%dma_wait3A_1608 : memref<128x64xf32, #tpu.memory_space<hbm>>)
      %add3A_1613 = arith.constant 4 : i32
      %add3A_1614 = arith.addi %add3A_1562, %add3A_1613 : i32
      %dma_start3A_1615 = arith.constant 3 : i32
      %dma_start3A_1616 = arith.constant 3 : i32
      %dma_start3A_1617 = arith.constant 0 : i32
      %dma_start3A_1618 = arith.constant 0 : i32
      %dma_start3A_1619 = tpu.memref_slice %arg7[%dma_start3A_1615, %dma_start3A_1617, %dma_start3A_1618] : memref<8x128x64xf32, #tpu.memory_space<vmem>> -> memref<1x128x64xf32, #tpu.memory_space<vmem>>
      %dma_start3A_1620 = tpu.memref_squeeze %dma_start3A_1619 : memref<1x128x64xf32, #tpu.memory_space<vmem>> -> memref<128x64xf32, #tpu.memory_space<vmem>>
      %dma_start3A_1621 = arith.constant 0 : i32
      %dma_start3A_1622 = tpu.memref_slice %arg5[%add3A_1614, %dma_start3A_1621] : memref<80x128xi32, #tpu.memory_space<vmem>> -> memref<1x128xi32, #tpu.memory_space<vmem>>
      %dma_start3A_1623 = tpu.memref_squeeze %dma_start3A_1622 : memref<1x128xi32, #tpu.memory_space<vmem>> -> memref<128xi32, #tpu.memory_space<vmem>>
      %dma_start3A_1624 = arith.constant 0 : i32
      %dma_start3A_1625 = arith.constant 0 : i32
      %dma_start3A_1626 = tpu.memref_slice %arg3[%dma_start3A_1624, %dma_start3A_1625] : memref<1000000x64xf32, #tpu.memory_space<hbm>> -> memref<1000000x64xf32, #tpu.memory_space<hbm>>
      %dma_start3A_1627 = tpu.memref_slice %arg8[%dma_start3A_1616] : memref<8x!tpu.dma_semaphore, #tpu.memory_space<semaphore_mem>> -> memref<1x!tpu.dma_semaphore, #tpu.memory_space<semaphore_mem>>
      %dma_start3A_1628 = tpu.memref_squeeze %dma_start3A_1627 : memref<1x!tpu.dma_semaphore, #tpu.memory_space<semaphore_mem>> -> memref<!tpu.dma_semaphore, #tpu.memory_space<semaphore_mem>>
      tpu.enqueue_indirect_dma source(%dma_start3A_1626 : memref<1000000x64xf32, #tpu.memory_space<hbm>>) target(%dma_start3A_1620 : memref<128x64xf32, #tpu.memory_space<vmem>>) offsets(%dma_start3A_1623 : memref<128xi32, #tpu.memory_space<vmem>>) semaphore(%dma_start3A_1628 : memref<!tpu.dma_semaphore, #tpu.memory_space<semaphore_mem>>)
    }
    %scan3A_527 = arith.constant 8 : i32
    %dma_wait3A_528 = arith.constant 0 : i32
    %dma_wait3A_529 = arith.constant 0 : i32
    %dma_wait3A_530 = arith.constant 0 : i32
    %dma_wait3A_531 = arith.constant 0 : i32
    %dma_wait3A_532 = tpu.memref_slice %arg7[%dma_wait3A_528, %dma_wait3A_530, %dma_wait3A_531] : memref<8x128x64xf32, #tpu.memory_space<vmem>> -> memref<1x128x64xf32, #tpu.memory_space<vmem>>
    %dma_wait3A_533 = tpu.memref_squeeze %dma_wait3A_532 : memref<1x128x64xf32, #tpu.memory_space<vmem>> -> memref<128x64xf32, #tpu.memory_space<vmem>>
    %dma_wait3A_534 = arith.constant 0 : i32
    %dma_wait3A_535 = arith.constant 0 : i32
    %dma_wait3A_536 = tpu.memref_slice %arg3[%dma_wait3A_534, %dma_wait3A_535] : memref<1000000x64xf32, #tpu.memory_space<hbm>> -> memref<128x64xf32, #tpu.memory_space<hbm>>
    %dma_wait3A_537 = tpu.memref_slice %arg8[%dma_wait3A_529] : memref<8x!tpu.dma_semaphore, #tpu.memory_space<semaphore_mem>> -> memref<1x!tpu.dma_semaphore, #tpu.memory_space<semaphore_mem>>
    %dma_wait3A_538 = tpu.memref_squeeze %dma_wait3A_537 : memref<1x!tpu.dma_semaphore, #tpu.memory_space<semaphore_mem>> -> memref<!tpu.dma_semaphore, #tpu.memory_space<semaphore_mem>>
    %dma_wait3A_539 = arith.constant 0 : i32
    %dma_wait3A_540 = arith.constant 0 : i32
    %dma_wait3A_541 = tpu.memref_slice %arg7[%dma_wait3A_528, %dma_wait3A_539, %dma_wait3A_540] : memref<8x128x64xf32, #tpu.memory_space<vmem>> -> memref<1x128x64xf32, #tpu.memory_space<vmem>>
    %dma_wait3A_542 = tpu.memref_squeeze %dma_wait3A_541 : memref<1x128x64xf32, #tpu.memory_space<vmem>> -> memref<128x64xf32, #tpu.memory_space<vmem>>
    %dma_wait3A_543 = arith.constant 0 : i32
    %dma_wait3A_544 = arith.constant 0 : i32
    %dma_wait3A_545 = tpu.memref_slice %arg3[%dma_wait3A_543, %dma_wait3A_544] : memref<1000000x64xf32, #tpu.memory_space<hbm>> -> memref<128x64xf32, #tpu.memory_space<hbm>>
    tpu.wait_dma2 semaphore(%dma_wait3A_538 : memref<!tpu.dma_semaphore, #tpu.memory_space<semaphore_mem>>) src(%dma_wait3A_545 : memref<128x64xf32, #tpu.memory_space<hbm>>) dst(%dma_wait3A_542 : memref<128x64xf32, #tpu.memory_space<vmem>>)
    %dma_start3A_546 = arith.constant 0 : i32
    %dma_start3A_547 = arith.constant 72 : i32
    %dma_start3A_548 = arith.constant 0 : i32
    %dma_start3A_549 = arith.constant 0 : i32
    %dma_start3A_550 = arith.constant 0 : i32
    %dma_start3A_551 = tpu.memref_slice %arg7[%dma_start3A_546, %dma_start3A_549, %dma_start3A_550] : memref<8x128x64xf32, #tpu.memory_space<vmem>> -> memref<1x128x64xf32, #tpu.memory_space<vmem>>
    %dma_start3A_552 = tpu.memref_squeeze %dma_start3A_551 : memref<1x128x64xf32, #tpu.memory_space<vmem>> -> memref<128x64xf32, #tpu.memory_space<vmem>>
    %dma_start3A_553 = arith.constant 0 : i32
    %dma_start3A_554 = tpu.memref_slice %arg6[%dma_start3A_547, %dma_start3A_553] : memref<80x128xi32, #tpu.memory_space<vmem>> -> memref<1x128xi32, #tpu.memory_space<vmem>>
    %dma_start3A_555 = tpu.memref_squeeze %dma_start3A_554 : memref<1x128xi32, #tpu.memory_space<vmem>> -> memref<128xi32, #tpu.memory_space<vmem>>
    %dma_start3A_556 = arith.constant 0 : i32
    %dma_start3A_557 = arith.constant 0 : i32
    %dma_start3A_558 = tpu.memref_slice %arg4[%dma_start3A_556, %dma_start3A_557] : memref<327680x64xf32, #tpu.memory_space<hbm>> -> memref<327680x64xf32, #tpu.memory_space<hbm>>
    %dma_start3A_559 = tpu.memref_slice %arg9[%dma_start3A_548] : memref<8x!tpu.dma_semaphore, #tpu.memory_space<semaphore_mem>> -> memref<1x!tpu.dma_semaphore, #tpu.memory_space<semaphore_mem>>
    %dma_start3A_560 = tpu.memref_squeeze %dma_start3A_559 : memref<1x!tpu.dma_semaphore, #tpu.memory_space<semaphore_mem>> -> memref<!tpu.dma_semaphore, #tpu.memory_space<semaphore_mem>>
    tpu.enqueue_indirect_dma source(%dma_start3A_552 : memref<128x64xf32, #tpu.memory_space<vmem>>) target(%dma_start3A_558 : memref<327680x64xf32, #tpu.memory_space<hbm>>) offsets(%dma_start3A_555 : memref<128xi32, #tpu.memory_space<vmem>>) semaphore(%dma_start3A_560 : memref<!tpu.dma_semaphore, #tpu.memory_space<semaphore_mem>>)
    %dma_wait3A_561 = arith.constant 4 : i32
    %dma_wait3A_562 = arith.constant 4 : i32
    %dma_wait3A_563 = arith.constant 0 : i32
    %dma_wait3A_564 = arith.constant 0 : i32
    %dma_wait3A_565 = tpu.memref_slice %arg7[%dma_wait3A_561, %dma_wait3A_563, %dma_wait3A_564] : memref<8x128x64xf32, #tpu.memory_space<vmem>> -> memref<1x128x64xf32, #tpu.memory_space<vmem>>
    %dma_wait3A_566 = tpu.memref_squeeze %dma_wait3A_565 : memref<1x128x64xf32, #tpu.memory_space<vmem>> -> memref<128x64xf32, #tpu.memory_space<vmem>>
    %dma_wait3A_567 = arith.constant 0 : i32
    %dma_wait3A_568 = arith.constant 0 : i32
    %dma_wait3A_569 = tpu.memref_slice %arg4[%dma_wait3A_567, %dma_wait3A_568] : memref<327680x64xf32, #tpu.memory_space<hbm>> -> memref<128x64xf32, #tpu.memory_space<hbm>>
    %dma_wait3A_570 = tpu.memref_slice %arg9[%dma_wait3A_562] : memref<8x!tpu.dma_semaphore, #tpu.memory_space<semaphore_mem>> -> memref<1x!tpu.dma_semaphore, #tpu.memory_space<semaphore_mem>>
    %dma_wait3A_571 = tpu.memref_squeeze %dma_wait3A_570 : memref<1x!tpu.dma_semaphore, #tpu.memory_space<semaphore_mem>> -> memref<!tpu.dma_semaphore, #tpu.memory_space<semaphore_mem>>
    %dma_wait3A_572 = arith.constant 0 : i32
    %dma_wait3A_573 = arith.constant 0 : i32
    %dma_wait3A_574 = tpu.memref_slice %arg4[%dma_wait3A_572, %dma_wait3A_573] : memref<327680x64xf32, #tpu.memory_space<hbm>> -> memref<128x64xf32, #tpu.memory_space<hbm>>
    %dma_wait3A_575 = arith.constant 0 : i32
    %dma_wait3A_576 = arith.constant 0 : i32
    %dma_wait3A_577 = tpu.memref_slice %arg7[%dma_wait3A_561, %dma_wait3A_575, %dma_wait3A_576] : memref<8x128x64xf32, #tpu.memory_space<vmem>> -> memref<1x128x64xf32, #tpu.memory_space<vmem>>
    %dma_wait3A_578 = tpu.memref_squeeze %dma_wait3A_577 : memref<1x128x64xf32, #tpu.memory_space<vmem>> -> memref<128x64xf32, #tpu.memory_space<vmem>>
    tpu.wait_dma2 semaphore(%dma_wait3A_571 : memref<!tpu.dma_semaphore, #tpu.memory_space<semaphore_mem>>) src(%dma_wait3A_578 : memref<128x64xf32, #tpu.memory_space<vmem>>) dst(%dma_wait3A_574 : memref<128x64xf32, #tpu.memory_space<hbm>>)
    %dma_start3A_579 = arith.constant 76 : i32
    %dma_start3A_580 = arith.constant 4 : i32
    %dma_start3A_581 = arith.constant 4 : i32
    %dma_start3A_582 = arith.constant 0 : i32
    %dma_start3A_583 = arith.constant 0 : i32
    %dma_start3A_584 = tpu.memref_slice %arg7[%dma_start3A_580, %dma_start3A_582, %dma_start3A_583] : memref<8x128x64xf32, #tpu.memory_space<vmem>> -> memref<1x128x64xf32, #tpu.memory_space<vmem>>
    %dma_start3A_585 = tpu.memref_squeeze %dma_start3A_584 : memref<1x128x64xf32, #tpu.memory_space<vmem>> -> memref<128x64xf32, #tpu.memory_space<vmem>>
    %dma_start3A_586 = arith.constant 0 : i32
    %dma_start3A_587 = tpu.memref_slice %arg5[%dma_start3A_579, %dma_start3A_586] : memref<80x128xi32, #tpu.memory_space<vmem>> -> memref<1x128xi32, #tpu.memory_space<vmem>>
    %dma_start3A_588 = tpu.memref_squeeze %dma_start3A_587 : memref<1x128xi32, #tpu.memory_space<vmem>> -> memref<128xi32, #tpu.memory_space<vmem>>
    %dma_start3A_589 = arith.constant 0 : i32
    %dma_start3A_590 = arith.constant 0 : i32
    %dma_start3A_591 = tpu.memref_slice %arg3[%dma_start3A_589, %dma_start3A_590] : memref<1000000x64xf32, #tpu.memory_space<hbm>> -> memref<1000000x64xf32, #tpu.memory_space<hbm>>
    %dma_start3A_592 = tpu.memref_slice %arg8[%dma_start3A_581] : memref<8x!tpu.dma_semaphore, #tpu.memory_space<semaphore_mem>> -> memref<1x!tpu.dma_semaphore, #tpu.memory_space<semaphore_mem>>
    %dma_start3A_593 = tpu.memref_squeeze %dma_start3A_592 : memref<1x!tpu.dma_semaphore, #tpu.memory_space<semaphore_mem>> -> memref<!tpu.dma_semaphore, #tpu.memory_space<semaphore_mem>>
    tpu.enqueue_indirect_dma source(%dma_start3A_591 : memref<1000000x64xf32, #tpu.memory_space<hbm>>) target(%dma_start3A_585 : memref<128x64xf32, #tpu.memory_space<vmem>>) offsets(%dma_start3A_588 : memref<128xi32, #tpu.memory_space<vmem>>) semaphore(%dma_start3A_593 : memref<!tpu.dma_semaphore, #tpu.memory_space<semaphore_mem>>)
    %dma_wait3A_594 = arith.constant 1 : i32
    %dma_wait3A_595 = arith.constant 1 : i32
    %dma_wait3A_596 = arith.constant 0 : i32
    %dma_wait3A_597 = arith.constant 0 : i32
    %dma_wait3A_598 = tpu.memref_slice %arg7[%dma_wait3A_594, %dma_wait3A_596, %dma_wait3A_597] : memref<8x128x64xf32, #tpu.memory_space<vmem>> -> memref<1x128x64xf32, #tpu.memory_space<vmem>>
    %dma_wait3A_599 = tpu.memref_squeeze %dma_wait3A_598 : memref<1x128x64xf32, #tpu.memory_space<vmem>> -> memref<128x64xf32, #tpu.memory_space<vmem>>
    %dma_wait3A_600 = arith.constant 0 : i32
    %dma_wait3A_601 = arith.constant 0 : i32
    %dma_wait3A_602 = tpu.memref_slice %arg3[%dma_wait3A_600, %dma_wait3A_601] : memref<1000000x64xf32, #tpu.memory_space<hbm>> -> memref<128x64xf32, #tpu.memory_space<hbm>>
    %dma_wait3A_603 = tpu.memref_slice %arg8[%dma_wait3A_595] : memref<8x!tpu.dma_semaphore, #tpu.memory_space<semaphore_mem>> -> memref<1x!tpu.dma_semaphore, #tpu.memory_space<semaphore_mem>>
    %dma_wait3A_604 = tpu.memref_squeeze %dma_wait3A_603 : memref<1x!tpu.dma_semaphore, #tpu.memory_space<semaphore_mem>> -> memref<!tpu.dma_semaphore, #tpu.memory_space<semaphore_mem>>
    %dma_wait3A_605 = arith.constant 0 : i32
    %dma_wait3A_606 = arith.constant 0 : i32
    %dma_wait3A_607 = tpu.memref_slice %arg7[%dma_wait3A_594, %dma_wait3A_605, %dma_wait3A_606] : memref<8x128x64xf32, #tpu.memory_space<vmem>> -> memref<1x128x64xf32, #tpu.memory_space<vmem>>
    %dma_wait3A_608 = tpu.memref_squeeze %dma_wait3A_607 : memref<1x128x64xf32, #tpu.memory_space<vmem>> -> memref<128x64xf32, #tpu.memory_space<vmem>>
    %dma_wait3A_609 = arith.constant 0 : i32
    %dma_wait3A_610 = arith.constant 0 : i32
    %dma_wait3A_611 = tpu.memref_slice %arg3[%dma_wait3A_609, %dma_wait3A_610] : memref<1000000x64xf32, #tpu.memory_space<hbm>> -> memref<128x64xf32, #tpu.memory_space<hbm>>
    tpu.wait_dma2 semaphore(%dma_wait3A_604 : memref<!tpu.dma_semaphore, #tpu.memory_space<semaphore_mem>>) src(%dma_wait3A_611 : memref<128x64xf32, #tpu.memory_space<hbm>>) dst(%dma_wait3A_608 : memref<128x64xf32, #tpu.memory_space<vmem>>)
    %dma_start3A_612 = arith.constant 1 : i32
    %dma_start3A_613 = arith.constant 73 : i32
    %dma_start3A_614 = arith.constant 1 : i32
    %dma_start3A_615 = arith.constant 0 : i32
    %dma_start3A_616 = arith.constant 0 : i32
    %dma_start3A_617 = tpu.memref_slice %arg7[%dma_start3A_612, %dma_start3A_615, %dma_start3A_616] : memref<8x128x64xf32, #tpu.memory_space<vmem>> -> memref<1x128x64xf32, #tpu.memory_space<vmem>>
    %dma_start3A_618 = tpu.memref_squeeze %dma_start3A_617 : memref<1x128x64xf32, #tpu.memory_space<vmem>> -> memref<128x64xf32, #tpu.memory_space<vmem>>
    %dma_start3A_619 = arith.constant 0 : i32
    %dma_start3A_620 = tpu.memref_slice %arg6[%dma_start3A_613, %dma_start3A_619] : memref<80x128xi32, #tpu.memory_space<vmem>> -> memref<1x128xi32, #tpu.memory_space<vmem>>
    %dma_start3A_621 = tpu.memref_squeeze %dma_start3A_620 : memref<1x128xi32, #tpu.memory_space<vmem>> -> memref<128xi32, #tpu.memory_space<vmem>>
    %dma_start3A_622 = arith.constant 0 : i32
    %dma_start3A_623 = arith.constant 0 : i32
    %dma_start3A_624 = tpu.memref_slice %arg4[%dma_start3A_622, %dma_start3A_623] : memref<327680x64xf32, #tpu.memory_space<hbm>> -> memref<327680x64xf32, #tpu.memory_space<hbm>>
    %dma_start3A_625 = tpu.memref_slice %arg9[%dma_start3A_614] : memref<8x!tpu.dma_semaphore, #tpu.memory_space<semaphore_mem>> -> memref<1x!tpu.dma_semaphore, #tpu.memory_space<semaphore_mem>>
    %dma_start3A_626 = tpu.memref_squeeze %dma_start3A_625 : memref<1x!tpu.dma_semaphore, #tpu.memory_space<semaphore_mem>> -> memref<!tpu.dma_semaphore, #tpu.memory_space<semaphore_mem>>
    tpu.enqueue_indirect_dma source(%dma_start3A_618 : memref<128x64xf32, #tpu.memory_space<vmem>>) target(%dma_start3A_624 : memref<327680x64xf32, #tpu.memory_space<hbm>>) offsets(%dma_start3A_621 : memref<128xi32, #tpu.memory_space<vmem>>) semaphore(%dma_start3A_626 : memref<!tpu.dma_semaphore, #tpu.memory_space<semaphore_mem>>)
    %dma_wait3A_627 = arith.constant 5 : i32
    %dma_wait3A_628 = arith.constant 5 : i32
    %dma_wait3A_629 = arith.constant 0 : i32
    %dma_wait3A_630 = arith.constant 0 : i32
    %dma_wait3A_631 = tpu.memref_slice %arg7[%dma_wait3A_627, %dma_wait3A_629, %dma_wait3A_630] : memref<8x128x64xf32, #tpu.memory_space<vmem>> -> memref<1x128x64xf32, #tpu.memory_space<vmem>>
    %dma_wait3A_632 = tpu.memref_squeeze %dma_wait3A_631 : memref<1x128x64xf32, #tpu.memory_space<vmem>> -> memref<128x64xf32, #tpu.memory_space<vmem>>
    %dma_wait3A_633 = arith.constant 0 : i32
    %dma_wait3A_634 = arith.constant 0 : i32
    %dma_wait3A_635 = tpu.memref_slice %arg4[%dma_wait3A_633, %dma_wait3A_634] : memref<327680x64xf32, #tpu.memory_space<hbm>> -> memref<128x64xf32, #tpu.memory_space<hbm>>
    %dma_wait3A_636 = tpu.memref_slice %arg9[%dma_wait3A_628] : memref<8x!tpu.dma_semaphore, #tpu.memory_space<semaphore_mem>> -> memref<1x!tpu.dma_semaphore, #tpu.memory_space<semaphore_mem>>
    %dma_wait3A_637 = tpu.memref_squeeze %dma_wait3A_636 : memref<1x!tpu.dma_semaphore, #tpu.memory_space<semaphore_mem>> -> memref<!tpu.dma_semaphore, #tpu.memory_space<semaphore_mem>>
    %dma_wait3A_638 = arith.constant 0 : i32
    %dma_wait3A_639 = arith.constant 0 : i32
    %dma_wait3A_640 = tpu.memref_slice %arg4[%dma_wait3A_638, %dma_wait3A_639] : memref<327680x64xf32, #tpu.memory_space<hbm>> -> memref<128x64xf32, #tpu.memory_space<hbm>>
    %dma_wait3A_641 = arith.constant 0 : i32
    %dma_wait3A_642 = arith.constant 0 : i32
    %dma_wait3A_643 = tpu.memref_slice %arg7[%dma_wait3A_627, %dma_wait3A_641, %dma_wait3A_642] : memref<8x128x64xf32, #tpu.memory_space<vmem>> -> memref<1x128x64xf32, #tpu.memory_space<vmem>>
    %dma_wait3A_644 = tpu.memref_squeeze %dma_wait3A_643 : memref<1x128x64xf32, #tpu.memory_space<vmem>> -> memref<128x64xf32, #tpu.memory_space<vmem>>
    tpu.wait_dma2 semaphore(%dma_wait3A_637 : memref<!tpu.dma_semaphore, #tpu.memory_space<semaphore_mem>>) src(%dma_wait3A_644 : memref<128x64xf32, #tpu.memory_space<vmem>>) dst(%dma_wait3A_640 : memref<128x64xf32, #tpu.memory_space<hbm>>)
    %dma_start3A_645 = arith.constant 77 : i32
    %dma_start3A_646 = arith.constant 5 : i32
    %dma_start3A_647 = arith.constant 5 : i32
    %dma_start3A_648 = arith.constant 0 : i32
    %dma_start3A_649 = arith.constant 0 : i32
    %dma_start3A_650 = tpu.memref_slice %arg7[%dma_start3A_646, %dma_start3A_648, %dma_start3A_649] : memref<8x128x64xf32, #tpu.memory_space<vmem>> -> memref<1x128x64xf32, #tpu.memory_space<vmem>>
    %dma_start3A_651 = tpu.memref_squeeze %dma_start3A_650 : memref<1x128x64xf32, #tpu.memory_space<vmem>> -> memref<128x64xf32, #tpu.memory_space<vmem>>
    %dma_start3A_652 = arith.constant 0 : i32
    %dma_start3A_653 = tpu.memref_slice %arg5[%dma_start3A_645, %dma_start3A_652] : memref<80x128xi32, #tpu.memory_space<vmem>> -> memref<1x128xi32, #tpu.memory_space<vmem>>
    %dma_start3A_654 = tpu.memref_squeeze %dma_start3A_653 : memref<1x128xi32, #tpu.memory_space<vmem>> -> memref<128xi32, #tpu.memory_space<vmem>>
    %dma_start3A_655 = arith.constant 0 : i32
    %dma_start3A_656 = arith.constant 0 : i32
    %dma_start3A_657 = tpu.memref_slice %arg3[%dma_start3A_655, %dma_start3A_656] : memref<1000000x64xf32, #tpu.memory_space<hbm>> -> memref<1000000x64xf32, #tpu.memory_space<hbm>>
    %dma_start3A_658 = tpu.memref_slice %arg8[%dma_start3A_647] : memref<8x!tpu.dma_semaphore, #tpu.memory_space<semaphore_mem>> -> memref<1x!tpu.dma_semaphore, #tpu.memory_space<semaphore_mem>>
    %dma_start3A_659 = tpu.memref_squeeze %dma_start3A_658 : memref<1x!tpu.dma_semaphore, #tpu.memory_space<semaphore_mem>> -> memref<!tpu.dma_semaphore, #tpu.memory_space<semaphore_mem>>
    tpu.enqueue_indirect_dma source(%dma_start3A_657 : memref<1000000x64xf32, #tpu.memory_space<hbm>>) target(%dma_start3A_651 : memref<128x64xf32, #tpu.memory_space<vmem>>) offsets(%dma_start3A_654 : memref<128xi32, #tpu.memory_space<vmem>>) semaphore(%dma_start3A_659 : memref<!tpu.dma_semaphore, #tpu.memory_space<semaphore_mem>>)
    %dma_wait3A_660 = arith.constant 2 : i32
    %dma_wait3A_661 = arith.constant 2 : i32
    %dma_wait3A_662 = arith.constant 0 : i32
    %dma_wait3A_663 = arith.constant 0 : i32
    %dma_wait3A_664 = tpu.memref_slice %arg7[%dma_wait3A_660, %dma_wait3A_662, %dma_wait3A_663] : memref<8x128x64xf32, #tpu.memory_space<vmem>> -> memref<1x128x64xf32, #tpu.memory_space<vmem>>
    %dma_wait3A_665 = tpu.memref_squeeze %dma_wait3A_664 : memref<1x128x64xf32, #tpu.memory_space<vmem>> -> memref<128x64xf32, #tpu.memory_space<vmem>>
    %dma_wait3A_666 = arith.constant 0 : i32
    %dma_wait3A_667 = arith.constant 0 : i32
    %dma_wait3A_668 = tpu.memref_slice %arg3[%dma_wait3A_666, %dma_wait3A_667] : memref<1000000x64xf32, #tpu.memory_space<hbm>> -> memref<128x64xf32, #tpu.memory_space<hbm>>
    %dma_wait3A_669 = tpu.memref_slice %arg8[%dma_wait3A_661] : memref<8x!tpu.dma_semaphore, #tpu.memory_space<semaphore_mem>> -> memref<1x!tpu.dma_semaphore, #tpu.memory_space<semaphore_mem>>
    %dma_wait3A_670 = tpu.memref_squeeze %dma_wait3A_669 : memref<1x!tpu.dma_semaphore, #tpu.memory_space<semaphore_mem>> -> memref<!tpu.dma_semaphore, #tpu.memory_space<semaphore_mem>>
    %dma_wait3A_671 = arith.constant 0 : i32
    %dma_wait3A_672 = arith.constant 0 : i32
    %dma_wait3A_673 = tpu.memref_slice %arg7[%dma_wait3A_660, %dma_wait3A_671, %dma_wait3A_672] : memref<8x128x64xf32, #tpu.memory_space<vmem>> -> memref<1x128x64xf32, #tpu.memory_space<vmem>>
    %dma_wait3A_674 = tpu.memref_squeeze %dma_wait3A_673 : memref<1x128x64xf32, #tpu.memory_space<vmem>> -> memref<128x64xf32, #tpu.memory_space<vmem>>
    %dma_wait3A_675 = arith.constant 0 : i32
    %dma_wait3A_676 = arith.constant 0 : i32
    %dma_wait3A_677 = tpu.memref_slice %arg3[%dma_wait3A_675, %dma_wait3A_676] : memref<1000000x64xf32, #tpu.memory_space<hbm>> -> memref<128x64xf32, #tpu.memory_space<hbm>>
    tpu.wait_dma2 semaphore(%dma_wait3A_670 : memref<!tpu.dma_semaphore, #tpu.memory_space<semaphore_mem>>) src(%dma_wait3A_677 : memref<128x64xf32, #tpu.memory_space<hbm>>) dst(%dma_wait3A_674 : memref<128x64xf32, #tpu.memory_space<vmem>>)
    %dma_start3A_678 = arith.constant 2 : i32
    %dma_start3A_679 = arith.constant 74 : i32
    %dma_start3A_680 = arith.constant 2 : i32
    %dma_start3A_681 = arith.constant 0 : i32
    %dma_start3A_682 = arith.constant 0 : i32
    %dma_start3A_683 = tpu.memref_slice %arg7[%dma_start3A_678, %dma_start3A_681, %dma_start3A_682] : memref<8x128x64xf32, #tpu.memory_space<vmem>> -> memref<1x128x64xf32, #tpu.memory_space<vmem>>
    %dma_start3A_684 = tpu.memref_squeeze %dma_start3A_683 : memref<1x128x64xf32, #tpu.memory_space<vmem>> -> memref<128x64xf32, #tpu.memory_space<vmem>>
    %dma_start3A_685 = arith.constant 0 : i32
    %dma_start3A_686 = tpu.memref_slice %arg6[%dma_start3A_679, %dma_start3A_685] : memref<80x128xi32, #tpu.memory_space<vmem>> -> memref<1x128xi32, #tpu.memory_space<vmem>>
    %dma_start3A_687 = tpu.memref_squeeze %dma_start3A_686 : memref<1x128xi32, #tpu.memory_space<vmem>> -> memref<128xi32, #tpu.memory_space<vmem>>
    %dma_start3A_688 = arith.constant 0 : i32
    %dma_start3A_689 = arith.constant 0 : i32
    %dma_start3A_690 = tpu.memref_slice %arg4[%dma_start3A_688, %dma_start3A_689] : memref<327680x64xf32, #tpu.memory_space<hbm>> -> memref<327680x64xf32, #tpu.memory_space<hbm>>
    %dma_start3A_691 = tpu.memref_slice %arg9[%dma_start3A_680] : memref<8x!tpu.dma_semaphore, #tpu.memory_space<semaphore_mem>> -> memref<1x!tpu.dma_semaphore, #tpu.memory_space<semaphore_mem>>
    %dma_start3A_692 = tpu.memref_squeeze %dma_start3A_691 : memref<1x!tpu.dma_semaphore, #tpu.memory_space<semaphore_mem>> -> memref<!tpu.dma_semaphore, #tpu.memory_space<semaphore_mem>>
    tpu.enqueue_indirect_dma source(%dma_start3A_684 : memref<128x64xf32, #tpu.memory_space<vmem>>) target(%dma_start3A_690 : memref<327680x64xf32, #tpu.memory_space<hbm>>) offsets(%dma_start3A_687 : memref<128xi32, #tpu.memory_space<vmem>>) semaphore(%dma_start3A_692 : memref<!tpu.dma_semaphore, #tpu.memory_space<semaphore_mem>>)
    %dma_wait3A_693 = arith.constant 6 : i32
    %dma_wait3A_694 = arith.constant 6 : i32
    %dma_wait3A_695 = arith.constant 0 : i32
    %dma_wait3A_696 = arith.constant 0 : i32
    %dma_wait3A_697 = tpu.memref_slice %arg7[%dma_wait3A_693, %dma_wait3A_695, %dma_wait3A_696] : memref<8x128x64xf32, #tpu.memory_space<vmem>> -> memref<1x128x64xf32, #tpu.memory_space<vmem>>
    %dma_wait3A_698 = tpu.memref_squeeze %dma_wait3A_697 : memref<1x128x64xf32, #tpu.memory_space<vmem>> -> memref<128x64xf32, #tpu.memory_space<vmem>>
    %dma_wait3A_699 = arith.constant 0 : i32
    %dma_wait3A_700 = arith.constant 0 : i32
    %dma_wait3A_701 = tpu.memref_slice %arg4[%dma_wait3A_699, %dma_wait3A_700] : memref<327680x64xf32, #tpu.memory_space<hbm>> -> memref<128x64xf32, #tpu.memory_space<hbm>>
    %dma_wait3A_702 = tpu.memref_slice %arg9[%dma_wait3A_694] : memref<8x!tpu.dma_semaphore, #tpu.memory_space<semaphore_mem>> -> memref<1x!tpu.dma_semaphore, #tpu.memory_space<semaphore_mem>>
    %dma_wait3A_703 = tpu.memref_squeeze %dma_wait3A_702 : memref<1x!tpu.dma_semaphore, #tpu.memory_space<semaphore_mem>> -> memref<!tpu.dma_semaphore, #tpu.memory_space<semaphore_mem>>
    %dma_wait3A_704 = arith.constant 0 : i32
    %dma_wait3A_705 = arith.constant 0 : i32
    %dma_wait3A_706 = tpu.memref_slice %arg4[%dma_wait3A_704, %dma_wait3A_705] : memref<327680x64xf32, #tpu.memory_space<hbm>> -> memref<128x64xf32, #tpu.memory_space<hbm>>
    %dma_wait3A_707 = arith.constant 0 : i32
    %dma_wait3A_708 = arith.constant 0 : i32
    %dma_wait3A_709 = tpu.memref_slice %arg7[%dma_wait3A_693, %dma_wait3A_707, %dma_wait3A_708] : memref<8x128x64xf32, #tpu.memory_space<vmem>> -> memref<1x128x64xf32, #tpu.memory_space<vmem>>
    %dma_wait3A_710 = tpu.memref_squeeze %dma_wait3A_709 : memref<1x128x64xf32, #tpu.memory_space<vmem>> -> memref<128x64xf32, #tpu.memory_space<vmem>>
    tpu.wait_dma2 semaphore(%dma_wait3A_703 : memref<!tpu.dma_semaphore, #tpu.memory_space<semaphore_mem>>) src(%dma_wait3A_710 : memref<128x64xf32, #tpu.memory_space<vmem>>) dst(%dma_wait3A_706 : memref<128x64xf32, #tpu.memory_space<hbm>>)
    %dma_start3A_711 = arith.constant 78 : i32
    %dma_start3A_712 = arith.constant 6 : i32
    %dma_start3A_713 = arith.constant 6 : i32
    %dma_start3A_714 = arith.constant 0 : i32
    %dma_start3A_715 = arith.constant 0 : i32
    %dma_start3A_716 = tpu.memref_slice %arg7[%dma_start3A_712, %dma_start3A_714, %dma_start3A_715] : memref<8x128x64xf32, #tpu.memory_space<vmem>> -> memref<1x128x64xf32, #tpu.memory_space<vmem>>
    %dma_start3A_717 = tpu.memref_squeeze %dma_start3A_716 : memref<1x128x64xf32, #tpu.memory_space<vmem>> -> memref<128x64xf32, #tpu.memory_space<vmem>>
    %dma_start3A_718 = arith.constant 0 : i32
    %dma_start3A_719 = tpu.memref_slice %arg5[%dma_start3A_711, %dma_start3A_718] : memref<80x128xi32, #tpu.memory_space<vmem>> -> memref<1x128xi32, #tpu.memory_space<vmem>>
    %dma_start3A_720 = tpu.memref_squeeze %dma_start3A_719 : memref<1x128xi32, #tpu.memory_space<vmem>> -> memref<128xi32, #tpu.memory_space<vmem>>
    %dma_start3A_721 = arith.constant 0 : i32
    %dma_start3A_722 = arith.constant 0 : i32
    %dma_start3A_723 = tpu.memref_slice %arg3[%dma_start3A_721, %dma_start3A_722] : memref<1000000x64xf32, #tpu.memory_space<hbm>> -> memref<1000000x64xf32, #tpu.memory_space<hbm>>
    %dma_start3A_724 = tpu.memref_slice %arg8[%dma_start3A_713] : memref<8x!tpu.dma_semaphore, #tpu.memory_space<semaphore_mem>> -> memref<1x!tpu.dma_semaphore, #tpu.memory_space<semaphore_mem>>
    %dma_start3A_725 = tpu.memref_squeeze %dma_start3A_724 : memref<1x!tpu.dma_semaphore, #tpu.memory_space<semaphore_mem>> -> memref<!tpu.dma_semaphore, #tpu.memory_space<semaphore_mem>>
    tpu.enqueue_indirect_dma source(%dma_start3A_723 : memref<1000000x64xf32, #tpu.memory_space<hbm>>) target(%dma_start3A_717 : memref<128x64xf32, #tpu.memory_space<vmem>>) offsets(%dma_start3A_720 : memref<128xi32, #tpu.memory_space<vmem>>) semaphore(%dma_start3A_725 : memref<!tpu.dma_semaphore, #tpu.memory_space<semaphore_mem>>)
    %dma_wait3A_726 = arith.constant 3 : i32
    %dma_wait3A_727 = arith.constant 3 : i32
    %dma_wait3A_728 = arith.constant 0 : i32
    %dma_wait3A_729 = arith.constant 0 : i32
    %dma_wait3A_730 = tpu.memref_slice %arg7[%dma_wait3A_726, %dma_wait3A_728, %dma_wait3A_729] : memref<8x128x64xf32, #tpu.memory_space<vmem>> -> memref<1x128x64xf32, #tpu.memory_space<vmem>>
    %dma_wait3A_731 = tpu.memref_squeeze %dma_wait3A_730 : memref<1x128x64xf32, #tpu.memory_space<vmem>> -> memref<128x64xf32, #tpu.memory_space<vmem>>
    %dma_wait3A_732 = arith.constant 0 : i32
    %dma_wait3A_733 = arith.constant 0 : i32
    %dma_wait3A_734 = tpu.memref_slice %arg3[%dma_wait3A_732, %dma_wait3A_733] : memref<1000000x64xf32, #tpu.memory_space<hbm>> -> memref<128x64xf32, #tpu.memory_space<hbm>>
    %dma_wait3A_735 = tpu.memref_slice %arg8[%dma_wait3A_727] : memref<8x!tpu.dma_semaphore, #tpu.memory_space<semaphore_mem>> -> memref<1x!tpu.dma_semaphore, #tpu.memory_space<semaphore_mem>>
    %dma_wait3A_736 = tpu.memref_squeeze %dma_wait3A_735 : memref<1x!tpu.dma_semaphore, #tpu.memory_space<semaphore_mem>> -> memref<!tpu.dma_semaphore, #tpu.memory_space<semaphore_mem>>
    %dma_wait3A_737 = arith.constant 0 : i32
    %dma_wait3A_738 = arith.constant 0 : i32
    %dma_wait3A_739 = tpu.memref_slice %arg7[%dma_wait3A_726, %dma_wait3A_737, %dma_wait3A_738] : memref<8x128x64xf32, #tpu.memory_space<vmem>> -> memref<1x128x64xf32, #tpu.memory_space<vmem>>
    %dma_wait3A_740 = tpu.memref_squeeze %dma_wait3A_739 : memref<1x128x64xf32, #tpu.memory_space<vmem>> -> memref<128x64xf32, #tpu.memory_space<vmem>>
    %dma_wait3A_741 = arith.constant 0 : i32
    %dma_wait3A_742 = arith.constant 0 : i32
    %dma_wait3A_743 = tpu.memref_slice %arg3[%dma_wait3A_741, %dma_wait3A_742] : memref<1000000x64xf32, #tpu.memory_space<hbm>> -> memref<128x64xf32, #tpu.memory_space<hbm>>
    tpu.wait_dma2 semaphore(%dma_wait3A_736 : memref<!tpu.dma_semaphore, #tpu.memory_space<semaphore_mem>>) src(%dma_wait3A_743 : memref<128x64xf32, #tpu.memory_space<hbm>>) dst(%dma_wait3A_740 : memref<128x64xf32, #tpu.memory_space<vmem>>)
    %dma_start3A_744 = arith.constant 3 : i32
    %dma_start3A_745 = arith.constant 75 : i32
    %dma_start3A_746 = arith.constant 3 : i32
    %dma_start3A_747 = arith.constant 0 : i32
    %dma_start3A_748 = arith.constant 0 : i32
    %dma_start3A_749 = tpu.memref_slice %arg7[%dma_start3A_744, %dma_start3A_747, %dma_start3A_748] : memref<8x128x64xf32, #tpu.memory_space<vmem>> -> memref<1x128x64xf32, #tpu.memory_space<vmem>>
    %dma_start3A_750 = tpu.memref_squeeze %dma_start3A_749 : memref<1x128x64xf32, #tpu.memory_space<vmem>> -> memref<128x64xf32, #tpu.memory_space<vmem>>
    %dma_start3A_751 = arith.constant 0 : i32
    %dma_start3A_752 = tpu.memref_slice %arg6[%dma_start3A_745, %dma_start3A_751] : memref<80x128xi32, #tpu.memory_space<vmem>> -> memref<1x128xi32, #tpu.memory_space<vmem>>
    %dma_start3A_753 = tpu.memref_squeeze %dma_start3A_752 : memref<1x128xi32, #tpu.memory_space<vmem>> -> memref<128xi32, #tpu.memory_space<vmem>>
    %dma_start3A_754 = arith.constant 0 : i32
    %dma_start3A_755 = arith.constant 0 : i32
    %dma_start3A_756 = tpu.memref_slice %arg4[%dma_start3A_754, %dma_start3A_755] : memref<327680x64xf32, #tpu.memory_space<hbm>> -> memref<327680x64xf32, #tpu.memory_space<hbm>>
    %dma_start3A_757 = tpu.memref_slice %arg9[%dma_start3A_746] : memref<8x!tpu.dma_semaphore, #tpu.memory_space<semaphore_mem>> -> memref<1x!tpu.dma_semaphore, #tpu.memory_space<semaphore_mem>>
    %dma_start3A_758 = tpu.memref_squeeze %dma_start3A_757 : memref<1x!tpu.dma_semaphore, #tpu.memory_space<semaphore_mem>> -> memref<!tpu.dma_semaphore, #tpu.memory_space<semaphore_mem>>
    tpu.enqueue_indirect_dma source(%dma_start3A_750 : memref<128x64xf32, #tpu.memory_space<vmem>>) target(%dma_start3A_756 : memref<327680x64xf32, #tpu.memory_space<hbm>>) offsets(%dma_start3A_753 : memref<128xi32, #tpu.memory_space<vmem>>) semaphore(%dma_start3A_758 : memref<!tpu.dma_semaphore, #tpu.memory_space<semaphore_mem>>)
    %dma_wait3A_759 = arith.constant 7 : i32
    %dma_wait3A_760 = arith.constant 7 : i32
    %dma_wait3A_761 = arith.constant 0 : i32
    %dma_wait3A_762 = arith.constant 0 : i32
    %dma_wait3A_763 = tpu.memref_slice %arg7[%dma_wait3A_759, %dma_wait3A_761, %dma_wait3A_762] : memref<8x128x64xf32, #tpu.memory_space<vmem>> -> memref<1x128x64xf32, #tpu.memory_space<vmem>>
    %dma_wait3A_764 = tpu.memref_squeeze %dma_wait3A_763 : memref<1x128x64xf32, #tpu.memory_space<vmem>> -> memref<128x64xf32, #tpu.memory_space<vmem>>
    %dma_wait3A_765 = arith.constant 0 : i32
    %dma_wait3A_766 = arith.constant 0 : i32
    %dma_wait3A_767 = tpu.memref_slice %arg4[%dma_wait3A_765, %dma_wait3A_766] : memref<327680x64xf32, #tpu.memory_space<hbm>> -> memref<128x64xf32, #tpu.memory_space<hbm>>
    %dma_wait3A_768 = tpu.memref_slice %arg9[%dma_wait3A_760] : memref<8x!tpu.dma_semaphore, #tpu.memory_space<semaphore_mem>> -> memref<1x!tpu.dma_semaphore, #tpu.memory_space<semaphore_mem>>
    %dma_wait3A_769 = tpu.memref_squeeze %dma_wait3A_768 : memref<1x!tpu.dma_semaphore, #tpu.memory_space<semaphore_mem>> -> memref<!tpu.dma_semaphore, #tpu.memory_space<semaphore_mem>>
    %dma_wait3A_770 = arith.constant 0 : i32
    %dma_wait3A_771 = arith.constant 0 : i32
    %dma_wait3A_772 = tpu.memref_slice %arg4[%dma_wait3A_770, %dma_wait3A_771] : memref<327680x64xf32, #tpu.memory_space<hbm>> -> memref<128x64xf32, #tpu.memory_space<hbm>>
    %dma_wait3A_773 = arith.constant 0 : i32
    %dma_wait3A_774 = arith.constant 0 : i32
    %dma_wait3A_775 = tpu.memref_slice %arg7[%dma_wait3A_759, %dma_wait3A_773, %dma_wait3A_774] : memref<8x128x64xf32, #tpu.memory_space<vmem>> -> memref<1x128x64xf32, #tpu.memory_space<vmem>>
    %dma_wait3A_776 = tpu.memref_squeeze %dma_wait3A_775 : memref<1x128x64xf32, #tpu.memory_space<vmem>> -> memref<128x64xf32, #tpu.memory_space<vmem>>
    tpu.wait_dma2 semaphore(%dma_wait3A_769 : memref<!tpu.dma_semaphore, #tpu.memory_space<semaphore_mem>>) src(%dma_wait3A_776 : memref<128x64xf32, #tpu.memory_space<vmem>>) dst(%dma_wait3A_772 : memref<128x64xf32, #tpu.memory_space<hbm>>)
    %dma_start3A_777 = arith.constant 79 : i32
    %dma_start3A_778 = arith.constant 7 : i32
    %dma_start3A_779 = arith.constant 7 : i32
    %dma_start3A_780 = arith.constant 0 : i32
    %dma_start3A_781 = arith.constant 0 : i32
    %dma_start3A_782 = tpu.memref_slice %arg7[%dma_start3A_778, %dma_start3A_780, %dma_start3A_781] : memref<8x128x64xf32, #tpu.memory_space<vmem>> -> memref<1x128x64xf32, #tpu.memory_space<vmem>>
    %dma_start3A_783 = tpu.memref_squeeze %dma_start3A_782 : memref<1x128x64xf32, #tpu.memory_space<vmem>> -> memref<128x64xf32, #tpu.memory_space<vmem>>
    %dma_start3A_784 = arith.constant 0 : i32
    %dma_start3A_785 = tpu.memref_slice %arg5[%dma_start3A_777, %dma_start3A_784] : memref<80x128xi32, #tpu.memory_space<vmem>> -> memref<1x128xi32, #tpu.memory_space<vmem>>
    %dma_start3A_786 = tpu.memref_squeeze %dma_start3A_785 : memref<1x128xi32, #tpu.memory_space<vmem>> -> memref<128xi32, #tpu.memory_space<vmem>>
    %dma_start3A_787 = arith.constant 0 : i32
    %dma_start3A_788 = arith.constant 0 : i32
    %dma_start3A_789 = tpu.memref_slice %arg3[%dma_start3A_787, %dma_start3A_788] : memref<1000000x64xf32, #tpu.memory_space<hbm>> -> memref<1000000x64xf32, #tpu.memory_space<hbm>>
    %dma_start3A_790 = tpu.memref_slice %arg8[%dma_start3A_779] : memref<8x!tpu.dma_semaphore, #tpu.memory_space<semaphore_mem>> -> memref<1x!tpu.dma_semaphore, #tpu.memory_space<semaphore_mem>>
    %dma_start3A_791 = tpu.memref_squeeze %dma_start3A_790 : memref<1x!tpu.dma_semaphore, #tpu.memory_space<semaphore_mem>> -> memref<!tpu.dma_semaphore, #tpu.memory_space<semaphore_mem>>
    tpu.enqueue_indirect_dma source(%dma_start3A_789 : memref<1000000x64xf32, #tpu.memory_space<hbm>>) target(%dma_start3A_783 : memref<128x64xf32, #tpu.memory_space<vmem>>) offsets(%dma_start3A_786 : memref<128xi32, #tpu.memory_space<vmem>>) semaphore(%dma_start3A_791 : memref<!tpu.dma_semaphore, #tpu.memory_space<semaphore_mem>>)
    %dma_wait3A_792 = arith.constant 4 : i32
    %dma_wait3A_793 = arith.constant 4 : i32
    %dma_wait3A_794 = arith.constant 0 : i32
    %dma_wait3A_795 = arith.constant 0 : i32
    %dma_wait3A_796 = tpu.memref_slice %arg7[%dma_wait3A_792, %dma_wait3A_794, %dma_wait3A_795] : memref<8x128x64xf32, #tpu.memory_space<vmem>> -> memref<1x128x64xf32, #tpu.memory_space<vmem>>
    %dma_wait3A_797 = tpu.memref_squeeze %dma_wait3A_796 : memref<1x128x64xf32, #tpu.memory_space<vmem>> -> memref<128x64xf32, #tpu.memory_space<vmem>>
    %dma_wait3A_798 = arith.constant 0 : i32
    %dma_wait3A_799 = arith.constant 0 : i32
    %dma_wait3A_800 = tpu.memref_slice %arg3[%dma_wait3A_798, %dma_wait3A_799] : memref<1000000x64xf32, #tpu.memory_space<hbm>> -> memref<128x64xf32, #tpu.memory_space<hbm>>
    %dma_wait3A_801 = tpu.memref_slice %arg8[%dma_wait3A_793] : memref<8x!tpu.dma_semaphore, #tpu.memory_space<semaphore_mem>> -> memref<1x!tpu.dma_semaphore, #tpu.memory_space<semaphore_mem>>
    %dma_wait3A_802 = tpu.memref_squeeze %dma_wait3A_801 : memref<1x!tpu.dma_semaphore, #tpu.memory_space<semaphore_mem>> -> memref<!tpu.dma_semaphore, #tpu.memory_space<semaphore_mem>>
    %dma_wait3A_803 = arith.constant 0 : i32
    %dma_wait3A_804 = arith.constant 0 : i32
    %dma_wait3A_805 = tpu.memref_slice %arg7[%dma_wait3A_792, %dma_wait3A_803, %dma_wait3A_804] : memref<8x128x64xf32, #tpu.memory_space<vmem>> -> memref<1x128x64xf32, #tpu.memory_space<vmem>>
    %dma_wait3A_806 = tpu.memref_squeeze %dma_wait3A_805 : memref<1x128x64xf32, #tpu.memory_space<vmem>> -> memref<128x64xf32, #tpu.memory_space<vmem>>
    %dma_wait3A_807 = arith.constant 0 : i32
    %dma_wait3A_808 = arith.constant 0 : i32
    %dma_wait3A_809 = tpu.memref_slice %arg3[%dma_wait3A_807, %dma_wait3A_808] : memref<1000000x64xf32, #tpu.memory_space<hbm>> -> memref<128x64xf32, #tpu.memory_space<hbm>>
    tpu.wait_dma2 semaphore(%dma_wait3A_802 : memref<!tpu.dma_semaphore, #tpu.memory_space<semaphore_mem>>) src(%dma_wait3A_809 : memref<128x64xf32, #tpu.memory_space<hbm>>) dst(%dma_wait3A_806 : memref<128x64xf32, #tpu.memory_space<vmem>>)
    %dma_start3A_810 = arith.constant 4 : i32
    %dma_start3A_811 = arith.constant 76 : i32
    %dma_start3A_812 = arith.constant 4 : i32
    %dma_start3A_813 = arith.constant 0 : i32
    %dma_start3A_814 = arith.constant 0 : i32
    %dma_start3A_815 = tpu.memref_slice %arg7[%dma_start3A_810, %dma_start3A_813, %dma_start3A_814] : memref<8x128x64xf32, #tpu.memory_space<vmem>> -> memref<1x128x64xf32, #tpu.memory_space<vmem>>
    %dma_start3A_816 = tpu.memref_squeeze %dma_start3A_815 : memref<1x128x64xf32, #tpu.memory_space<vmem>> -> memref<128x64xf32, #tpu.memory_space<vmem>>
    %dma_start3A_817 = arith.constant 0 : i32
    %dma_start3A_818 = tpu.memref_slice %arg6[%dma_start3A_811, %dma_start3A_817] : memref<80x128xi32, #tpu.memory_space<vmem>> -> memref<1x128xi32, #tpu.memory_space<vmem>>
    %dma_start3A_819 = tpu.memref_squeeze %dma_start3A_818 : memref<1x128xi32, #tpu.memory_space<vmem>> -> memref<128xi32, #tpu.memory_space<vmem>>
    %dma_start3A_820 = arith.constant 0 : i32
    %dma_start3A_821 = arith.constant 0 : i32
    %dma_start3A_822 = tpu.memref_slice %arg4[%dma_start3A_820, %dma_start3A_821] : memref<327680x64xf32, #tpu.memory_space<hbm>> -> memref<327680x64xf32, #tpu.memory_space<hbm>>
    %dma_start3A_823 = tpu.memref_slice %arg9[%dma_start3A_812] : memref<8x!tpu.dma_semaphore, #tpu.memory_space<semaphore_mem>> -> memref<1x!tpu.dma_semaphore, #tpu.memory_space<semaphore_mem>>
    %dma_start3A_824 = tpu.memref_squeeze %dma_start3A_823 : memref<1x!tpu.dma_semaphore, #tpu.memory_space<semaphore_mem>> -> memref<!tpu.dma_semaphore, #tpu.memory_space<semaphore_mem>>
    tpu.enqueue_indirect_dma source(%dma_start3A_816 : memref<128x64xf32, #tpu.memory_space<vmem>>) target(%dma_start3A_822 : memref<327680x64xf32, #tpu.memory_space<hbm>>) offsets(%dma_start3A_819 : memref<128xi32, #tpu.memory_space<vmem>>) semaphore(%dma_start3A_824 : memref<!tpu.dma_semaphore, #tpu.memory_space<semaphore_mem>>)
    %dma_wait3A_825 = arith.constant 5 : i32
    %dma_wait3A_826 = arith.constant 5 : i32
    %dma_wait3A_827 = arith.constant 0 : i32
    %dma_wait3A_828 = arith.constant 0 : i32
    %dma_wait3A_829 = tpu.memref_slice %arg7[%dma_wait3A_825, %dma_wait3A_827, %dma_wait3A_828] : memref<8x128x64xf32, #tpu.memory_space<vmem>> -> memref<1x128x64xf32, #tpu.memory_space<vmem>>
    %dma_wait3A_830 = tpu.memref_squeeze %dma_wait3A_829 : memref<1x128x64xf32, #tpu.memory_space<vmem>> -> memref<128x64xf32, #tpu.memory_space<vmem>>
    %dma_wait3A_831 = arith.constant 0 : i32
    %dma_wait3A_832 = arith.constant 0 : i32
    %dma_wait3A_833 = tpu.memref_slice %arg3[%dma_wait3A_831, %dma_wait3A_832] : memref<1000000x64xf32, #tpu.memory_space<hbm>> -> memref<128x64xf32, #tpu.memory_space<hbm>>
    %dma_wait3A_834 = tpu.memref_slice %arg8[%dma_wait3A_826] : memref<8x!tpu.dma_semaphore, #tpu.memory_space<semaphore_mem>> -> memref<1x!tpu.dma_semaphore, #tpu.memory_space<semaphore_mem>>
    %dma_wait3A_835 = tpu.memref_squeeze %dma_wait3A_834 : memref<1x!tpu.dma_semaphore, #tpu.memory_space<semaphore_mem>> -> memref<!tpu.dma_semaphore, #tpu.memory_space<semaphore_mem>>
    %dma_wait3A_836 = arith.constant 0 : i32
    %dma_wait3A_837 = arith.constant 0 : i32
    %dma_wait3A_838 = tpu.memref_slice %arg7[%dma_wait3A_825, %dma_wait3A_836, %dma_wait3A_837] : memref<8x128x64xf32, #tpu.memory_space<vmem>> -> memref<1x128x64xf32, #tpu.memory_space<vmem>>
    %dma_wait3A_839 = tpu.memref_squeeze %dma_wait3A_838 : memref<1x128x64xf32, #tpu.memory_space<vmem>> -> memref<128x64xf32, #tpu.memory_space<vmem>>
    %dma_wait3A_840 = arith.constant 0 : i32
    %dma_wait3A_841 = arith.constant 0 : i32
    %dma_wait3A_842 = tpu.memref_slice %arg3[%dma_wait3A_840, %dma_wait3A_841] : memref<1000000x64xf32, #tpu.memory_space<hbm>> -> memref<128x64xf32, #tpu.memory_space<hbm>>
    tpu.wait_dma2 semaphore(%dma_wait3A_835 : memref<!tpu.dma_semaphore, #tpu.memory_space<semaphore_mem>>) src(%dma_wait3A_842 : memref<128x64xf32, #tpu.memory_space<hbm>>) dst(%dma_wait3A_839 : memref<128x64xf32, #tpu.memory_space<vmem>>)
    %dma_start3A_843 = arith.constant 5 : i32
    %dma_start3A_844 = arith.constant 77 : i32
    %dma_start3A_845 = arith.constant 5 : i32
    %dma_start3A_846 = arith.constant 0 : i32
    %dma_start3A_847 = arith.constant 0 : i32
    %dma_start3A_848 = tpu.memref_slice %arg7[%dma_start3A_843, %dma_start3A_846, %dma_start3A_847] : memref<8x128x64xf32, #tpu.memory_space<vmem>> -> memref<1x128x64xf32, #tpu.memory_space<vmem>>
    %dma_start3A_849 = tpu.memref_squeeze %dma_start3A_848 : memref<1x128x64xf32, #tpu.memory_space<vmem>> -> memref<128x64xf32, #tpu.memory_space<vmem>>
    %dma_start3A_850 = arith.constant 0 : i32
    %dma_start3A_851 = tpu.memref_slice %arg6[%dma_start3A_844, %dma_start3A_850] : memref<80x128xi32, #tpu.memory_space<vmem>> -> memref<1x128xi32, #tpu.memory_space<vmem>>
    %dma_start3A_852 = tpu.memref_squeeze %dma_start3A_851 : memref<1x128xi32, #tpu.memory_space<vmem>> -> memref<128xi32, #tpu.memory_space<vmem>>
    %dma_start3A_853 = arith.constant 0 : i32
    %dma_start3A_854 = arith.constant 0 : i32
    %dma_start3A_855 = tpu.memref_slice %arg4[%dma_start3A_853, %dma_start3A_854] : memref<327680x64xf32, #tpu.memory_space<hbm>> -> memref<327680x64xf32, #tpu.memory_space<hbm>>
    %dma_start3A_856 = tpu.memref_slice %arg9[%dma_start3A_845] : memref<8x!tpu.dma_semaphore, #tpu.memory_space<semaphore_mem>> -> memref<1x!tpu.dma_semaphore, #tpu.memory_space<semaphore_mem>>
    %dma_start3A_857 = tpu.memref_squeeze %dma_start3A_856 : memref<1x!tpu.dma_semaphore, #tpu.memory_space<semaphore_mem>> -> memref<!tpu.dma_semaphore, #tpu.memory_space<semaphore_mem>>
    tpu.enqueue_indirect_dma source(%dma_start3A_849 : memref<128x64xf32, #tpu.memory_space<vmem>>) target(%dma_start3A_855 : memref<327680x64xf32, #tpu.memory_space<hbm>>) offsets(%dma_start3A_852 : memref<128xi32, #tpu.memory_space<vmem>>) semaphore(%dma_start3A_857 : memref<!tpu.dma_semaphore, #tpu.memory_space<semaphore_mem>>)
    %dma_wait3A_858 = arith.constant 6 : i32
    %dma_wait3A_859 = arith.constant 6 : i32
    %dma_wait3A_860 = arith.constant 0 : i32
    %dma_wait3A_861 = arith.constant 0 : i32
    %dma_wait3A_862 = tpu.memref_slice %arg7[%dma_wait3A_858, %dma_wait3A_860, %dma_wait3A_861] : memref<8x128x64xf32, #tpu.memory_space<vmem>> -> memref<1x128x64xf32, #tpu.memory_space<vmem>>
    %dma_wait3A_863 = tpu.memref_squeeze %dma_wait3A_862 : memref<1x128x64xf32, #tpu.memory_space<vmem>> -> memref<128x64xf32, #tpu.memory_space<vmem>>
    %dma_wait3A_864 = arith.constant 0 : i32
    %dma_wait3A_865 = arith.constant 0 : i32
    %dma_wait3A_866 = tpu.memref_slice %arg3[%dma_wait3A_864, %dma_wait3A_865] : memref<1000000x64xf32, #tpu.memory_space<hbm>> -> memref<128x64xf32, #tpu.memory_space<hbm>>
    %dma_wait3A_867 = tpu.memref_slice %arg8[%dma_wait3A_859] : memref<8x!tpu.dma_semaphore, #tpu.memory_space<semaphore_mem>> -> memref<1x!tpu.dma_semaphore, #tpu.memory_space<semaphore_mem>>
    %dma_wait3A_868 = tpu.memref_squeeze %dma_wait3A_867 : memref<1x!tpu.dma_semaphore, #tpu.memory_space<semaphore_mem>> -> memref<!tpu.dma_semaphore, #tpu.memory_space<semaphore_mem>>
    %dma_wait3A_869 = arith.constant 0 : i32
    %dma_wait3A_870 = arith.constant 0 : i32
    %dma_wait3A_871 = tpu.memref_slice %arg7[%dma_wait3A_858, %dma_wait3A_869, %dma_wait3A_870] : memref<8x128x64xf32, #tpu.memory_space<vmem>> -> memref<1x128x64xf32, #tpu.memory_space<vmem>>
    %dma_wait3A_872 = tpu.memref_squeeze %dma_wait3A_871 : memref<1x128x64xf32, #tpu.memory_space<vmem>> -> memref<128x64xf32, #tpu.memory_space<vmem>>
    %dma_wait3A_873 = arith.constant 0 : i32
    %dma_wait3A_874 = arith.constant 0 : i32
    %dma_wait3A_875 = tpu.memref_slice %arg3[%dma_wait3A_873, %dma_wait3A_874] : memref<1000000x64xf32, #tpu.memory_space<hbm>> -> memref<128x64xf32, #tpu.memory_space<hbm>>
    tpu.wait_dma2 semaphore(%dma_wait3A_868 : memref<!tpu.dma_semaphore, #tpu.memory_space<semaphore_mem>>) src(%dma_wait3A_875 : memref<128x64xf32, #tpu.memory_space<hbm>>) dst(%dma_wait3A_872 : memref<128x64xf32, #tpu.memory_space<vmem>>)
    %dma_start3A_876 = arith.constant 6 : i32
    %dma_start3A_877 = arith.constant 78 : i32
    %dma_start3A_878 = arith.constant 6 : i32
    %dma_start3A_879 = arith.constant 0 : i32
    %dma_start3A_880 = arith.constant 0 : i32
    %dma_start3A_881 = tpu.memref_slice %arg7[%dma_start3A_876, %dma_start3A_879, %dma_start3A_880] : memref<8x128x64xf32, #tpu.memory_space<vmem>> -> memref<1x128x64xf32, #tpu.memory_space<vmem>>
    %dma_start3A_882 = tpu.memref_squeeze %dma_start3A_881 : memref<1x128x64xf32, #tpu.memory_space<vmem>> -> memref<128x64xf32, #tpu.memory_space<vmem>>
    %dma_start3A_883 = arith.constant 0 : i32
    %dma_start3A_884 = tpu.memref_slice %arg6[%dma_start3A_877, %dma_start3A_883] : memref<80x128xi32, #tpu.memory_space<vmem>> -> memref<1x128xi32, #tpu.memory_space<vmem>>
    %dma_start3A_885 = tpu.memref_squeeze %dma_start3A_884 : memref<1x128xi32, #tpu.memory_space<vmem>> -> memref<128xi32, #tpu.memory_space<vmem>>
    %dma_start3A_886 = arith.constant 0 : i32
    %dma_start3A_887 = arith.constant 0 : i32
    %dma_start3A_888 = tpu.memref_slice %arg4[%dma_start3A_886, %dma_start3A_887] : memref<327680x64xf32, #tpu.memory_space<hbm>> -> memref<327680x64xf32, #tpu.memory_space<hbm>>
    %dma_start3A_889 = tpu.memref_slice %arg9[%dma_start3A_878] : memref<8x!tpu.dma_semaphore, #tpu.memory_space<semaphore_mem>> -> memref<1x!tpu.dma_semaphore, #tpu.memory_space<semaphore_mem>>
    %dma_start3A_890 = tpu.memref_squeeze %dma_start3A_889 : memref<1x!tpu.dma_semaphore, #tpu.memory_space<semaphore_mem>> -> memref<!tpu.dma_semaphore, #tpu.memory_space<semaphore_mem>>
    tpu.enqueue_indirect_dma source(%dma_start3A_882 : memref<128x64xf32, #tpu.memory_space<vmem>>) target(%dma_start3A_888 : memref<327680x64xf32, #tpu.memory_space<hbm>>) offsets(%dma_start3A_885 : memref<128xi32, #tpu.memory_space<vmem>>) semaphore(%dma_start3A_890 : memref<!tpu.dma_semaphore, #tpu.memory_space<semaphore_mem>>)
    %dma_wait3A_891 = arith.constant 7 : i32
    %dma_wait3A_892 = arith.constant 7 : i32
    %dma_wait3A_893 = arith.constant 0 : i32
    %dma_wait3A_894 = arith.constant 0 : i32
    %dma_wait3A_895 = tpu.memref_slice %arg7[%dma_wait3A_891, %dma_wait3A_893, %dma_wait3A_894] : memref<8x128x64xf32, #tpu.memory_space<vmem>> -> memref<1x128x64xf32, #tpu.memory_space<vmem>>
    %dma_wait3A_896 = tpu.memref_squeeze %dma_wait3A_895 : memref<1x128x64xf32, #tpu.memory_space<vmem>> -> memref<128x64xf32, #tpu.memory_space<vmem>>
    %dma_wait3A_897 = arith.constant 0 : i32
    %dma_wait3A_898 = arith.constant 0 : i32
    %dma_wait3A_899 = tpu.memref_slice %arg3[%dma_wait3A_897, %dma_wait3A_898] : memref<1000000x64xf32, #tpu.memory_space<hbm>> -> memref<128x64xf32, #tpu.memory_space<hbm>>
    %dma_wait3A_900 = tpu.memref_slice %arg8[%dma_wait3A_892] : memref<8x!tpu.dma_semaphore, #tpu.memory_space<semaphore_mem>> -> memref<1x!tpu.dma_semaphore, #tpu.memory_space<semaphore_mem>>
    %dma_wait3A_901 = tpu.memref_squeeze %dma_wait3A_900 : memref<1x!tpu.dma_semaphore, #tpu.memory_space<semaphore_mem>> -> memref<!tpu.dma_semaphore, #tpu.memory_space<semaphore_mem>>
    %dma_wait3A_902 = arith.constant 0 : i32
    %dma_wait3A_903 = arith.constant 0 : i32
    %dma_wait3A_904 = tpu.memref_slice %arg7[%dma_wait3A_891, %dma_wait3A_902, %dma_wait3A_903] : memref<8x128x64xf32, #tpu.memory_space<vmem>> -> memref<1x128x64xf32, #tpu.memory_space<vmem>>
    %dma_wait3A_905 = tpu.memref_squeeze %dma_wait3A_904 : memref<1x128x64xf32, #tpu.memory_space<vmem>> -> memref<128x64xf32, #tpu.memory_space<vmem>>
    %dma_wait3A_906 = arith.constant 0 : i32
    %dma_wait3A_907 = arith.constant 0 : i32
    %dma_wait3A_908 = tpu.memref_slice %arg3[%dma_wait3A_906, %dma_wait3A_907] : memref<1000000x64xf32, #tpu.memory_space<hbm>> -> memref<128x64xf32, #tpu.memory_space<hbm>>
    tpu.wait_dma2 semaphore(%dma_wait3A_901 : memref<!tpu.dma_semaphore, #tpu.memory_space<semaphore_mem>>) src(%dma_wait3A_908 : memref<128x64xf32, #tpu.memory_space<hbm>>) dst(%dma_wait3A_905 : memref<128x64xf32, #tpu.memory_space<vmem>>)
    %dma_start3A_909 = arith.constant 7 : i32
    %dma_start3A_910 = arith.constant 79 : i32
    %dma_start3A_911 = arith.constant 7 : i32
    %dma_start3A_912 = arith.constant 0 : i32
    %dma_start3A_913 = arith.constant 0 : i32
    %dma_start3A_914 = tpu.memref_slice %arg7[%dma_start3A_909, %dma_start3A_912, %dma_start3A_913] : memref<8x128x64xf32, #tpu.memory_space<vmem>> -> memref<1x128x64xf32, #tpu.memory_space<vmem>>
    %dma_start3A_915 = tpu.memref_squeeze %dma_start3A_914 : memref<1x128x64xf32, #tpu.memory_space<vmem>> -> memref<128x64xf32, #tpu.memory_space<vmem>>
    %dma_start3A_916 = arith.constant 0 : i32
    %dma_start3A_917 = tpu.memref_slice %arg6[%dma_start3A_910, %dma_start3A_916] : memref<80x128xi32, #tpu.memory_space<vmem>> -> memref<1x128xi32, #tpu.memory_space<vmem>>
    %dma_start3A_918 = tpu.memref_squeeze %dma_start3A_917 : memref<1x128xi32, #tpu.memory_space<vmem>> -> memref<128xi32, #tpu.memory_space<vmem>>
    %dma_start3A_919 = arith.constant 0 : i32
    %dma_start3A_920 = arith.constant 0 : i32
    %dma_start3A_921 = tpu.memref_slice %arg4[%dma_start3A_919, %dma_start3A_920] : memref<327680x64xf32, #tpu.memory_space<hbm>> -> memref<327680x64xf32, #tpu.memory_space<hbm>>
    %dma_start3A_922 = tpu.memref_slice %arg9[%dma_start3A_911] : memref<8x!tpu.dma_semaphore, #tpu.memory_space<semaphore_mem>> -> memref<1x!tpu.dma_semaphore, #tpu.memory_space<semaphore_mem>>
    %dma_start3A_923 = tpu.memref_squeeze %dma_start3A_922 : memref<1x!tpu.dma_semaphore, #tpu.memory_space<semaphore_mem>> -> memref<!tpu.dma_semaphore, #tpu.memory_space<semaphore_mem>>
    tpu.enqueue_indirect_dma source(%dma_start3A_915 : memref<128x64xf32, #tpu.memory_space<vmem>>) target(%dma_start3A_921 : memref<327680x64xf32, #tpu.memory_space<hbm>>) offsets(%dma_start3A_918 : memref<128xi32, #tpu.memory_space<vmem>>) semaphore(%dma_start3A_923 : memref<!tpu.dma_semaphore, #tpu.memory_space<semaphore_mem>>)
    %dma_wait3A_924 = arith.constant 0 : i32
    %dma_wait3A_925 = arith.constant 0 : i32
    %dma_wait3A_926 = arith.constant 0 : i32
    %dma_wait3A_927 = arith.constant 0 : i32
    %dma_wait3A_928 = tpu.memref_slice %arg7[%dma_wait3A_924, %dma_wait3A_926, %dma_wait3A_927] : memref<8x128x64xf32, #tpu.memory_space<vmem>> -> memref<1x128x64xf32, #tpu.memory_space<vmem>>
    %dma_wait3A_929 = tpu.memref_squeeze %dma_wait3A_928 : memref<1x128x64xf32, #tpu.memory_space<vmem>> -> memref<128x64xf32, #tpu.memory_space<vmem>>
    %dma_wait3A_930 = arith.constant 0 : i32
    %dma_wait3A_931 = arith.constant 0 : i32
    %dma_wait3A_932 = tpu.memref_slice %arg4[%dma_wait3A_930, %dma_wait3A_931] : memref<327680x64xf32, #tpu.memory_space<hbm>> -> memref<128x64xf32, #tpu.memory_space<hbm>>
    %dma_wait3A_933 = tpu.memref_slice %arg9[%dma_wait3A_925] : memref<8x!tpu.dma_semaphore, #tpu.memory_space<semaphore_mem>> -> memref<1x!tpu.dma_semaphore, #tpu.memory_space<semaphore_mem>>
    %dma_wait3A_934 = tpu.memref_squeeze %dma_wait3A_933 : memref<1x!tpu.dma_semaphore, #tpu.memory_space<semaphore_mem>> -> memref<!tpu.dma_semaphore, #tpu.memory_space<semaphore_mem>>
    %dma_wait3A_935 = arith.constant 0 : i32
    %dma_wait3A_936 = arith.constant 0 : i32
    %dma_wait3A_937 = tpu.memref_slice %arg4[%dma_wait3A_935, %dma_wait3A_936] : memref<327680x64xf32, #tpu.memory_space<hbm>> -> memref<128x64xf32, #tpu.memory_space<hbm>>
    %dma_wait3A_938 = arith.constant 0 : i32
    %dma_wait3A_939 = arith.constant 0 : i32
    %dma_wait3A_940 = tpu.memref_slice %arg7[%dma_wait3A_924, %dma_wait3A_938, %dma_wait3A_939] : memref<8x128x64xf32, #tpu.memory_space<vmem>> -> memref<1x128x64xf32, #tpu.memory_space<vmem>>
    %dma_wait3A_941 = tpu.memref_squeeze %dma_wait3A_940 : memref<1x128x64xf32, #tpu.memory_space<vmem>> -> memref<128x64xf32, #tpu.memory_space<vmem>>
    tpu.wait_dma2 semaphore(%dma_wait3A_934 : memref<!tpu.dma_semaphore, #tpu.memory_space<semaphore_mem>>) src(%dma_wait3A_941 : memref<128x64xf32, #tpu.memory_space<vmem>>) dst(%dma_wait3A_937 : memref<128x64xf32, #tpu.memory_space<hbm>>)
    %dma_wait3A_942 = arith.constant 1 : i32
    %dma_wait3A_943 = arith.constant 1 : i32
    %dma_wait3A_944 = arith.constant 0 : i32
    %dma_wait3A_945 = arith.constant 0 : i32
    %dma_wait3A_946 = tpu.memref_slice %arg7[%dma_wait3A_942, %dma_wait3A_944, %dma_wait3A_945] : memref<8x128x64xf32, #tpu.memory_space<vmem>> -> memref<1x128x64xf32, #tpu.memory_space<vmem>>
    %dma_wait3A_947 = tpu.memref_squeeze %dma_wait3A_946 : memref<1x128x64xf32, #tpu.memory_space<vmem>> -> memref<128x64xf32, #tpu.memory_space<vmem>>
    %dma_wait3A_948 = arith.constant 0 : i32
    %dma_wait3A_949 = arith.constant 0 : i32
    %dma_wait3A_950 = tpu.memref_slice %arg4[%dma_wait3A_948, %dma_wait3A_949] : memref<327680x64xf32, #tpu.memory_space<hbm>> -> memref<128x64xf32, #tpu.memory_space<hbm>>
    %dma_wait3A_951 = tpu.memref_slice %arg9[%dma_wait3A_943] : memref<8x!tpu.dma_semaphore, #tpu.memory_space<semaphore_mem>> -> memref<1x!tpu.dma_semaphore, #tpu.memory_space<semaphore_mem>>
    %dma_wait3A_952 = tpu.memref_squeeze %dma_wait3A_951 : memref<1x!tpu.dma_semaphore, #tpu.memory_space<semaphore_mem>> -> memref<!tpu.dma_semaphore, #tpu.memory_space<semaphore_mem>>
    %dma_wait3A_953 = arith.constant 0 : i32
    %dma_wait3A_954 = arith.constant 0 : i32
    %dma_wait3A_955 = tpu.memref_slice %arg4[%dma_wait3A_953, %dma_wait3A_954] : memref<327680x64xf32, #tpu.memory_space<hbm>> -> memref<128x64xf32, #tpu.memory_space<hbm>>
    %dma_wait3A_956 = arith.constant 0 : i32
    %dma_wait3A_957 = arith.constant 0 : i32
    %dma_wait3A_958 = tpu.memref_slice %arg7[%dma_wait3A_942, %dma_wait3A_956, %dma_wait3A_957] : memref<8x128x64xf32, #tpu.memory_space<vmem>> -> memref<1x128x64xf32, #tpu.memory_space<vmem>>
    %dma_wait3A_959 = tpu.memref_squeeze %dma_wait3A_958 : memref<1x128x64xf32, #tpu.memory_space<vmem>> -> memref<128x64xf32, #tpu.memory_space<vmem>>
    tpu.wait_dma2 semaphore(%dma_wait3A_952 : memref<!tpu.dma_semaphore, #tpu.memory_space<semaphore_mem>>) src(%dma_wait3A_959 : memref<128x64xf32, #tpu.memory_space<vmem>>) dst(%dma_wait3A_955 : memref<128x64xf32, #tpu.memory_space<hbm>>)
    %dma_wait3A_960 = arith.constant 2 : i32
    %dma_wait3A_961 = arith.constant 2 : i32
    %dma_wait3A_962 = arith.constant 0 : i32
    %dma_wait3A_963 = arith.constant 0 : i32
    %dma_wait3A_964 = tpu.memref_slice %arg7[%dma_wait3A_960, %dma_wait3A_962, %dma_wait3A_963] : memref<8x128x64xf32, #tpu.memory_space<vmem>> -> memref<1x128x64xf32, #tpu.memory_space<vmem>>
    %dma_wait3A_965 = tpu.memref_squeeze %dma_wait3A_964 : memref<1x128x64xf32, #tpu.memory_space<vmem>> -> memref<128x64xf32, #tpu.memory_space<vmem>>
    %dma_wait3A_966 = arith.constant 0 : i32
    %dma_wait3A_967 = arith.constant 0 : i32
    %dma_wait3A_968 = tpu.memref_slice %arg4[%dma_wait3A_966, %dma_wait3A_967] : memref<327680x64xf32, #tpu.memory_space<hbm>> -> memref<128x64xf32, #tpu.memory_space<hbm>>
    %dma_wait3A_969 = tpu.memref_slice %arg9[%dma_wait3A_961] : memref<8x!tpu.dma_semaphore, #tpu.memory_space<semaphore_mem>> -> memref<1x!tpu.dma_semaphore, #tpu.memory_space<semaphore_mem>>
    %dma_wait3A_970 = tpu.memref_squeeze %dma_wait3A_969 : memref<1x!tpu.dma_semaphore, #tpu.memory_space<semaphore_mem>> -> memref<!tpu.dma_semaphore, #tpu.memory_space<semaphore_mem>>
    %dma_wait3A_971 = arith.constant 0 : i32
    %dma_wait3A_972 = arith.constant 0 : i32
    %dma_wait3A_973 = tpu.memref_slice %arg4[%dma_wait3A_971, %dma_wait3A_972] : memref<327680x64xf32, #tpu.memory_space<hbm>> -> memref<128x64xf32, #tpu.memory_space<hbm>>
    %dma_wait3A_974 = arith.constant 0 : i32
    %dma_wait3A_975 = arith.constant 0 : i32
    %dma_wait3A_976 = tpu.memref_slice %arg7[%dma_wait3A_960, %dma_wait3A_974, %dma_wait3A_975] : memref<8x128x64xf32, #tpu.memory_space<vmem>> -> memref<1x128x64xf32, #tpu.memory_space<vmem>>
    %dma_wait3A_977 = tpu.memref_squeeze %dma_wait3A_976 : memref<1x128x64xf32, #tpu.memory_space<vmem>> -> memref<128x64xf32, #tpu.memory_space<vmem>>
    tpu.wait_dma2 semaphore(%dma_wait3A_970 : memref<!tpu.dma_semaphore, #tpu.memory_space<semaphore_mem>>) src(%dma_wait3A_977 : memref<128x64xf32, #tpu.memory_space<vmem>>) dst(%dma_wait3A_973 : memref<128x64xf32, #tpu.memory_space<hbm>>)
    %dma_wait3A_978 = arith.constant 3 : i32
    %dma_wait3A_979 = arith.constant 3 : i32
    %dma_wait3A_980 = arith.constant 0 : i32
    %dma_wait3A_981 = arith.constant 0 : i32
    %dma_wait3A_982 = tpu.memref_slice %arg7[%dma_wait3A_978, %dma_wait3A_980, %dma_wait3A_981] : memref<8x128x64xf32, #tpu.memory_space<vmem>> -> memref<1x128x64xf32, #tpu.memory_space<vmem>>
    %dma_wait3A_983 = tpu.memref_squeeze %dma_wait3A_982 : memref<1x128x64xf32, #tpu.memory_space<vmem>> -> memref<128x64xf32, #tpu.memory_space<vmem>>
    %dma_wait3A_984 = arith.constant 0 : i32
    %dma_wait3A_985 = arith.constant 0 : i32
    %dma_wait3A_986 = tpu.memref_slice %arg4[%dma_wait3A_984, %dma_wait3A_985] : memref<327680x64xf32, #tpu.memory_space<hbm>> -> memref<128x64xf32, #tpu.memory_space<hbm>>
    %dma_wait3A_987 = tpu.memref_slice %arg9[%dma_wait3A_979] : memref<8x!tpu.dma_semaphore, #tpu.memory_space<semaphore_mem>> -> memref<1x!tpu.dma_semaphore, #tpu.memory_space<semaphore_mem>>
    %dma_wait3A_988 = tpu.memref_squeeze %dma_wait3A_987 : memref<1x!tpu.dma_semaphore, #tpu.memory_space<semaphore_mem>> -> memref<!tpu.dma_semaphore, #tpu.memory_space<semaphore_mem>>
    %dma_wait3A_989 = arith.constant 0 : i32
    %dma_wait3A_990 = arith.constant 0 : i32
    %dma_wait3A_991 = tpu.memref_slice %arg4[%dma_wait3A_989, %dma_wait3A_990] : memref<327680x64xf32, #tpu.memory_space<hbm>> -> memref<128x64xf32, #tpu.memory_space<hbm>>
    %dma_wait3A_992 = arith.constant 0 : i32
    %dma_wait3A_993 = arith.constant 0 : i32
    %dma_wait3A_994 = tpu.memref_slice %arg7[%dma_wait3A_978, %dma_wait3A_992, %dma_wait3A_993] : memref<8x128x64xf32, #tpu.memory_space<vmem>> -> memref<1x128x64xf32, #tpu.memory_space<vmem>>
    %dma_wait3A_995 = tpu.memref_squeeze %dma_wait3A_994 : memref<1x128x64xf32, #tpu.memory_space<vmem>> -> memref<128x64xf32, #tpu.memory_space<vmem>>
    tpu.wait_dma2 semaphore(%dma_wait3A_988 : memref<!tpu.dma_semaphore, #tpu.memory_space<semaphore_mem>>) src(%dma_wait3A_995 : memref<128x64xf32, #tpu.memory_space<vmem>>) dst(%dma_wait3A_991 : memref<128x64xf32, #tpu.memory_space<hbm>>)
    %dma_wait3A_996 = arith.constant 4 : i32
    %dma_wait3A_997 = arith.constant 4 : i32
    %dma_wait3A_998 = arith.constant 0 : i32
    %dma_wait3A_999 = arith.constant 0 : i32
    %dma_wait3A_1000 = tpu.memref_slice %arg7[%dma_wait3A_996, %dma_wait3A_998, %dma_wait3A_999] : memref<8x128x64xf32, #tpu.memory_space<vmem>> -> memref<1x128x64xf32, #tpu.memory_space<vmem>>
    %dma_wait3A_1001 = tpu.memref_squeeze %dma_wait3A_1000 : memref<1x128x64xf32, #tpu.memory_space<vmem>> -> memref<128x64xf32, #tpu.memory_space<vmem>>
    %dma_wait3A_1002 = arith.constant 0 : i32
    %dma_wait3A_1003 = arith.constant 0 : i32
    %dma_wait3A_1004 = tpu.memref_slice %arg4[%dma_wait3A_1002, %dma_wait3A_1003] : memref<327680x64xf32, #tpu.memory_space<hbm>> -> memref<128x64xf32, #tpu.memory_space<hbm>>
    %dma_wait3A_1005 = tpu.memref_slice %arg9[%dma_wait3A_997] : memref<8x!tpu.dma_semaphore, #tpu.memory_space<semaphore_mem>> -> memref<1x!tpu.dma_semaphore, #tpu.memory_space<semaphore_mem>>
    %dma_wait3A_1006 = tpu.memref_squeeze %dma_wait3A_1005 : memref<1x!tpu.dma_semaphore, #tpu.memory_space<semaphore_mem>> -> memref<!tpu.dma_semaphore, #tpu.memory_space<semaphore_mem>>
    %dma_wait3A_1007 = arith.constant 0 : i32
    %dma_wait3A_1008 = arith.constant 0 : i32
    %dma_wait3A_1009 = tpu.memref_slice %arg4[%dma_wait3A_1007, %dma_wait3A_1008] : memref<327680x64xf32, #tpu.memory_space<hbm>> -> memref<128x64xf32, #tpu.memory_space<hbm>>
    %dma_wait3A_1010 = arith.constant 0 : i32
    %dma_wait3A_1011 = arith.constant 0 : i32
    %dma_wait3A_1012 = tpu.memref_slice %arg7[%dma_wait3A_996, %dma_wait3A_1010, %dma_wait3A_1011] : memref<8x128x64xf32, #tpu.memory_space<vmem>> -> memref<1x128x64xf32, #tpu.memory_space<vmem>>
    %dma_wait3A_1013 = tpu.memref_squeeze %dma_wait3A_1012 : memref<1x128x64xf32, #tpu.memory_space<vmem>> -> memref<128x64xf32, #tpu.memory_space<vmem>>
    tpu.wait_dma2 semaphore(%dma_wait3A_1006 : memref<!tpu.dma_semaphore, #tpu.memory_space<semaphore_mem>>) src(%dma_wait3A_1013 : memref<128x64xf32, #tpu.memory_space<vmem>>) dst(%dma_wait3A_1009 : memref<128x64xf32, #tpu.memory_space<hbm>>)
    %dma_wait3A_1014 = arith.constant 5 : i32
    %dma_wait3A_1015 = arith.constant 5 : i32
    %dma_wait3A_1016 = arith.constant 0 : i32
    %dma_wait3A_1017 = arith.constant 0 : i32
    %dma_wait3A_1018 = tpu.memref_slice %arg7[%dma_wait3A_1014, %dma_wait3A_1016, %dma_wait3A_1017] : memref<8x128x64xf32, #tpu.memory_space<vmem>> -> memref<1x128x64xf32, #tpu.memory_space<vmem>>
    %dma_wait3A_1019 = tpu.memref_squeeze %dma_wait3A_1018 : memref<1x128x64xf32, #tpu.memory_space<vmem>> -> memref<128x64xf32, #tpu.memory_space<vmem>>
    %dma_wait3A_1020 = arith.constant 0 : i32
    %dma_wait3A_1021 = arith.constant 0 : i32
    %dma_wait3A_1022 = tpu.memref_slice %arg4[%dma_wait3A_1020, %dma_wait3A_1021] : memref<327680x64xf32, #tpu.memory_space<hbm>> -> memref<128x64xf32, #tpu.memory_space<hbm>>
    %dma_wait3A_1023 = tpu.memref_slice %arg9[%dma_wait3A_1015] : memref<8x!tpu.dma_semaphore, #tpu.memory_space<semaphore_mem>> -> memref<1x!tpu.dma_semaphore, #tpu.memory_space<semaphore_mem>>
    %dma_wait3A_1024 = tpu.memref_squeeze %dma_wait3A_1023 : memref<1x!tpu.dma_semaphore, #tpu.memory_space<semaphore_mem>> -> memref<!tpu.dma_semaphore, #tpu.memory_space<semaphore_mem>>
    %dma_wait3A_1025 = arith.constant 0 : i32
    %dma_wait3A_1026 = arith.constant 0 : i32
    %dma_wait3A_1027 = tpu.memref_slice %arg4[%dma_wait3A_1025, %dma_wait3A_1026] : memref<327680x64xf32, #tpu.memory_space<hbm>> -> memref<128x64xf32, #tpu.memory_space<hbm>>
    %dma_wait3A_1028 = arith.constant 0 : i32
    %dma_wait3A_1029 = arith.constant 0 : i32
    %dma_wait3A_1030 = tpu.memref_slice %arg7[%dma_wait3A_1014, %dma_wait3A_1028, %dma_wait3A_1029] : memref<8x128x64xf32, #tpu.memory_space<vmem>> -> memref<1x128x64xf32, #tpu.memory_space<vmem>>
    %dma_wait3A_1031 = tpu.memref_squeeze %dma_wait3A_1030 : memref<1x128x64xf32, #tpu.memory_space<vmem>> -> memref<128x64xf32, #tpu.memory_space<vmem>>
    tpu.wait_dma2 semaphore(%dma_wait3A_1024 : memref<!tpu.dma_semaphore, #tpu.memory_space<semaphore_mem>>) src(%dma_wait3A_1031 : memref<128x64xf32, #tpu.memory_space<vmem>>) dst(%dma_wait3A_1027 : memref<128x64xf32, #tpu.memory_space<hbm>>)
    %dma_wait3A_1032 = arith.constant 6 : i32
    %dma_wait3A_1033 = arith.constant 6 : i32
    %dma_wait3A_1034 = arith.constant 0 : i32
    %dma_wait3A_1035 = arith.constant 0 : i32
    %dma_wait3A_1036 = tpu.memref_slice %arg7[%dma_wait3A_1032, %dma_wait3A_1034, %dma_wait3A_1035] : memref<8x128x64xf32, #tpu.memory_space<vmem>> -> memref<1x128x64xf32, #tpu.memory_space<vmem>>
    %dma_wait3A_1037 = tpu.memref_squeeze %dma_wait3A_1036 : memref<1x128x64xf32, #tpu.memory_space<vmem>> -> memref<128x64xf32, #tpu.memory_space<vmem>>
    %dma_wait3A_1038 = arith.constant 0 : i32
    %dma_wait3A_1039 = arith.constant 0 : i32
    %dma_wait3A_1040 = tpu.memref_slice %arg4[%dma_wait3A_1038, %dma_wait3A_1039] : memref<327680x64xf32, #tpu.memory_space<hbm>> -> memref<128x64xf32, #tpu.memory_space<hbm>>
    %dma_wait3A_1041 = tpu.memref_slice %arg9[%dma_wait3A_1033] : memref<8x!tpu.dma_semaphore, #tpu.memory_space<semaphore_mem>> -> memref<1x!tpu.dma_semaphore, #tpu.memory_space<semaphore_mem>>
    %dma_wait3A_1042 = tpu.memref_squeeze %dma_wait3A_1041 : memref<1x!tpu.dma_semaphore, #tpu.memory_space<semaphore_mem>> -> memref<!tpu.dma_semaphore, #tpu.memory_space<semaphore_mem>>
    %dma_wait3A_1043 = arith.constant 0 : i32
    %dma_wait3A_1044 = arith.constant 0 : i32
    %dma_wait3A_1045 = tpu.memref_slice %arg4[%dma_wait3A_1043, %dma_wait3A_1044] : memref<327680x64xf32, #tpu.memory_space<hbm>> -> memref<128x64xf32, #tpu.memory_space<hbm>>
    %dma_wait3A_1046 = arith.constant 0 : i32
    %dma_wait3A_1047 = arith.constant 0 : i32
    %dma_wait3A_1048 = tpu.memref_slice %arg7[%dma_wait3A_1032, %dma_wait3A_1046, %dma_wait3A_1047] : memref<8x128x64xf32, #tpu.memory_space<vmem>> -> memref<1x128x64xf32, #tpu.memory_space<vmem>>
    %dma_wait3A_1049 = tpu.memref_squeeze %dma_wait3A_1048 : memref<1x128x64xf32, #tpu.memory_space<vmem>> -> memref<128x64xf32, #tpu.memory_space<vmem>>
    tpu.wait_dma2 semaphore(%dma_wait3A_1042 : memref<!tpu.dma_semaphore, #tpu.memory_space<semaphore_mem>>) src(%dma_wait3A_1049 : memref<128x64xf32, #tpu.memory_space<vmem>>) dst(%dma_wait3A_1045 : memref<128x64xf32, #tpu.memory_space<hbm>>)
    %dma_wait3A_1050 = arith.constant 7 : i32
    %dma_wait3A_1051 = arith.constant 7 : i32
    %dma_wait3A_1052 = arith.constant 0 : i32
    %dma_wait3A_1053 = arith.constant 0 : i32
    %dma_wait3A_1054 = tpu.memref_slice %arg7[%dma_wait3A_1050, %dma_wait3A_1052, %dma_wait3A_1053] : memref<8x128x64xf32, #tpu.memory_space<vmem>> -> memref<1x128x64xf32, #tpu.memory_space<vmem>>
    %dma_wait3A_1055 = tpu.memref_squeeze %dma_wait3A_1054 : memref<1x128x64xf32, #tpu.memory_space<vmem>> -> memref<128x64xf32, #tpu.memory_space<vmem>>
    %dma_wait3A_1056 = arith.constant 0 : i32
    %dma_wait3A_1057 = arith.constant 0 : i32
    %dma_wait3A_1058 = tpu.memref_slice %arg4[%dma_wait3A_1056, %dma_wait3A_1057] : memref<327680x64xf32, #tpu.memory_space<hbm>> -> memref<128x64xf32, #tpu.memory_space<hbm>>
    %dma_wait3A_1059 = tpu.memref_slice %arg9[%dma_wait3A_1051] : memref<8x!tpu.dma_semaphore, #tpu.memory_space<semaphore_mem>> -> memref<1x!tpu.dma_semaphore, #tpu.memory_space<semaphore_mem>>
    %dma_wait3A_1060 = tpu.memref_squeeze %dma_wait3A_1059 : memref<1x!tpu.dma_semaphore, #tpu.memory_space<semaphore_mem>> -> memref<!tpu.dma_semaphore, #tpu.memory_space<semaphore_mem>>
    %dma_wait3A_1061 = arith.constant 0 : i32
    %dma_wait3A_1062 = arith.constant 0 : i32
    %dma_wait3A_1063 = tpu.memref_slice %arg4[%dma_wait3A_1061, %dma_wait3A_1062] : memref<327680x64xf32, #tpu.memory_space<hbm>> -> memref<128x64xf32, #tpu.memory_space<hbm>>
    %dma_wait3A_1064 = arith.constant 0 : i32
    %dma_wait3A_1065 = arith.constant 0 : i32
    %dma_wait3A_1066 = tpu.memref_slice %arg7[%dma_wait3A_1050, %dma_wait3A_1064, %dma_wait3A_1065] : memref<8x128x64xf32, #tpu.memory_space<vmem>> -> memref<1x128x64xf32, #tpu.memory_space<vmem>>
    %dma_wait3A_1067 = tpu.memref_squeeze %dma_wait3A_1066 : memref<1x128x64xf32, #tpu.memory_space<vmem>> -> memref<128x64xf32, #tpu.memory_space<vmem>>
    tpu.wait_dma2 semaphore(%dma_wait3A_1060 : memref<!tpu.dma_semaphore, #tpu.memory_space<semaphore_mem>>) src(%dma_wait3A_1067 : memref<128x64xf32, #tpu.memory_space<vmem>>) dst(%dma_wait3A_1063 : memref<128x64xf32, #tpu.memory_space<hbm>>)
    return
  }
}

</mosaic_0001>

<sc_bundles>
// kernel: kernel.3.cloned.1.call-start
scs
__scs_entry_jumppad:
0x0: {  	(pc) =	sbr.rel $0x88, $3  }
0x1: {  	(tag) =	ssettag $0x0;
	lr =	simm.s32 $0x1  }
0x2: {  	[smem:$0x3F9F] =	sst lr;
	_ =	strace $0xD0000000  }
0x3: {  	_ = 	snop  }
0x4: {  	_ = 	snop  }
0x5: {  	_ = 	snop  }
0x6: {  	_ = 	snop  }
0x7: {  	_ = 	snop  }
__scs_overlays_trampoline_lowered:
0x8: {  	[smem:$0x3FAE] =	sst s0  }
0x9: {  	[smem:$0x3FAF] =	sst s1  }
0xa: {  	[smem:$0x3FB0] =	sst s2  }
0xb: {  	[smem:$0x3FB1] =	sst s3  }
0xc: {  	[smem:$0x3FB2] =	sst s4  }
0xd: {  	[smem:$0x3FB3] =	sst s5  }
0xe: {  	[smem:$0x3FB4] =	sst s6  }
0xf: {  	[smem:$0x3FB5] =	sst s7  }
0x10: {  	[smem:$0x3FB6] =	sst s8  }
0x11: {  	[smem:$0x3FB7] =	sst s9;
	s0 =	simm.s32 @!p0 $0x0  }
0x12: {  	s1 =	sld [smem:$0x3F9D];
	s0 =	simm.s32 @p0 $0x1  }
0x13: {  	[smem:$0x3FB8] =	sst s0;
	s0 =	simm.s32 @!p1 $0x0  }
0x14: {  	s2 =	sld [smem:$0x3F9C];
	s0 =	simm.s32 @p1 $0x1  }
0x15: {  	[smem:$0x3FB9] =	sst s0;
	s0 =	simm.s32 @!p2 $0x0  }
0x16: {  	s3 =	sld [smem:$0x3FDB];
	s0 =	simm.s32 @p2 $0x1  }
0x17: {  	s4 =	simm.s32 $0x1BF5;
	[smem:$0x3FBB] =	sst s0  }
0x18: {  	s0 =	sld [smem:$0x3F9E];
	_ =	swait.ge [sflag:s4], $0x0  }
0x19: {  	s7 =	sld [smem:$0x3F9F]  }
0x1a: {  	s8 =	sadd.s32 $0xFFFFE003, lr  }
0x1b: {  	s9 =	sadd.s32 $0xFFFFFEF7, lr;
	s5 =	simm.s32 $0xFFFFFFFF;
	p2 =	slt.u32 s8, $0xFFFFF086  }
0x1c: {  	p1 =	slt.u32 s9, $0xF7A;
	s5 =	simm.s32 @!p2 $0x0  }
0x1d: {  	s5 =	simm.s32 @p1 $0x1;
	p0 =	seq.s32 s7, s2  }
0x1e: {  	s7 =	smul.u32 @!p0 $0xF7A, s2;
	p2 =	seq.s32 @!p0 s5, $0x0  }
0x1f: {  	s9 =	smul.u32 $0xF7A, s1;
	s8 =	simm.s32 @!p0 $0x1BF5;
	p2 =	por !p2, p0  }
0x20: {  	[sflag:s8] =	ssyncset.s32 @!p0 $0xFFFFF086;
	s6 =	sadd.s32 @!p0 s3, s7;
	s7 =	simm.s32 @!p0 $0x108  }
0x21: {  	s3 =	sadd.s32 s3, s9;
	s6 =	sadd.s32 @!p0 $0x88, s6;
	s7 =	simm.s32 @p2 $0x1082  }
0x22: {  	[simem:s7], [sflag:s8] =	dma.local @!p0 [hbm:s6], $0xF7A  }
0x23: {  	s9 =	sor.u32 $0xD0000000, s2;
	s6 =	simm.s32 $0x108;
	_ =	swait.ge @!p0 [sflag:s8], $0x0  }
0x24: {  	s3 =	sadd.s32 $0x88, s3;
	s6 =	simm.s32 @!p1 $0x1082;
	[sflag:s4] =	ssyncset.s32 $0xFFFFF086  }
0x25: {  	[simem:s6], [sflag:s4] =	dma.local [hbm:s3], $0xF7A  }
0x26: {  	[smem:$0x3F9F] =	sst s1;
	(tag) =	ssettag s2;
	_ =	strace s9  }
0x27: {  	s1 =	sld [smem:$0x3FAF]  }
0x28: {  	s2 =	sld [smem:$0x3FB0]  }
0x29: {  	s4 =	sld [smem:$0x3FB2]  }
0x2a: {  	p0 =	seq.s32 s5, $0x0;
	s5 =	sld [smem:$0x3FB3]  }
0x2b: {  	s6 =	sld [smem:$0x3FB4]  }
0x2c: {  	s7 =	sld [smem:$0x3FB5]  }
0x2d: {  	s3 =	simm.s32 $0x108;
	s8 =	sld [smem:$0x3FB6]  }
0x2e: {  	s3 =	simm.s32 @!p0 $0x1082;
	s9 =	sld [smem:$0x3FB7]  }
0x2f: {  	lr =	sadd.s32 s0, s3;
	s0 =	sld [smem:$0x3FAE]  }
0x30: {  	s3 =	sld [smem:$0x3FB1]  }
0x31: {  	[smem:$0x3FBA] =	sst s10  }
0x32: {  	s10 =	sld [smem:$0x3FB8];
	_ =	sdelay $0x3  }
0x33: {  	p0 =	seq.s32 s10, $0x1;
	s10 =	sld [smem:$0x3FBA];
	_ =	sdelay $0x3  }
0x34: {  	[smem:$0x3FBA] =	sst s10  }
0x35: {  	s10 =	sld [smem:$0x3FB9];
	_ =	sdelay $0x3  }
0x36: {  	p1 =	seq.s32 s10, $0x1;
	s10 =	sld [smem:$0x3FBA];
	_ =	sdelay $0x3  }
0x37: {  	[smem:$0x3FBA] =	sst s10  }
0x38: {  	s10 =	sld [smem:$0x3FBB]  }
0x39: {  	_ = 	snop;
	(pc) =	sbr.ind lr, $3  }
0x3a: {  	_ = 	snop  }
0x3b: {  	_ = 	snop  }
0x3c: {  	p2 =	seq.s32 s10, $0x1;
	s10 =	sld [smem:$0x3FBA]  }
0x3d: {  	_ =	shalt  }
0x3e: {  	_ =	shalt  }
0x3f: {  	_ =	shalt  }
0x40: {  	_ =	shalt  }
0x41: {  	_ =	shalt  }
0x42: {  	_ =	shalt  }
0x43: {  	_ =	shalt  }
0x44: {  	_ =	shalt  }
0x45: {  	_ =	shalt  }
0x46: {  	_ =	shalt  }
0x47: {  	_ =	shalt  }
0x48: {  	_ =	shalt  }
0x49: {  	_ =	shalt  }
0x4a: {  	_ =	shalt  }
0x4b: {  	_ =	shalt  }
0x4c: {  	_ =	shalt  }
0x4d: {  	_ =	shalt  }
0x4e: {  	_ =	shalt  }
0x4f: {  	_ =	shalt  }
0x50: {  	_ =	shalt  }
0x51: {  	_ =	shalt  }
0x52: {  	_ =	shalt  }
0x53: {  	_ =	shalt  }
0x54: {  	_ =	shalt  }
0x55: {  	_ =	shalt  }
0x56: {  	_ =	shalt  }
0x57: {  	_ =	shalt  }
0x58: {  	_ =	shalt  }
0x59: {  	_ =	shalt  }
0x5a: {  	_ =	shalt  }
0x5b: {  	_ =	shalt  }
0x5c: {  	_ =	shalt  }
0x5d: {  	_ =	shalt  }
0x5e: {  	_ =	shalt  }
0x5f: {  	_ =	shalt  }
0x60: {  	_ =	shalt  }
0x61: {  	_ =	shalt  }
0x62: {  	_ =	shalt  }
0x63: {  	_ =	shalt  }
0x64: {  	_ =	shalt  }
0x65: {  	_ =	shalt  }
0x66: {  	_ =	shalt  }
0x67: {  	_ =	shalt  }
0x68: {  	_ =	shalt  }
0x69: {  	_ =	shalt  }
0x6a: {  	_ =	shalt  }
0x6b: {  	_ =	shalt  }
0x6c: {  	_ =	shalt  }
0x6d: {  	_ =	shalt  }
0x6e: {  	_ =	shalt  }
0x6f: {  	_ =	shalt  }
0x70: {  	_ =	shalt  }
0x71: {  	_ =	shalt  }
0x72: {  	_ =	shalt  }
0x73: {  	_ =	shalt  }
0x74: {  	_ =	shalt  }
0x75: {  	_ =	shalt  }
0x76: {  	_ =	shalt  }
0x77: {  	_ =	shalt  }
0x78: {  	_ =	shalt  }
0x79: {  	_ =	shalt  }
0x7a: {  	_ =	shalt  }
0x7b: {  	_ =	shalt  }
0x7c: {  	_ =	shalt  }
0x7d: {  	_ =	shalt  }
0x7e: {  	_ =	shalt  }
0x7f: {  	_ =	shalt  }
0x80: {  	_ =	shalt  }
0x81: {  	_ =	shalt  }
0x82: {  	_ =	shalt  }
0x83: {  	_ =	shalt  }
0x84: {  	_ =	shalt  }
0x85: {  	_ =	shalt  }
0x86: {  	_ =	shalt  }
0x87: {  	_ =	shalt  }
.Lfunc_end0:
.L_simem_size_0:
called_computation.1_lowered:
.L_overlay_start_0:
0x88: {  	s2 =	sld [smem:$0x3FD9]  }
0x89: {  	s3 =	sld [smem:$0x3FFE];
	_ =	sdelay $0x1  }
0x8a: {  	s1 =	srdreg.scid  }
0x8b: {  	s0 =	sand.u32 $0x1, s1  }
0x8c: {  	s17 =	sshll.u32 s0, $0xA;
	s2 =	sadd.s32 s3, s2  }
0x8d: {  	s2 =	sadd.s32 s2, s17  }
0x8e: {  	[smem:$0x3FC6] =	sst s2  }
0x8f: {  	_ = 	snop  }
0x90: {  	s2 =	sld [smem:$0x3FD0];
	(tm) =	ssettm $0x1  }
0x91: {  	s18 =	sld [smem:$0x3FFB];
	_ =	sdelay $0x3  }
0x92: {  	_ =	strace s18  }
0x93: {  	s3 =	sld [smem:$0x3FFC];
	_ =	sdelay $0x3  }
0x94: {  	_ =	strace s3  }
0x95: {  	s3 =	sld [smem:$0x3FFD];
	_ =	sdelay $0x3  }
0x96: {  	_ =	strace s3  }
0x97: {  	_ =	strace $0x8FFFFFFF  }
0x98: {  	s19 =	sld [smem:$0x3FDB];
	_ =	sdelay $0x1  }
0x99: {  	s4 =	simm.s32 $_scs_section_size  }
0x9a: {  	s5 =	simm.s32 $_size__tile_overlayer_lowered;
	s6 =	simm.s32 $_tile_overlayer_lowered  }
0x9b: {  	s22 =	simm.s32 $0x1BFF;
	s21 =	sshll.u32 s6, $0x1;
	s3 =	sadd.s32 s4, s19  }
0x9c: {  	s7 =	simm.s32 $0x0;
	s20 =	sshll.u32 s5, $0x1;
	s5 =	sadd.s32 s21, s3  }
0x9d: {  	[timem:s7], [sflag:s22] =	dma.local [hbm:s5], s20  }
0x9e: {  	_ =	swait.ge [sflag:s22], s20  }
0x9f: {  	s4 =	ssub.s32 $0x0, s20;
	[sflag:s22] =	ssyncset.done $0x0  }
0xa0: {  	[sflag:s22] =	ssyncadd.s32 s4;
	_ =	sdelay $0x1  }
0xa1: {  	s23 =	simm.s32 $0x1B8B  }
0xa2: {  	_ =	swait.ge [sflag:s23], $0x1  }
0xa3: {  	[sflag:s23] =	ssyncset.done $0x0  }
0xa4: {  	s25 =	simm.s32 $0x1B8E;
	s24 =	sld [smem:$0x3FFE];
	[sflag:s23] =	ssyncadd.s32 $0xFFFFFFFF  }
0xa5: {  	s26 =	simm.s32 $execute0_lowered;
	[smem:$0x3FD2] =	sst s25  }
0xa6: {  	s5 =	sshll.u32 s26, $0x1;
	_ =	strace $0x80000046;
	[dreg:$0x1] =	wrdreg $0xFFFFFFFF  }
0xa7: {  	s28 =	simm.s32 $_size_execute0_lowered;
	s3 =	sadd.s32 s3, s5;
	[dreg:$0x0] =	wrdreg $0x0  }
0xa8: {  	s5 =	sshll.u32 s28, $0x1;
	[dreg:$0x2] =	wrdreg s3  }
0xa9: {  	[dreg:$0x3] =	wrdreg s5  }
0xaa: {  	[dreg:$0x4] =	wrdreg $0xC0  }
0xab: {  	_ =	task [dreg:s7], $0x5FFFF  }
0xac: {  	[dreg:$0x1] =	wrdreg $0xFFFFFFFF  }
0xad: {  	[dreg:$0x0] =	wrdreg $0x60  }
0xae: {  	[dreg:$0x2] =	wrdreg s24  }
0xaf: {  	[dreg:$0x3] =	wrdreg s2  }
0xb0: {  	[dreg:$0x4] =	wrdreg $0x9  }
0xb1: {  	_ =	task.clear_ibuf [dreg:s7], $0x5FFFF;
	_ =	strace $0x90000046  }
0xb2: {  	s29 =	simm.s32 $0x9;
	_ =	strace $0x80000048  }
0xb3: {  	_ =	swait.ge [sflag:s29], $0x1  }
0xb4: {  	[sflag:s29] =	ssyncadd.s32 $0xFFFFFFFF  }
0xb5: {  	_ =	strace $0x90000048  }
0xb6: {  	_ =	sfence  }
0xb7: {  	s30 =	sld [smem:$0x0];
	_ =	sdelay $0x2  }
0xb8: {  	s31 =	sshll.u32 s1, $0xD;
	s1 =	sshrl.u32 s1, $0x2  }
0xb9: {  	s3 =	sand.u32 $0x4000, s31;
	s1 =	sadd.s32 s1, s30  }
0xba: {  	s0 =	sor.u32 s3, s0;
	s1 =	sshll.u32 s1, $0x11  }
0xbb: {  	s0 =	sor.u32 s1, s0  }
0xbc: {  	s0 =	sadd.s32 $0x8F2B, s0  }
0xbd: {  	[sflag:s0] =	ssyncadd.remote.s32 $0x1  }
0xbe: {  	_ =	sfence.sel $0xFFFF  }
0xbf: {  	[dreg:$0x0] =	wrdreg $0xFFFFFFFF;
	(pc) =	sbr.abs _section_cstart, $3  }
0xc0: {  	[dreg:$0x1] =	wrdreg $0xFFFFFFFF  }
0xc1: {  	_ =	task.clear_ibuf [dreg:s7], $0x2FFFF;
	_ =	strace $0x9FFFFFFF  }
0xc2: {  	(tm) =	ssettm $0x7FFFFFFF  }
0xc3: {  	_ =	shalt  }
tec
execute0_lowered:
.L_overlay_start_1:
0x0: {  	(tag) =	ssettag $0x1  }
0x1: {  	s0 =	rddreg [dreg:$0x0];
	s1 =	srdreg.scid  }
0x2: {  	s4 =	stileid.u32;
	s2 =	rddreg [dreg:$0x1]  }
0x3: {  	s5 =	simm.s32 $0x0;
	s9 =	simm.s32 $0x80;
	s13 =	simm.s32 $0x9000  }
0x4: {  	s15 =	simm.s32 $0xB000;
	s16 =	simm.s32 $0x1;
	s19 =	simm.s32 $0xD000  }
0x5: {  	s20 =	simm.s32 $0x2;
	s23 =	simm.s32 $0xF000;
	s28 =	simm.s32 $0x11000  }
0x6: {  	s29 =	simm.s32 $0x4;
	s12 =	simm.s32 $0x9;
	s17 =	simm.s32 $0x6  }
0x7: {  	s21 =	simm.s32 $0xA;
	s30 =	simm.s32 $0xB;
	s18 =	simm.s32 $0xC  }
0x8: {  	s31 =	simm.s32 $0xE;
	s14 =	simm.s32 $0xF;
	s22 =	simm.s32 $0x10  }
0x9: {  	s1 =	sand.u32 $0x1, s1;
	s3 =	sshll.u32 s4, $0x1;
	[smem:$0x7FF] =	sst s5  }
0xa: {  	s6 =	smul.u32 $0x5000, s4;
	s4 =	sadd.s32 $0xF42E00, s0;
	s24 =	ssub.s32 $0x2, s1  }
0xb: {  	s3 =	sor.u32 s1, s3;
	s1 =	smul.u32 $0x2800, s1;
	s7 =	sshrl.u32 s24, $0x1  }
0xc: {  	_ =	strace $0x80000047;
	s3 =	smul.u32 $0x2800, s3;
	s25 =	ssub.s32 s24, s7  }
0xd: {  	s26 =	sadd.s32 s1, s6;
	s24 =	simm.s32 $0x3;
	s1 =	simm.s32 $0x13000  }
0xe: {  	s6 =	simm.s32 $0x0;
	s3 =	sshrl.u32 s3, $0x3;
	[dreg:$0x5] =	wrdreg s26  }
0xf: {  	s26 =	simm.s32 $0xD;
	s3 =	sadd.s32 s3, s0;
	s0 =	smax.u32 s25, $0x1  }
0x10: {  	s25 =	simm.s32 $0x7;
	s3 =	sadd.s32 $0xA00, s3;
	[dreg:$0x4] =	wrdreg s0  }
0x11: {  	v0 =	vlaneseq.u32;
	s0 =	simm.s32 $0x5;
	[dreg:$0x3] =	wrdreg s3;
	s3 =	simm.s32 $0x8  }
.LBB2_1:
0x12: {  	[dreg:$0x6] =	wrdreg s6  }
0x13: {  	s5 =	simm.s32 $0x0;
	s10 =	rddreg [dreg:$0x3];
	s11 =	simm.s32 $0x11  }
0x14: {  	[tilespmem:s5], [sflag:$0x11] =	stream.linear.gather [hbm4b:s10+s5], $0x2800, $0x38;
	[tilespmem:$0x15000] =	vst v63  }
0x15: {  	_ =	swait.ge [sflag:s11], $0x2800  }
0x16: {  	s6 =	simm.s32 $0x2800;
	[sflag:s11] =	ssyncset.done $0x0  }
0x17: {  	s8 =	simm.s32 $0x0;
	s10 =	rddreg [dreg:$0x5];
	[sflag:s11] =	ssyncadd.s32 $0xFFFFD800  }
.LBB2_2:
0x18: {  	v1 =	vor.u32 s10, v0  }
0x19: {  	v1 =	vand.u32 $0x3FFF, v1  }
0x1a: {  	v3 =	vmul.u32 $0x14, v1;
	v1 =	vmov s6  }
0x1b: {  	v2 =	vmov s10  }
0x1c: {  	v2 =	vshrl.u32 v2, $0xE  }
0x1d: {  	s5 =	simm.s32 $0x40;
	s11 =	simm.s32 $0x0;
	s7 =	smov.u32 s10;
	v2 =	vadd.s32 v2, v3  }
.LBB2_3:
0x1e: {  	p0 =	sne.s32 s5, $0x1C0  }
0x1f: {  	[tilespmem:v1+s11+$0x0 ss:$0x1] =	vst.idx.msk $0xffff, v2;
	s7 =	sadd.s32 $0x10, s7;
	s11 =	smov.u32 s5;
	s5 =	sadd.s32 $0x40, s5  }
.Ltmp0:
0x20: {  	v2 =	vor.u32 s7, v0;
	(pc) =	sbr.rel @p0 .LBB2_3-.Ltmp0, $4  }
0x21: {  	v2 =	vand.u32 $0x3FFF, v2  }
0x22: {  	v3 =	vmov s7;
	v2 =	vmul.u32 $0x14, v2  }
0x23: {  	v3 =	vshrl.u32 v3, $0xE  }
0x24: {  	s11 =	sshra.s32 s11, $0x2;
	v2 =	vadd.s32 v3, v2  }
0x25: {  	s8 =	sadd.s32 $0x1, s8  }
0x26: {  	p0 =	sne.s32 s8, $0x50  }
.Ltmp1:
0x27: {  	_ = 	snop;
	(pc) =	sbr.rel @p0 .LBB2_2-.Ltmp1, $2  }
0x28: {  	_ =	sdelay $0x2  }
0x29: {  	[tilespmem:v1+s11+$0x0 ss:$0x1] =	vst.idx.msk $0xffff, v2;
	s10 =	sadd.s32 $0x80, s10;
	s6 =	sadd.s32 $0x80, s6  }
0x2a: {  	s5 =	simm.s32 $0x0;
	s8 =	simm.s32 $0x5000  }
0x2b: {  	[tilespmem:s8], [sflag:$0x1] =	stream.indirect.gather [hbm4b:s4+s9], $0x40, s5, s9, $0xb8;
	[tilespmem:$0x15000] =	vst v63  }
0x2c: {  	s10 =	simm.s32 $0x7000  }
0x2d: {  	[tilespmem:s10], [sflag:$0x2] =	stream.indirect.gather [hbm4b:s4+s9], $0x40, s9, s9, $0xb8;
	[tilespmem:$0x15000] =	vst v63  }
0x2e: {  	s6 =	simm.s32 $0x100  }
0x2f: {  	[tilespmem:s13], [sflag:$0x3] =	stream.indirect.gather [hbm4b:s4+s9], $0x40, s6, s9, $0xb8;
	[tilespmem:$0x15000] =	vst v63  }
0x30: {  	s7 =	simm.s32 $0x180  }
0x31: {  	[tilespmem:s15], [sflag:$0x4] =	stream.indirect.gather [hbm4b:s4+s9], $0x40, s7, s9, $0xb8;
	[tilespmem:$0x15000] =	vst v63  }
0x32: {  	_ =	swait.ge [sflag:s16], $0x2000  }
0x33: {  	[sflag:s16] =	ssyncset.done $0x0  }
0x34: {  	s11 =	simm.s32 $0x2800;
	[sflag:s16] =	ssyncadd.s32 $0xFFFFE000  }
0x35: {  	[hbm4b:s2+s9] =	stream.indirect.scatter [tilespmem:s8], [sflag:$0x9], $0x40, s11, s9, $0xb8;
	[tilespmem:$0x15000] =	vst v63  }
0x36: {  	s6 =	simm.s32 $0x200  }
0x37: {  	[tilespmem:s19], [sflag:$0x5] =	stream.indirect.gather [hbm4b:s4+s9], $0x40, s6, s9, $0xb8;
	[tilespmem:$0x15000] =	vst v63  }
0x38: {  	_ =	swait.ge [sflag:s20], $0x2000  }
0x39: {  	[sflag:s20] =	ssyncset.done $0x0  }
0x3a: {  	s7 =	simm.s32 $0x2880;
	[sflag:s20] =	ssyncadd.s32 $0xFFFFE000  }
0x3b: {  	[hbm4b:s2+s9] =	stream.indirect.scatter [tilespmem:s10], [sflag:$0xA], $0x40, s7, s9, $0xb8;
	[tilespmem:$0x15000] =	vst v63  }
0x3c: {  	s11 =	simm.s32 $0x280  }
0x3d: {  	[tilespmem:s23], [sflag:$0x6] =	stream.indirect.gather [hbm4b:s4+s9], $0x40, s11, s9, $0xb8;
	[tilespmem:$0x15000] =	vst v63  }
0x3e: {  	_ =	swait.ge [sflag:s24], $0x2000  }
0x3f: {  	[sflag:s24] =	ssyncset.done $0x0  }
0x40: {  	s6 =	simm.s32 $0x2900;
	[sflag:s24] =	ssyncadd.s32 $0xFFFFE000  }
0x41: {  	[hbm4b:s2+s9] =	stream.indirect.scatter [tilespmem:s13], [sflag:$0xB], $0x40, s6, s9, $0xb8;
	[tilespmem:$0x15000] =	vst v63  }
0x42: {  	s7 =	simm.s32 $0x300  }
0x43: {  	[tilespmem:s28], [sflag:$0x7] =	stream.indirect.gather [hbm4b:s4+s9], $0x40, s7, s9, $0xb8;
	[tilespmem:$0x15000] =	vst v63  }
0x44: {  	_ =	swait.ge [sflag:s29], $0x2000  }
0x45: {  	[sflag:s29] =	ssyncset.done $0x0  }
0x46: {  	s11 =	simm.s32 $0x2980;
	[sflag:s29] =	ssyncadd.s32 $0xFFFFE000  }
0x47: {  	[hbm4b:s2+s9] =	stream.indirect.scatter [tilespmem:s15], [sflag:$0xC], $0x40, s11, s9, $0xb8;
	[tilespmem:$0x15000] =	vst v63  }
0x48: {  	s6 =	simm.s32 $0x380  }
0x49: {  	[tilespmem:s1], [sflag:$0x8] =	stream.indirect.gather [hbm4b:s4+s9], $0x40, s6, s9, $0xb8;
	[tilespmem:$0x15000] =	vst v63  }
0x4a: {  	_ =	swait.ge [sflag:s0], $0x2000  }
0x4b: {  	[sflag:s0] =	ssyncset.done $0x0  }
0x4c: {  	s7 =	simm.s32 $0x2A00;
	[sflag:s0] =	ssyncadd.s32 $0xFFFFE000  }
0x4d: {  	[hbm4b:s2+s9] =	stream.indirect.scatter [tilespmem:s19], [sflag:$0xD], $0x40, s7, s9, $0xb8;
	[tilespmem:$0x15000] =	vst v63  }
0x4e: {  	_ =	swait.ge [sflag:s12], $0x2000  }
0x4f: {  	[sflag:s12] =	ssyncset.done $0x0  }
0x50: {  	s11 =	simm.s32 $0x400;
	[sflag:s12] =	ssyncadd.s32 $0xFFFFE000  }
0x51: {  	[tilespmem:s8], [sflag:$0x1] =	stream.indirect.gather [hbm4b:s4+s9], $0x40, s11, s9, $0xb8;
	[tilespmem:$0x15000] =	vst v63  }
0x52: {  	_ =	swait.ge [sflag:s17], $0x2000  }
0x53: {  	[sflag:s17] =	ssyncset.done $0x0  }
0x54: {  	s6 =	simm.s32 $0x2A80;
	[sflag:s17] =	ssyncadd.s32 $0xFFFFE000  }
0x55: {  	[hbm4b:s2+s9] =	stream.indirect.scatter [tilespmem:s23], [sflag:$0xE], $0x40, s6, s9, $0xb8;
	[tilespmem:$0x15000] =	vst v63  }
0x56: {  	_ =	swait.ge [sflag:s21], $0x2000  }
0x57: {  	[sflag:s21] =	ssyncset.done $0x0  }
0x58: {  	s7 =	simm.s32 $0x480;
	[sflag:s21] =	ssyncadd.s32 $0xFFFFE000  }
0x59: {  	[tilespmem:s10], [sflag:$0x2] =	stream.indirect.gather [hbm4b:s4+s9], $0x40, s7, s9, $0xb8;
	[tilespmem:$0x15000] =	vst v63  }
0x5a: {  	_ =	swait.ge [sflag:s25], $0x2000  }
0x5b: {  	[sflag:s25] =	ssyncset.done $0x0  }
0x5c: {  	s11 =	simm.s32 $0x2B00;
	[sflag:s25] =	ssyncadd.s32 $0xFFFFE000  }
0x5d: {  	[hbm4b:s2+s9] =	stream.indirect.scatter [tilespmem:s28], [sflag:$0xF], $0x40, s11, s9, $0xb8;
	[tilespmem:$0x15000] =	vst v63  }
0x5e: {  	_ =	swait.ge [sflag:s30], $0x2000  }
0x5f: {  	[sflag:s30] =	ssyncset.done $0x0  }
0x60: {  	s6 =	simm.s32 $0x500;
	[sflag:s30] =	ssyncadd.s32 $0xFFFFE000  }
0x61: {  	[tilespmem:s13], [sflag:$0x3] =	stream.indirect.gather [hbm4b:s4+s9], $0x40, s6, s9, $0xb8;
	[tilespmem:$0x15000] =	vst v63  }
0x62: {  	_ =	swait.ge [sflag:s3], $0x2000  }
0x63: {  	[sflag:s3] =	ssyncset.done $0x0  }
0x64: {  	s7 =	simm.s32 $0x2B80;
	[sflag:s3] =	ssyncadd.s32 $0xFFFFE000  }
0x65: {  	[hbm4b:s2+s9] =	stream.indirect.scatter [tilespmem:s1], [sflag:$0x10], $0x40, s7, s9, $0xb8;
	[tilespmem:$0x15000] =	vst v63  }
0x66: {  	_ =	swait.ge [sflag:s18], $0x2000  }
0x67: {  	[sflag:s18] =	ssyncset.done $0x0  }
0x68: {  	s11 =	simm.s32 $0x580;
	[sflag:s18] =	ssyncadd.s32 $0xFFFFE000  }
0x69: {  	[tilespmem:s15], [sflag:$0x4] =	stream.indirect.gather [hbm4b:s4+s9], $0x40, s11, s9, $0xb8;
	[tilespmem:$0x15000] =	vst v63  }
0x6a: {  	_ =	swait.ge [sflag:s16], $0x2000  }
0x6b: {  	[sflag:s16] =	ssyncset.done $0x0  }
0x6c: {  	s6 =	simm.s32 $0x2C00;
	[sflag:s16] =	ssyncadd.s32 $0xFFFFE000  }
0x6d: {  	[hbm4b:s2+s9] =	stream.indirect.scatter [tilespmem:s8], [sflag:$0x9], $0x40, s6, s9, $0xb8;
	[tilespmem:$0x15000] =	vst v63  }
0x6e: {  	_ =	swait.ge [sflag:s26], $0x2000  }
0x6f: {  	[sflag:s26] =	ssyncset.done $0x0  }
0x70: {  	s7 =	simm.s32 $0x600;
	[sflag:s26] =	ssyncadd.s32 $0xFFFFE000  }
0x71: {  	[tilespmem:s19], [sflag:$0x5] =	stream.indirect.gather [hbm4b:s4+s9], $0x40, s7, s9, $0xb8;
	[tilespmem:$0x15000] =	vst v63  }
0x72: {  	_ =	swait.ge [sflag:s20], $0x2000  }
0x73: {  	[sflag:s20] =	ssyncset.done $0x0  }
0x74: {  	s11 =	simm.s32 $0x2C80;
	[sflag:s20] =	ssyncadd.s32 $0xFFFFE000  }
0x75: {  	[hbm4b:s2+s9] =	stream.indirect.scatter [tilespmem:s10], [sflag:$0xA], $0x40, s11, s9, $0xb8;
	[tilespmem:$0x15000] =	vst v63  }
0x76: {  	_ =	swait.ge [sflag:s31], $0x2000  }
0x77: {  	[sflag:s31] =	ssyncset.done $0x0  }
0x78: {  	s6 =	simm.s32 $0x680;
	[sflag:s31] =	ssyncadd.s32 $0xFFFFE000  }
0x79: {  	[tilespmem:s23], [sflag:$0x6] =	stream.indirect.gather [hbm4b:s4+s9], $0x40, s6, s9, $0xb8;
	[tilespmem:$0x15000] =	vst v63  }
0x7a: {  	_ =	swait.ge [sflag:s24], $0x2000  }
0x7b: {  	[sflag:s24] =	ssyncset.done $0x0  }
0x7c: {  	s7 =	simm.s32 $0x2D00;
	[sflag:s24] =	ssyncadd.s32 $0xFFFFE000  }
0x7d: {  	[hbm4b:s2+s9] =	stream.indirect.scatter [tilespmem:s13], [sflag:$0xB], $0x40, s7, s9, $0xb8;
	[tilespmem:$0x15000] =	vst v63  }
0x7e: {  	_ =	swait.ge [sflag:s14], $0x2000  }
0x7f: {  	[sflag:s14] =	ssyncset.done $0x0  }
0x80: {  	s11 =	simm.s32 $0x700;
	[sflag:s14] =	ssyncadd.s32 $0xFFFFE000  }
0x81: {  	[tilespmem:s28], [sflag:$0x7] =	stream.indirect.gather [hbm4b:s4+s9], $0x40, s11, s9, $0xb8;
	[tilespmem:$0x15000] =	vst v63  }
0x82: {  	_ =	swait.ge [sflag:s29], $0x2000  }
0x83: {  	[sflag:s29] =	ssyncset.done $0x0  }
0x84: {  	s6 =	simm.s32 $0x2D80;
	[sflag:s29] =	ssyncadd.s32 $0xFFFFE000  }
0x85: {  	[hbm4b:s2+s9] =	stream.indirect.scatter [tilespmem:s15], [sflag:$0xC], $0x40, s6, s9, $0xb8;
	[tilespmem:$0x15000] =	vst v63  }
0x86: {  	_ =	swait.ge [sflag:s22], $0x2000  }
0x87: {  	[sflag:s22] =	ssyncset.done $0x0  }
0x88: {  	s7 =	simm.s32 $0x780;
	[sflag:s22] =	ssyncadd.s32 $0xFFFFE000  }
0x89: {  	[tilespmem:s1], [sflag:$0x8] =	stream.indirect.gather [hbm4b:s4+s9], $0x40, s7, s9, $0xb8;
	[tilespmem:$0x15000] =	vst v63  }
0x8a: {  	_ =	swait.ge [sflag:s0], $0x2000  }
0x8b: {  	[sflag:s0] =	ssyncset.done $0x0  }
0x8c: {  	s11 =	simm.s32 $0x2E00;
	[sflag:s0] =	ssyncadd.s32 $0xFFFFE000  }
0x8d: {  	[hbm4b:s2+s9] =	stream.indirect.scatter [tilespmem:s19], [sflag:$0xD], $0x40, s11, s9, $0xb8;
	[tilespmem:$0x15000] =	vst v63  }
0x8e: {  	_ =	swait.ge [sflag:s12], $0x2000  }
0x8f: {  	[sflag:s12] =	ssyncset.done $0x0  }
0x90: {  	s6 =	simm.s32 $0x800;
	[sflag:s12] =	ssyncadd.s32 $0xFFFFE000  }
0x91: {  	[tilespmem:s8], [sflag:$0x1] =	stream.indirect.gather [hbm4b:s4+s9], $0x40, s6, s9, $0xb8;
	[tilespmem:$0x15000] =	vst v63  }
0x92: {  	_ =	swait.ge [sflag:s17], $0x2000  }
0x93: {  	[sflag:s17] =	ssyncset.done $0x0  }
0x94: {  	s7 =	simm.s32 $0x2E80;
	[sflag:s17] =	ssyncadd.s32 $0xFFFFE000  }
0x95: {  	[hbm4b:s2+s9] =	stream.indirect.scatter [tilespmem:s23], [sflag:$0xE], $0x40, s7, s9, $0xb8;
	[tilespmem:$0x15000] =	vst v63  }
0x96: {  	_ =	swait.ge [sflag:s21], $0x2000  }
0x97: {  	[sflag:s21] =	ssyncset.done $0x0  }
0x98: {  	s11 =	simm.s32 $0x880;
	[sflag:s21] =	ssyncadd.s32 $0xFFFFE000  }
0x99: {  	[tilespmem:s10], [sflag:$0x2] =	stream.indirect.gather [hbm4b:s4+s9], $0x40, s11, s9, $0xb8;
	[tilespmem:$0x15000] =	vst v63  }
0x9a: {  	_ =	swait.ge [sflag:s25], $0x2000  }
0x9b: {  	[sflag:s25] =	ssyncset.done $0x0  }
0x9c: {  	s6 =	simm.s32 $0x2F00;
	[sflag:s25] =	ssyncadd.s32 $0xFFFFE000  }
0x9d: {  	[hbm4b:s2+s9] =	stream.indirect.scatter [tilespmem:s28], [sflag:$0xF], $0x40, s6, s9, $0xb8;
	[tilespmem:$0x15000] =	vst v63  }
0x9e: {  	_ =	swait.ge [sflag:s30], $0x2000  }
0x9f: {  	[sflag:s30] =	ssyncset.done $0x0  }
0xa0: {  	s7 =	simm.s32 $0x900;
	[sflag:s30] =	ssyncadd.s32 $0xFFFFE000  }
0xa1: {  	[tilespmem:s13], [sflag:$0x3] =	stream.indirect.gather [hbm4b:s4+s9], $0x40, s7, s9, $0xb8;
	[tilespmem:$0x15000] =	vst v63  }
0xa2: {  	_ =	swait.ge [sflag:s3], $0x2000  }
0xa3: {  	[sflag:s3] =	ssyncset.done $0x0  }
0xa4: {  	s11 =	simm.s32 $0x2F80;
	[sflag:s3] =	ssyncadd.s32 $0xFFFFE000  }
0xa5: {  	[hbm4b:s2+s9] =	stream.indirect.scatter [tilespmem:s1], [sflag:$0x10], $0x40, s11, s9, $0xb8;
	[tilespmem:$0x15000] =	vst v63  }
0xa6: {  	_ =	swait.ge [sflag:s18], $0x2000  }
0xa7: {  	[sflag:s18] =	ssyncset.done $0x0  }
0xa8: {  	s5 =	simm.s32 $0x980;
	s6 =	simm.s32 $0x1000;
	[sflag:s18] =	ssyncadd.s32 $0xFFFFE000  }
.LBB2_6:
0xa9: {  	[tilespmem:s15], [sflag:$0x4] =	stream.indirect.gather [hbm4b:s4+s9], $0x40, s5, s9, $0xb8;
	[tilespmem:$0x15000] =	vst v63  }
0xaa: {  	s5 =	smov.u32 s6  }
0xab: {  	p0 =	sne.s32 s6, $0x7000;
	s6 =	sadd.s32 $0x1000, s6;
	_ =	swait.ge [sflag:s16], $0x2000  }
0xac: {  	s7 =	sshra.s32 s5, $0x2;
	[sflag:s16] =	ssyncset.done $0x0  }
0xad: {  	s5 =	sadd.s32 $0x2C00, s7;
	[sflag:s16] =	ssyncadd.s32 $0xFFFFE000  }
0xae: {  	[hbm4b:s2+s9] =	stream.indirect.scatter [tilespmem:s8], [sflag:$0x9], $0x40, s5, s9, $0xb8;
	[tilespmem:$0x15000] =	vst v63  }
0xaf: {  	_ =	swait.ge [sflag:s26], $0x2000  }
0xb0: {  	[sflag:s26] =	ssyncset.done $0x0  }
0xb1: {  	s5 =	sadd.s32 $0x600, s7;
	[sflag:s26] =	ssyncadd.s32 $0xFFFFE000  }
0xb2: {  	[tilespmem:s19], [sflag:$0x5] =	stream.indirect.gather [hbm4b:s4+s9], $0x40, s5, s9, $0xb8;
	[tilespmem:$0x15000] =	vst v63  }
0xb3: {  	_ =	swait.ge [sflag:s20], $0x2000  }
0xb4: {  	[sflag:s20] =	ssyncset.done $0x0  }
0xb5: {  	s5 =	sadd.s32 $0x2C80, s7;
	[sflag:s20] =	ssyncadd.s32 $0xFFFFE000  }
0xb6: {  	[hbm4b:s2+s9] =	stream.indirect.scatter [tilespmem:s10], [sflag:$0xA], $0x40, s5, s9, $0xb8;
	[tilespmem:$0x15000] =	vst v63  }
0xb7: {  	_ =	swait.ge [sflag:s31], $0x2000  }
0xb8: {  	[sflag:s31] =	ssyncset.done $0x0  }
0xb9: {  	s5 =	sadd.s32 $0x680, s7;
	[sflag:s31] =	ssyncadd.s32 $0xFFFFE000  }
0xba: {  	[tilespmem:s23], [sflag:$0x6] =	stream.indirect.gather [hbm4b:s4+s9], $0x40, s5, s9, $0xb8;
	[tilespmem:$0x15000] =	vst v63  }
0xbb: {  	_ =	swait.ge [sflag:s24], $0x2000  }
0xbc: {  	[sflag:s24] =	ssyncset.done $0x0  }
0xbd: {  	s5 =	sadd.s32 $0x2D00, s7;
	[sflag:s24] =	ssyncadd.s32 $0xFFFFE000  }
0xbe: {  	[hbm4b:s2+s9] =	stream.indirect.scatter [tilespmem:s13], [sflag:$0xB], $0x40, s5, s9, $0xb8;
	[tilespmem:$0x15000] =	vst v63  }
0xbf: {  	_ =	swait.ge [sflag:s14], $0x2000  }
0xc0: {  	[sflag:s14] =	ssyncset.done $0x0  }
0xc1: {  	s5 =	sadd.s32 $0x700, s7;
	[sflag:s14] =	ssyncadd.s32 $0xFFFFE000  }
0xc2: {  	[tilespmem:s28], [sflag:$0x7] =	stream.indirect.gather [hbm4b:s4+s9], $0x40, s5, s9, $0xb8;
	[tilespmem:$0x15000] =	vst v63  }
0xc3: {  	_ =	swait.ge [sflag:s29], $0x2000  }
0xc4: {  	[sflag:s29] =	ssyncset.done $0x0  }
0xc5: {  	s5 =	sadd.s32 $0x2D80, s7;
	[sflag:s29] =	ssyncadd.s32 $0xFFFFE000  }
0xc6: {  	[hbm4b:s2+s9] =	stream.indirect.scatter [tilespmem:s15], [sflag:$0xC], $0x40, s5, s9, $0xb8;
	[tilespmem:$0x15000] =	vst v63  }
0xc7: {  	_ =	swait.ge [sflag:s22], $0x2000  }
0xc8: {  	[sflag:s22] =	ssyncset.done $0x0  }
0xc9: {  	s5 =	sadd.s32 $0x780, s7;
	[sflag:s22] =	ssyncadd.s32 $0xFFFFE000  }
0xca: {  	[tilespmem:s1], [sflag:$0x8] =	stream.indirect.gather [hbm4b:s4+s9], $0x40, s5, s9, $0xb8;
	[tilespmem:$0x15000] =	vst v63  }
0xcb: {  	_ =	swait.ge [sflag:s0], $0x2000  }
0xcc: {  	[sflag:s0] =	ssyncset.done $0x0  }
0xcd: {  	s5 =	sadd.s32 $0x2E00, s7;
	[sflag:s0] =	ssyncadd.s32 $0xFFFFE000  }
0xce: {  	[hbm4b:s2+s9] =	stream.indirect.scatter [tilespmem:s19], [sflag:$0xD], $0x40, s5, s9, $0xb8;
	[tilespmem:$0x15000] =	vst v63  }
0xcf: {  	_ =	swait.ge [sflag:s12], $0x2000  }
0xd0: {  	[sflag:s12] =	ssyncset.done $0x0  }
0xd1: {  	s5 =	sadd.s32 $0x800, s7;
	[sflag:s12] =	ssyncadd.s32 $0xFFFFE000  }
0xd2: {  	[tilespmem:s8], [sflag:$0x1] =	stream.indirect.gather [hbm4b:s4+s9], $0x40, s5, s9, $0xb8;
	[tilespmem:$0x15000] =	vst v63  }
0xd3: {  	_ =	swait.ge [sflag:s17], $0x2000  }
0xd4: {  	[sflag:s17] =	ssyncset.done $0x0  }
0xd5: {  	s5 =	sadd.s32 $0x2E80, s7;
	[sflag:s17] =	ssyncadd.s32 $0xFFFFE000  }
0xd6: {  	[hbm4b:s2+s9] =	stream.indirect.scatter [tilespmem:s23], [sflag:$0xE], $0x40, s5, s9, $0xb8;
	[tilespmem:$0x15000] =	vst v63  }
0xd7: {  	_ =	swait.ge [sflag:s21], $0x2000  }
0xd8: {  	[sflag:s21] =	ssyncset.done $0x0  }
0xd9: {  	s5 =	sadd.s32 $0x880, s7;
	[sflag:s21] =	ssyncadd.s32 $0xFFFFE000  }
0xda: {  	[tilespmem:s10], [sflag:$0x2] =	stream.indirect.gather [hbm4b:s4+s9], $0x40, s5, s9, $0xb8;
	[tilespmem:$0x15000] =	vst v63  }
0xdb: {  	_ =	swait.ge [sflag:s25], $0x2000  }
0xdc: {  	[sflag:s25] =	ssyncset.done $0x0  }
0xdd: {  	s5 =	sadd.s32 $0x2F00, s7;
	[sflag:s25] =	ssyncadd.s32 $0xFFFFE000  }
0xde: {  	[hbm4b:s2+s9] =	stream.indirect.scatter [tilespmem:s28], [sflag:$0xF], $0x40, s5, s9, $0xb8;
	[tilespmem:$0x15000] =	vst v63  }
0xdf: {  	_ =	swait.ge [sflag:s30], $0x2000  }
0xe0: {  	[sflag:s30] =	ssyncset.done $0x0  }
0xe1: {  	s5 =	sadd.s32 $0x900, s7;
	[sflag:s30] =	ssyncadd.s32 $0xFFFFE000  }
0xe2: {  	[tilespmem:s13], [sflag:$0x3] =	stream.indirect.gather [hbm4b:s4+s9], $0x40, s5, s9, $0xb8;
	[tilespmem:$0x15000] =	vst v63  }
0xe3: {  	_ =	swait.ge [sflag:s3], $0x2000  }
0xe4: {  	[sflag:s3] =	ssyncset.done $0x0  }
.Ltmp2:
0xe5: {  	s5 =	sadd.s32 $0x2F80, s7;
	[sflag:s3] =	ssyncadd.s32 $0xFFFFE000;
	(pc) =	sbr.rel @p0 .LBB2_6-.Ltmp2, $4  }
0xe6: {  	[hbm4b:s2+s9] =	stream.indirect.scatter [tilespmem:s1], [sflag:$0x10], $0x40, s5, s9, $0xb8;
	[tilespmem:$0x15000] =	vst v63  }
0xe7: {  	_ =	swait.ge [sflag:s18], $0x2000  }
0xe8: {  	[sflag:s18] =	ssyncset.done $0x0  }
0xe9: {  	s5 =	sadd.s32 $0x980, s7;
	[sflag:s18] =	ssyncadd.s32 $0xFFFFE000  }
0xea: {  	[tilespmem:s15], [sflag:$0x4] =	stream.indirect.gather [hbm4b:s4+s9], $0x40, s5, s9, $0xb8;
	[tilespmem:$0x15000] =	vst v63  }
0xeb: {  	_ =	swait.ge [sflag:s16], $0x2000  }
0xec: {  	[sflag:s16] =	ssyncset.done $0x0  }
0xed: {  	s7 =	simm.s32 $0x4C00;
	[sflag:s16] =	ssyncadd.s32 $0xFFFFE000  }
0xee: {  	[hbm4b:s2+s9] =	stream.indirect.scatter [tilespmem:s8], [sflag:$0x9], $0x40, s7, s9, $0xb8;
	[tilespmem:$0x15000] =	vst v63  }
0xef: {  	_ =	swait.ge [sflag:s26], $0x2000  }
0xf0: {  	[sflag:s26] =	ssyncset.done $0x0  }
0xf1: {  	s8 =	simm.s32 $0x2600;
	[sflag:s26] =	ssyncadd.s32 $0xFFFFE000  }
0xf2: {  	[tilespmem:s19], [sflag:$0x5] =	stream.indirect.gather [hbm4b:s4+s9], $0x40, s8, s9, $0xb8;
	[tilespmem:$0x15000] =	vst v63  }
0xf3: {  	_ =	swait.ge [sflag:s20], $0x2000  }
0xf4: {  	[sflag:s20] =	ssyncset.done $0x0  }
0xf5: {  	s11 =	simm.s32 $0x4C80;
	[sflag:s20] =	ssyncadd.s32 $0xFFFFE000  }
0xf6: {  	[hbm4b:s2+s9] =	stream.indirect.scatter [tilespmem:s10], [sflag:$0xA], $0x40, s11, s9, $0xb8;
	[tilespmem:$0x15000] =	vst v63  }
0xf7: {  	_ =	swait.ge [sflag:s31], $0x2000  }
0xf8: {  	[sflag:s31] =	ssyncset.done $0x0  }
0xf9: {  	s6 =	simm.s32 $0x2680;
	[sflag:s31] =	ssyncadd.s32 $0xFFFFE000  }
0xfa: {  	[tilespmem:s23], [sflag:$0x6] =	stream.indirect.gather [hbm4b:s4+s9], $0x40, s6, s9, $0xb8;
	[tilespmem:$0x15000] =	vst v63  }
0xfb: {  	_ =	swait.ge [sflag:s24], $0x2000  }
0xfc: {  	[sflag:s24] =	ssyncset.done $0x0  }
0xfd: {  	s7 =	simm.s32 $0x4D00;
	[sflag:s24] =	ssyncadd.s32 $0xFFFFE000  }
0xfe: {  	[hbm4b:s2+s9] =	stream.indirect.scatter [tilespmem:s13], [sflag:$0xB], $0x40, s7, s9, $0xb8;
	[tilespmem:$0x15000] =	vst v63  }
0xff: {  	_ =	swait.ge [sflag:s14], $0x2000  }
0x100: {  	[sflag:s14] =	ssyncset.done $0x0  }
0x101: {  	s8 =	simm.s32 $0x2700;
	[sflag:s14] =	ssyncadd.s32 $0xFFFFE000  }
0x102: {  	[tilespmem:s28], [sflag:$0x7] =	stream.indirect.gather [hbm4b:s4+s9], $0x40, s8, s9, $0xb8;
	[tilespmem:$0x15000] =	vst v63  }
0x103: {  	_ =	swait.ge [sflag:s29], $0x2000  }
0x104: {  	[sflag:s29] =	ssyncset.done $0x0  }
0x105: {  	s10 =	simm.s32 $0x4D80;
	[sflag:s29] =	ssyncadd.s32 $0xFFFFE000  }
0x106: {  	[hbm4b:s2+s9] =	stream.indirect.scatter [tilespmem:s15], [sflag:$0xC], $0x40, s10, s9, $0xb8;
	[tilespmem:$0x15000] =	vst v63  }
0x107: {  	_ =	swait.ge [sflag:s22], $0x2000  }
0x108: {  	[sflag:s22] =	ssyncset.done $0x0  }
0x109: {  	s11 =	simm.s32 $0x2780;
	[sflag:s22] =	ssyncadd.s32 $0xFFFFE000  }
0x10a: {  	[tilespmem:s1], [sflag:$0x8] =	stream.indirect.gather [hbm4b:s4+s9], $0x40, s11, s9, $0xb8;
	[tilespmem:$0x15000] =	vst v63  }
0x10b: {  	_ =	swait.ge [sflag:s0], $0x2000  }
0x10c: {  	[sflag:s0] =	ssyncset.done $0x0  }
0x10d: {  	s6 =	simm.s32 $0x4E00;
	[sflag:s0] =	ssyncadd.s32 $0xFFFFE000  }
0x10e: {  	[hbm4b:s2+s9] =	stream.indirect.scatter [tilespmem:s19], [sflag:$0xD], $0x40, s6, s9, $0xb8;
	[tilespmem:$0x15000] =	vst v63  }
0x10f: {  	_ =	swait.ge [sflag:s17], $0x2000  }
0x110: {  	[sflag:s17] =	ssyncset.done $0x0  }
0x111: {  	s7 =	simm.s32 $0x4E80;
	[sflag:s17] =	ssyncadd.s32 $0xFFFFE000  }
0x112: {  	[hbm4b:s2+s9] =	stream.indirect.scatter [tilespmem:s23], [sflag:$0xE], $0x40, s7, s9, $0xb8;
	[tilespmem:$0x15000] =	vst v63  }
0x113: {  	_ =	swait.ge [sflag:s25], $0x2000  }
0x114: {  	[sflag:s25] =	ssyncset.done $0x0  }
0x115: {  	s8 =	simm.s32 $0x4F00;
	[sflag:s25] =	ssyncadd.s32 $0xFFFFE000  }
0x116: {  	[hbm4b:s2+s9] =	stream.indirect.scatter [tilespmem:s28], [sflag:$0xF], $0x40, s8, s9, $0xb8;
	[tilespmem:$0x15000] =	vst v63  }
0x117: {  	_ =	swait.ge [sflag:s3], $0x2000  }
0x118: {  	[sflag:s3] =	ssyncset.done $0x0  }
0x119: {  	s10 =	simm.s32 $0x4F80;
	[sflag:s3] =	ssyncadd.s32 $0xFFFFE000  }
0x11a: {  	[hbm4b:s2+s9] =	stream.indirect.scatter [tilespmem:s1], [sflag:$0x10], $0x40, s10, s9, $0xb8;
	[tilespmem:$0x15000] =	vst v63  }
0x11b: {  	_ =	swait.ge [sflag:s12], $0x2000  }
0x11c: {  	[sflag:s12] =	ssyncset.done $0x0  }
0x11d: {  	[sflag:s12] =	ssyncadd.s32 $0xFFFFE000  }
0x11e: {  	_ =	swait.ge [sflag:s21], $0x2000  }
0x11f: {  	[sflag:s21] =	ssyncset.done $0x0  }
0x120: {  	[sflag:s21] =	ssyncadd.s32 $0xFFFFE000  }
0x121: {  	_ =	swait.ge [sflag:s30], $0x2000  }
0x122: {  	[sflag:s30] =	ssyncset.done $0x0  }
0x123: {  	[sflag:s30] =	ssyncadd.s32 $0xFFFFE000  }
0x124: {  	_ =	swait.ge [sflag:s18], $0x2000  }
0x125: {  	[sflag:s18] =	ssyncset.done $0x0  }
0x126: {  	[sflag:s18] =	ssyncadd.s32 $0xFFFFE000  }
0x127: {  	_ =	swait.ge [sflag:s26], $0x2000  }
0x128: {  	[sflag:s26] =	ssyncset.done $0x0  }
0x129: {  	[sflag:s26] =	ssyncadd.s32 $0xFFFFE000  }
0x12a: {  	_ =	swait.ge [sflag:s31], $0x2000  }
0x12b: {  	[sflag:s31] =	ssyncset.done $0x0  }
0x12c: {  	[sflag:s31] =	ssyncadd.s32 $0xFFFFE000  }
0x12d: {  	_ =	swait.ge [sflag:s14], $0x2000  }
0x12e: {  	[sflag:s14] =	ssyncset.done $0x0  }
0x12f: {  	[sflag:s14] =	ssyncadd.s32 $0xFFFFE000  }
0x130: {  	_ =	swait.ge [sflag:s22], $0x2000  }
0x131: {  	s6 =	rddreg [dreg:$0x6]  }
0x132: {  	s11 =	rddreg [dreg:$0x4];
	s6 =	sadd.s32 $0x1, s6  }
0x133: {  	p0 =	sne.s32 s6, s11  }
.Ltmp3:
0x134: {  	_ = 	snop;
	(pc) =	sbr.rel @p0 .LBB2_1-.Ltmp3, $3  }
0x135: {  	_ =	sdelay $0x1  }
0x136: {  	[sflag:s22] =	ssyncset.done $0x0  }
0x137: {  	[sflag:s22] =	ssyncadd.s32 $0xFFFFE000  }
0x138: {  	_ =	sfence.sel $0x180000  }
0x139: {  	[bflag:$0x0] =	sbarrier.arrive $0xFFFF  }
0x13a: {  	_ =	strace $0x90000047  }
0x13b: {  	s0 =	stileid.u32;
	[bflag:$0x2] =	sbarrier.arrive $0xFFFF  }
0x13c: {  	p0 =	sne.s32 s0, $0x0;
	s0 =	rddreg [dreg:$0x2]  }
0x13d: {  	s0 =	sadd.s32 @!p0 $0x100000, s0  }
0x13e: {  	[sflag:s0] =	ssyncadd.tile.s32 @!p0 $0x1;
	_ =	shalt  }
.Lfunc_end2:
_tile_overlayer_lowered:
.L_overlay_start_2:
0x13f: {  	(tag) =	ssettag $0x2  }
0x140: {  	s0 =	rddreg [dreg:$0x0];
	s2 =	stileid.u32  }
0x141: {  	s1 =	rddreg [dreg:$0x1];
	p0 =	sne.s32 s2, $0x0  }
0x142: {  	s3 =	rddreg [dreg:$0x2];
	[bflag:$0x3] =	sbarrier.arrive $0xFFFF;
	s2 =	simm.s32 @!p0 $0x1C11  }
0x143: {  	[timem:s3], [sflag:s2] =	dma.local @!p0 [hbm:s0], s1  }
0x144: {  	s0 =	simm.s32 @!p0 $0x11  }
0x145: {  	_ =	swait.ge @!p0 [sflag:s0], s1  }
0x146: {  	s1 =	ssub.s32 @!p0 $0x0, s1;
	[sflag:s0] =	ssyncset.done @!p0 $0x0  }
0x147: {  	[sflag:s0] =	ssyncadd.s32 @!p0 s1  }
0x148: {  	[bflag:$0x3] =	sbarrier.arrive $0xFFFF  }
0x149: {  	_ =	shalt  }

// kernel: sparse-core-data-format-call.cloned.1.call-start
scs
called_computation_lowered:
.L_overlay_start_0:
0x0: {  	s2 =	sld [smem:$0x3FD9]  }
0x1: {  	s3 =	sld [smem:$0x3FFE];
	_ =	sdelay $0x1  }
0x2: {  	s1 =	srdreg.scid  }
0x3: {  	s0 =	sand.u32 $0x1, s1  }
0x4: {  	s18 =	sshll.u32 s0, $0xA;
	s2 =	sadd.s32 s3, s2  }
0x5: {  	s2 =	sadd.s32 s2, s18  }
0x6: {  	[smem:$0x3FC6] =	sst s2  }
0x7: {  	_ = 	snop  }
0x8: {  	s2 =	sld [smem:$0x3FD0];
	(tm) =	ssettm $0x1  }
0x9: {  	s19 =	sld [smem:$0x3FFB];
	_ =	sdelay $0x3  }
0xa: {  	_ =	strace s19  }
0xb: {  	s3 =	sld [smem:$0x3FFC];
	_ =	sdelay $0x3  }
0xc: {  	_ =	strace s3  }
0xd: {  	s3 =	sld [smem:$0x3FFD];
	_ =	sdelay $0x3  }
0xe: {  	_ =	strace s3  }
0xf: {  	_ =	strace $0x8FFFFFFF  }
0x10: {  	s20 =	sld [smem:$0x3FDB];
	_ =	sdelay $0x1  }
0x11: {  	s4 =	simm.s32 $_scs_section_size  }
0x12: {  	s5 =	simm.s32 $_size__tile_overlayer_lowered;
	s6 =	simm.s32 $_tile_overlayer_lowered  }
0x13: {  	s23 =	simm.s32 $0x1BFF;
	s22 =	sshll.u32 s6, $0x1;
	s3 =	sadd.s32 s4, s20  }
0x14: {  	s7 =	simm.s32 $0x0;
	s21 =	sshll.u32 s5, $0x1;
	s5 =	sadd.s32 s22, s3  }
0x15: {  	[timem:s7], [sflag:s23] =	dma.local [hbm:s5], s21  }
0x16: {  	_ =	swait.ge [sflag:s23], s21  }
0x17: {  	s4 =	ssub.s32 $0x0, s21;
	[sflag:s23] =	ssyncset.done $0x0  }
0x18: {  	[sflag:s23] =	ssyncadd.s32 s4;
	_ =	sdelay $0x1  }
0x19: {  	s24 =	simm.s32 $0x1B8B  }
0x1a: {  	_ =	swait.ge [sflag:s24], $0x1  }
0x1b: {  	[sflag:s24] =	ssyncset.done $0x0  }
0x1c: {  	s26 =	simm.s32 $0x1B8E;
	s25 =	sld [smem:$0x3FFE];
	[sflag:s24] =	ssyncadd.s32 $0xFFFFFFFF  }
0x1d: {  	s27 =	simm.s32 $execute0_lowered;
	[smem:$0x3FD2] =	sst s26  }
0x1e: {  	s5 =	sshll.u32 s27, $0x1;
	_ =	strace $0x80000049;
	[dreg:$0x1] =	wrdreg $0xFFFFFFFF  }
0x1f: {  	s28 =	simm.s32 $_size_execute0_lowered;
	s3 =	sadd.s32 s3, s5;
	[dreg:$0x0] =	wrdreg $0x0  }
0x20: {  	s5 =	sshll.u32 s28, $0x1;
	[dreg:$0x2] =	wrdreg s3  }
0x21: {  	[dreg:$0x3] =	wrdreg s5  }
0x22: {  	[dreg:$0x4] =	wrdreg $0xC0  }
0x23: {  	_ =	task [dreg:s7], $0x5FFFF  }
0x24: {  	[dreg:$0x1] =	wrdreg $0xFFFFFFFF  }
0x25: {  	[dreg:$0x0] =	wrdreg $0x60  }
0x26: {  	[dreg:$0x2] =	wrdreg s25  }
0x27: {  	[dreg:$0x3] =	wrdreg s2  }
0x28: {  	[dreg:$0x4] =	wrdreg $0x9  }
0x29: {  	_ =	task.clear_ibuf [dreg:s7], $0x5FFFF;
	_ =	strace $0x90000049  }
0x2a: {  	s29 =	simm.s32 $0x9;
	_ =	strace $0x8000004B  }
0x2b: {  	_ =	swait.ge [sflag:s29], $0x1  }
0x2c: {  	[sflag:s29] =	ssyncadd.s32 $0xFFFFFFFF  }
0x2d: {  	_ =	strace $0x9000004B  }
0x2e: {  	_ =	sfence  }
0x2f: {  	s30 =	sld [smem:$0x0];
	_ =	sdelay $0x2  }
0x30: {  	s31 =	sshll.u32 s1, $0xD;
	s1 =	sshrl.u32 s1, $0x2  }
0x31: {  	s3 =	sand.u32 $0x4000, s31;
	s1 =	sadd.s32 s1, s30  }
0x32: {  	s0 =	sor.u32 s3, s0;
	s1 =	sshll.u32 s1, $0x11  }
0x33: {  	s0 =	sor.u32 s1, s0  }
0x34: {  	s0 =	sadd.s32 $0x8F2B, s0  }
0x35: {  	[sflag:s0] =	ssyncadd.remote.s32 $0x1  }
0x36: {  	_ =	sfence.sel $0xFFFF  }
0x37: {  	[dreg:$0x0] =	wrdreg $0xFFFFFFFF;
	(pc) =	sbr.abs _section_cstart, $3  }
0x38: {  	[dreg:$0x1] =	wrdreg $0xFFFFFFFF  }
0x39: {  	_ =	task.clear_ibuf [dreg:s7], $0x2FFFF;
	_ =	strace $0x9FFFFFFF  }
0x3a: {  	(tm) =	ssettm $0x7FFFFFFF  }
0x3b: {  	_ =	shalt  }
tec
execute0_lowered:
.L_overlay_start_1:
0x0: {  	(tag) =	ssettag $0x1  }
0x1: {  	s0 =	srdreg.scid  }
0x2: {  	s1 =	sshll.u32 s0, $0x4  }
0x3: {  	s0 =	stileid.u32;
	s1 =	sand.u32 $0x10, s1  }
0x4: {  	s1 =	sor.u32 s0, s1  }
0x5: {  	s6 =	rddreg [dreg:$0x0];
	s4 =	simm.s32 $0x1;
	s2 =	sshll.u32 s1, $0x7  }
0x6: {  	s7 =	simm.s32 $0x2;
	s12 =	simm.s32 $0x0;
	s1 =	ssub.s32 $0x4000, s2  }
0x7: {  	s8 =	simm.s32 $0x20000;
	s13 =	simm.s32 $0x0;
	s3 =	sand.u32 $0xF80, s1  }
0x8: {  	s9 =	simm.s32 $0x0;
	s5 =	sshrl.u32 s1, $0xC;
	p0 =	sne.s32 s3, $0x0  }
.Ltmp0:
0x9: {  	s1 =	rddreg [dreg:$0x2];
	s4 =	simm.s32 @!p0 $0x0;
	(pc) =	sbr.rel .LBB1_1-.Ltmp0, $4  }
0xa: {  	s11 =	simm.s32 $0x0;
	s3 =	rddreg [dreg:$0x1];
	s5 =	sadd.s32 s4, s5  }
0xb: {  	_ =	strace $0x8000004A;
	s4 =	simm.s32 $0x1;
	s5 =	smul.u32 $0x14, s5  }
0xc: {  	s6 =	sadd.s32 $0xA00, s6;
	s10 =	smov.u32 s2;
	[sflag:s4] =	ssyncpa.u1 $0x0  }
0xd: {  	p0 =	por $0x0, $0x0;
	[sflag:s7] =	ssyncpa.u1 $0x0;
	s7 =	sor.u32 $0x1, s5  }
.LBB1_4:
0xe: {  	s16 =	sshll.u32 s13, $0x3;
	s17 =	sand.u32 $0x78, s13  }
0xf: {  	s30 =	sand.u32 $0x1F800, s13;
	s12 =	sshll.u32 s12, $0x11;
	s16 =	sand.u32 $0x3C00, s16  }
0x10: {  	[tilespmem:s15+$0x810 ss:$0x81] =	vst.msk $0xffff, v2;
	s31 =	sand.u32 $0x7, s13;
	s16 =	sor.u32 s17, s16;
	s17 =	sadd.s32 s3, s30  }
0x11: {  	[tilespmem:s15+$0x1020 ss:$0x81] =	vst.msk $0xffff, v0;
	s13 =	sshll.u32 s31, $0x12;
	s12 =	sadd.s32 s12, s17;
	s16 =	sshrl.u32 s16, $0x3  }
0x12: {  	[tilespmem:s15+$0x0 ss:$0x81] =	vst.msk $0xffff, v1;
	s13 =	sor.u32 $0x400, s13;
	s12 =	sadd.s32 s16, s12  }
0x13: {  	[hbm4b:s12+s13] =	stream.strided.scatter [tilespmem:s14], [sflag:$0x2], $0x2000, s8, s13, $0x20;
	[tilespmem:$0x8080] =	vst v63  }
.LBB1_5:
0x14: {  	s14 =	sadd.s32 $0x1, s9  }
0x15: {  	s12 =	sadd.s32 $0x1000, s10;
	s16 =	smov.u32 s10;
	p2 =	sgt.s32 s14, $0x13  }
0x16: {  	s16 =	smov.u32 @p2 s12  }
0x17: {  	s14 =	simm.s32 @p2 $0x0;
	p2 =	sgt.s32 s16, $0x3FFF  }
0x18: {  	s16 =	smov.u32 @p2 s2;
	p2 =	sne.s32 s11, s7  }
.Ltmp1:
0x19: {  	p1 =	slt.u32 s11, $0x2;
	(pc) =	sbr.rel @!p2 .LBB1_6-.Ltmp1, $4  }
0x1a: {  	s15 =	simm.s32 @!p1 $0x2  }
0x1b: {  	s13 =	smov.u32 s10;
	p0 =	por !p0, !p0;
	_ =	swait.ge @!p1 [sflag:s15], $0x2000  }
0x1c: {  	s12 =	smov.u32 s9;
	[sflag:s15] =	ssyncset.done @!p1 $0x0;
	s9 =	smov.u32 s14  }
0x1d: {  	s11 =	sadd.s32 $0x1, s11;
	[sflag:s15] =	ssyncadd.s32 @!p1 $0xFFFFE000;
	s10 =	smov.u32 s16  }
.LBB1_1:
0x1e: {  	p1 =	sge.u32 s11, s5  }
0x1f: {  	s14 =	sand.u32 @!p1 $0x1FFFFFF, s9  }
0x20: {  	s15 =	smulhi.u32 @!p1 $0xAAAAAAB, s14;
	_ =	sdelay $0x1  }
0x21: {  	s15 =	smul.u32 @!p1 $0x18, s15  }
0x22: {  	s16 =	sxor.u32 @!p1 $0xFFFFFFFF, s11;
	s17 =	smul.u32 @!p1 $0x180, s10  }
0x23: {  	s31 =	sadd.s32 $0xFFFFFFFF, s11;
	s16 =	sshll.u32 @!p1 s16, $0xD;
	s14 =	ssub.s32 @!p1 s14, s15  }
0x24: {  	s15 =	sand.u32 @!p1 $0x2000, s16;
	s16 =	sadd.s32 @!p1 s6, s17;
	s14 =	sshll.u32 @!p1 s14, $0x4  }
0x25: {  	s17 =	simm.s32 @!p1 $0xC00;
	s14 =	sadd.s32 @!p1 s14, s16;
	s16 =	simm.s32 @!p1 $0x40  }
0x26: {  	[tilespmem:s15], [sflag:$0x1] =	stream.strided.gather @!p1 [hbm4b:s14+s16], $0x2000, s17, s16, $0x38;
	[tilespmem:$0x8080] =	vst v63  }
0x27: {  	p1 =	sge.u32 s31, s5  }
.Ltmp2:
0x28: {  	_ = 	snop;
	(pc) =	sbr.rel @p1 .LBB1_5-.Ltmp2, $1  }
0x29: {  	_ =	sdelay $0x3  }
0x2a: {  	s14 =	simm.s32 $0x1  }
0x2b: {  	_ =	swait.ge [sflag:s4], $0x2000;
	s14 =	simm.s32 @!p0 $0x0  }
0x2c: {  	[sflag:s4] =	ssyncset.done $0x0;
	s15 =	sshll.u32 s14, $0xD  }
0x2d: {  	[sflag:s4] =	ssyncadd.s32 $0xFFFFE000;
	s18 =	sor.u32 $0x20, s15  }
0x2e: {  	s14 =	smul.u32 $0x8100, s14;
	v3 =	vld [tilespmem:s18+$0x10]  }
0x2f: {  	s30 =	sand.u32 $0x1, s11;
	v2 =	vld [tilespmem:s18+$0xFFFFFFF0]  }
0x30: {  	s15 =	smul.u32 $0x8100, s30;
	s14 =	sshrl.u32 s14, $0x2;
	v0 =	vld [tilespmem:s18+$0x0]  }
0x31: {  	v1 =	vld [tilespmem:s18+$0xFFFFFFE0];
	s16 =	sor.u32 $0x4000, s14  }
0x32: {  	s31 =	sshrl.u32 s15, $0x2;
	s15 =	sadd.s32 $0x0, s16  }
0x33: {  	s17 =	simm.s32 $0x4;
	s18 =	sadd.s32 $0x40, s18;
	s14 =	sor.u32 $0x4000, s31;
	[tilespmem:s15+$0x1830 ss:$0x81] =	vst.msk $0xffff, v3  }
.LBB1_3:
0x34: {  	v3 =	vld [tilespmem:s18+$0x10];
	p1 =	sne.s32 s17, $0x1FC;
	[tilespmem:s15+$0x810 ss:$0x81] =	vst.msk $0xffff, v2;
	s19 =	smov.u32 s17;
	s17 =	sadd.s32 $0x4, s17  }
.Ltmp3:
0x35: {  	v2 =	vld [tilespmem:s18+$0xFFFFFFF0];
	[tilespmem:s15+$0x1020 ss:$0x81] =	vst.msk $0xffff, v0;
	(pc) =	sbr.rel @p1 .LBB1_3-.Ltmp3, $4  }
0x36: {  	v0 =	vld [tilespmem:s18+$0x0];
	[tilespmem:s15+$0x0 ss:$0x81] =	vst.msk $0xffff, v1  }
0x37: {  	s15 =	sshra.s32 s19, $0x2;
	v1 =	vld [tilespmem:s18+$0xFFFFFFE0]  }
0x38: {  	s15 =	sadd.s32 s15, s16  }
0x39: {  	s18 =	sadd.s32 $0x40, s18;
	[tilespmem:s15+$0x1830 ss:$0x81] =	vst.msk $0xffff, v3  }
.Ltmp4:
0x3a: {  	_ = 	snop;
	(pc) =	sbr.rel .LBB1_4-.Ltmp4, $1  }
0x3b: {  	_ =	sdelay $0x3  }
.LBB1_6:
0x3c: {  	_ =	sfence.sel $0x180000  }
0x3d: {  	s2 =	simm.s32 $0x1;
	[bflag:$0x0] =	sbarrier.arrive $0xFFFF  }
0x3e: {  	s31 =	simm.s32 $0x2;
	[sflag:s2] =	ssyncpa.u1 $0x1  }
0x3f: {  	[sflag:s31] =	ssyncpa.u1 $0x1  }
0x40: {  	p0 =	sne.s32 s0, $0x0;
	_ =	strace $0x9000004A  }
0x41: {  	s0 =	sadd.s32 @!p0 $0x100000, s1;
	[bflag:$0x2] =	sbarrier.arrive $0xFFFF  }
0x42: {  	[sflag:s0] =	ssyncadd.tile.s32 @!p0 $0x1;
	_ =	shalt  }
.Lfunc_end1:
_tile_overlayer_lowered:
.L_overlay_start_2:
0x43: {  	(tag) =	ssettag $0x2  }
0x44: {  	s0 =	rddreg [dreg:$0x0];
	s2 =	stileid.u32  }
0x45: {  	s1 =	rddreg [dreg:$0x1];
	p0 =	sne.s32 s2, $0x0  }
0x46: {  	s3 =	rddreg [dreg:$0x2];
	[bflag:$0x3] =	sbarrier.arrive $0xFFFF;
	s2 =	simm.s32 @!p0 $0x1C01  }
0x47: {  	[timem:s3], [sflag:s2] =	dma.local @!p0 [hbm:s0], s1  }
0x48: {  	s0 =	simm.s32 @!p0 $0x1  }
0x49: {  	_ =	swait.ge @!p0 [sflag:s0], s1  }
0x4a: {  	s1 =	ssub.s32 @!p0 $0x0, s1;
	[sflag:s0] =	ssyncset.done @!p0 $0x0  }
0x4b: {  	[sflag:s0] =	ssyncadd.s32 @!p0 s1  }
0x4c: {  	[bflag:$0x3] =	sbarrier.arrive $0xFFFF  }
0x4d: {  	_ =	shalt  }

</sc_bundles>
